<compile_context>
chip_gen: v7x
topology: tpu7x:2x2x1
jax: 0.10.2.dev20260603
libtpu: 0.0.44.dev20260713+nightly
codegen_flags: <defaults>
</compile_context>

<pallas_src>
import jax
import jax.numpy as jnp
from jax import lax
from jax.experimental import pallas as pl
from jax.experimental.pallas import tpu as pltpu
from jax.experimental.pallas import tpu_sc as plsc

_DIM = 64
_PADW = 128
_B = 16384
_L = 20
_EPS = 1e-5

_NWORKERS = 32
_XROWS_PER_W = _B // _NWORKERS
_NX = 16
_CHUNK = _NX * _L
_NCHUNKS = _XROWS_PER_W // _NX
_UNROLL = 8


def _rsqrt16(v):
    vi = plsc.bitcast(v, jnp.int32)
    yi = jnp.int32(0x5F3759DF) - lax.shift_right_arithmetic(vi, jnp.int32(1))
    y = plsc.bitcast(yi, jnp.float32)
    half_v = v * 0.5
    y = y * (1.5 - half_v * y * y)
    return y * (1.5 - half_v * y * y)


def _sc_body(x_hbm, table_hbm, gamma_hbm, beta_hbm, out_hbm,
             idx2, rb, ob, gamma_v, beta_v, sem_i, sem_g, sem_o):
    cid = lax.axis_index("c")
    sid = lax.axis_index("s")
    wid = sid * 2 + cid

    pltpu.sync_copy(gamma_hbm, gamma_v)
    pltpu.sync_copy(beta_hbm, beta_v)
    base_xr = wid * _XROWS_PER_W
    base_row = base_xr * _L

    gs = [gamma_v[pl.ds(k * 16, 16)] for k in range(4)]
    bs = [beta_v[pl.ds(k * 16, 16)] for k in range(4)]
    last = jnp.full((16,), 15, jnp.int32)

    def idx_desc(ci):
        return pltpu.make_async_copy(
            x_hbm.at[pl.ds(base_xr + ci * _NX, _NX)],
            idx2.at[lax.rem(ci, 2)],
            sem_i,
        )

    def gather_descs(ci):
        slot = lax.rem(ci, 2)
        return [
            pltpu.make_async_copy(
                table_hbm.at[idx2.at[slot, r]],
                rb.at[slot, pl.ds(r * _L, _L)],
                sem_g,
            )
            for r in range(_NX)
        ]

    def out_desc(ci):
        return pltpu.make_async_copy(
            ob.at[lax.rem(ci, 2)],
            out_hbm.at[pl.ds(base_row + ci * _CHUNK, _CHUNK)],
            sem_o,
        )

    idx_desc(0).start()
    idx_desc(0).wait()
    for d in gather_descs(0):
        d.start()
    idx_desc(1).start()

    def chunk_body(ci, carry):
        @pl.when(ci + 1 < _NCHUNKS)
        def _():
            idx_desc(ci + 1).wait()
            for d in gather_descs(ci + 1):
                d.start()

        @pl.when(ci + 2 < _NCHUNKS)
        def _():
            idx_desc(ci + 2).start()

        for d in gather_descs(ci):
            d.wait()

        @pl.when(ci >= 2)
        def _():
            out_desc(ci - 2).wait()

        slot = lax.rem(ci, 2)
        buf = rb.at[slot]
        obuf = ob.at[slot]

        def rows_body(it, c2):
            for u in range(_UNROLL):
                row = it * _UNROLL + u
                v = [buf[row, pl.ds(k * 16, 16)] for k in range(4)]
                s = (v[0] + v[1]) + (v[2] + v[3])
                q = ((v[0] * v[0] + v[1] * v[1])
                     + (v[2] * v[2] + v[3] * v[3]))
                tot = plsc.cumsum(s).at[last].get(mode="promise_in_bounds")
                totq = plsc.cumsum(q).at[last].get(mode="promise_in_bounds")
                mean = tot * (1.0 / _DIM)
                var = totq * (1.0 / _DIM) - mean * mean
                inv = _rsqrt16(var + _EPS)
                shift = -mean * inv
                for k in range(4):
                    obuf[row, pl.ds(k * 16, 16)] = (
                        (v[k] * inv + shift) * gs[k] + bs[k])
            return c2

        lax.fori_loop(0, _CHUNK // _UNROLL, rows_body, 0)

        out_desc(ci).start()
        return carry

    lax.fori_loop(0, _NCHUNKS, chunk_body, 0)
    out_desc(_NCHUNKS - 2).wait()
    out_desc(_NCHUNKS - 1).wait()


@jax.jit
def kernel(x, table, gamma, beta):
    xp = x.astype(jnp.int32)
    tp = jnp.pad(table, ((0, 0), (0, _PADW - _DIM)))
    mesh = plsc.VectorSubcoreMesh(core_axis_name="c", subcore_axis_name="s")
    out = pl.kernel(
        _sc_body,
        out_type=jax.ShapeDtypeStruct((_B * _L, _DIM), jnp.float32),
        mesh=mesh,
        compiler_params=pltpu.CompilerParams(
            needs_layout_passes=False, use_tc_tiling_on_sc=False),
        scratch_types=[
            pltpu.VMEM((2, _NX, _L), jnp.int32),
            pltpu.VMEM((2, _CHUNK, _PADW), jnp.float32),
            pltpu.VMEM((2, _CHUNK, _DIM), jnp.float32),
            pltpu.VMEM((_DIM,), jnp.float32),
            pltpu.VMEM((_DIM,), jnp.float32),
            pltpu.SemaphoreType.DMA,
            pltpu.SemaphoreType.DMA,
            pltpu.SemaphoreType.DMA,
        ],
    )(xp, tp, gamma, beta)
    return out.reshape(_B, _L, _DIM)

# --- scband reference (transcript-rebuilt; emitter-appended) ---
"""Pipeline reference for scband-protein-embedding-layer-15942918603351 (READ-ONLY COPY).

The authoritative reference and input builder live on the scoring server;
editing this copy changes nothing except your own understanding.
"""

import jax, jax.numpy as jnp
import numpy as np

VOCAB = 1000000
DIM = 64
B = 16384
L = 20
EPS = 1e-5


def setup_inputs(seed: int = 0) -> dict:
    key = jax.random.key(seed)
    k1, k2 = jax.random.split(key, 2)
    x = jax.random.randint(k1, (B, L), 0, VOCAB)
    table = jax.random.normal(k2, (VOCAB, DIM), dtype=jnp.float32)
    # padding_idx=0 -> nn.Embedding zeros that row at init
    table = table.at[0].set(0.0)
    gamma = jnp.ones((DIM,), dtype=jnp.float32)
    beta = jnp.zeros((DIM,), dtype=jnp.float32)
    return {"x": x, "table": table, "gamma": gamma, "beta": beta}


def reference(x, table, gamma, beta):
    # embedding lookup (gather)
    emb = jnp.take(table, x, axis=0)  # [B, L, DIM]
    # LayerNorm over last dim (eps=1e-5, elementwise affine)
    mean = jnp.mean(emb, axis=-1, keepdims=True)
    var = jnp.var(emb, axis=-1, keepdims=True)
    normed = (emb - mean) / jnp.sqrt(var + EPS)
    return normed * gamma + beta

if __name__ == "__main__":
    import jax
    _d = setup_inputs()
    print(jax.jit(kernel)(*tuple(_d.values())))

</pallas_src>

<mosaic_0001>
#map = affine_map<(d0, d1) -> (0, 0)>
#map1 = affine_map<(d0, d1) -> (0)>
module attributes {stable_mosaic.version = 14 : i64} {
  func.func @_sc_body(%arg0: i32, %arg1: i32, %arg2: memref<16384x20xi32, #tpu.memory_space<hbm>>, %arg3: memref<1000000x128xf32, #tpu.memory_space<hbm>>, %arg4: memref<64xf32, #tpu.memory_space<hbm>>, %arg5: memref<64xf32, #tpu.memory_space<hbm>>, %arg6: memref<327680x64xf32, #tpu.memory_space<hbm>>, %arg7: memref<2x16x20xi32, #tpu.memory_space<vmem>>, %arg8: memref<2x320x128xf32, #tpu.memory_space<vmem>>, %arg9: memref<2x320x64xf32, #tpu.memory_space<vmem>>, %arg10: memref<64xf32, #tpu.memory_space<vmem>>, %arg11: memref<64xf32, #tpu.memory_space<vmem>>, %arg12: memref<!tpu.dma_semaphore, #tpu.memory_space<semaphore_mem>>, %arg13: memref<!tpu.dma_semaphore, #tpu.memory_space<semaphore_mem>>, %arg14: memref<!tpu.dma_semaphore, #tpu.memory_space<semaphore_mem>>) attributes {dimension_semantics = [#tpu.dimension_semantics<core_parallel>, #tpu.dimension_semantics<subcore_parallel>], iteration_bounds = array<i64: 2, 16>, scalar_prefetch = 0 : i64, scratch_operands = 8 : i64, tpu.core_type = #tpu.core_type<sc_vector_subcore>, window_params = [{transform_indices = #map}, {transform_indices = #map}, {transform_indices = #map1}, {transform_indices = #map1}, {transform_indices = #map}]} {
    %mul3A = arith.constant 2 : i32
    %mul3A_0 = arith.muli %arg1, %mul3A : i32
    %add3A = arith.addi %mul3A_0, %arg0 : i32
    "tpu.region"() ({
      %run_scoped3A = tpu.sem_alloc : memref<!tpu.dma_semaphore, #tpu.memory_space<semaphore_mem>>
      tpu.enqueue_dma source(%arg4 : memref<64xf32, #tpu.memory_space<hbm>>) target(%arg10 : memref<64xf32, #tpu.memory_space<vmem>>) target_semaphore(%run_scoped3A : memref<!tpu.dma_semaphore, #tpu.memory_space<semaphore_mem>>)
      tpu.wait_dma2 semaphore(%run_scoped3A : memref<!tpu.dma_semaphore, #tpu.memory_space<semaphore_mem>>) src(%arg4 : memref<64xf32, #tpu.memory_space<hbm>>) dst(%arg10 : memref<64xf32, #tpu.memory_space<vmem>>)
      tpu.yield
    }) : () -> ()
    "tpu.region"() ({
      %run_scoped3A = tpu.sem_alloc : memref<!tpu.dma_semaphore, #tpu.memory_space<semaphore_mem>>
      tpu.enqueue_dma source(%arg5 : memref<64xf32, #tpu.memory_space<hbm>>) target(%arg11 : memref<64xf32, #tpu.memory_space<vmem>>) target_semaphore(%run_scoped3A : memref<!tpu.dma_semaphore, #tpu.memory_space<semaphore_mem>>)
      tpu.wait_dma2 semaphore(%run_scoped3A : memref<!tpu.dma_semaphore, #tpu.memory_space<semaphore_mem>>) src(%arg5 : memref<64xf32, #tpu.memory_space<hbm>>) dst(%arg11 : memref<64xf32, #tpu.memory_space<vmem>>)
      tpu.yield
    }) : () -> ()
    %mul3A_1 = arith.constant 512 : i32
    %mul3A_2 = arith.muli %add3A, %mul3A_1 : i32
    %mul3A_3 = arith.constant 20 : i32
    %mul3A_4 = arith.muli %mul3A_2, %mul3A_3 : i32
    %get3A = arith.constant 0 : index
    %get3A_5 = tpu.vector_load %arg10[%get3A] {strides = array<i32>} : memref<64xf32, #tpu.memory_space<vmem>>, vector<16xf32>,
    %get3A_6 = arith.constant 16 : index
    %get3A_7 = tpu.vector_load %arg10[%get3A_6] {strides = array<i32>} : memref<64xf32, #tpu.memory_space<vmem>>, vector<16xf32>,
    %get3A_8 = arith.constant 32 : index
    %get3A_9 = tpu.vector_load %arg10[%get3A_8] {strides = array<i32>} : memref<64xf32, #tpu.memory_space<vmem>>, vector<16xf32>,
    %get3A_10 = arith.constant 48 : index
    %get3A_11 = tpu.vector_load %arg10[%get3A_10] {strides = array<i32>} : memref<64xf32, #tpu.memory_space<vmem>>, vector<16xf32>,
    %get3A_12 = arith.constant 0 : index
    %get3A_13 = tpu.vector_load %arg11[%get3A_12] {strides = array<i32>} : memref<64xf32, #tpu.memory_space<vmem>>, vector<16xf32>,
    %get3A_14 = arith.constant 16 : index
    %get3A_15 = tpu.vector_load %arg11[%get3A_14] {strides = array<i32>} : memref<64xf32, #tpu.memory_space<vmem>>, vector<16xf32>,
    %get3A_16 = arith.constant 32 : index
    %get3A_17 = tpu.vector_load %arg11[%get3A_16] {strides = array<i32>} : memref<64xf32, #tpu.memory_space<vmem>>, vector<16xf32>,
    %get3A_18 = arith.constant 48 : index
    %get3A_19 = tpu.vector_load %arg11[%get3A_18] {strides = array<i32>} : memref<64xf32, #tpu.memory_space<vmem>>, vector<16xf32>,
    %broadcast_in_dim3A = arith.constant 15 : i32
    %broadcast_in_dim3A_20 = vector.broadcast %broadcast_in_dim3A : i32 to vector<16xi32>
    %add3A_21 = arith.constant 0 : i32
    %add3A_22 = arith.addi %mul3A_2, %add3A_21 : i32
    %rem3A = arith.constant 0 : i32
    %rem3A_23 = arith.constant 2 : i32
    %rem3A_24 = arith.remsi %rem3A, %rem3A_23 : i32
    %dma_start3A = arith.constant 0 : i32
    %dma_start3A_25 = arith.constant 0 : i32
    %dma_start3A_26 = tpu.memref_slice %arg7[%rem3A_24, %dma_start3A, %dma_start3A_25] : memref<2x16x20xi32, #tpu.memory_space<vmem>> -> memref<1x16x20xi32, #tpu.memory_space<vmem>>
    %dma_start3A_27 = tpu.memref_squeeze %dma_start3A_26 : memref<1x16x20xi32, #tpu.memory_space<vmem>> -> memref<16x20xi32, #tpu.memory_space<vmem>>
    %dma_start3A_28 = arith.constant 0 : i32
    %dma_start3A_29 = tpu.memref_slice %arg2[%add3A_22, %dma_start3A_28] : memref<16384x20xi32, #tpu.memory_space<hbm>> -> memref<16x20xi32, #tpu.memory_space<hbm>>
    %dma_start3A_30 = arith.constant 0 : i32
    %dma_start3A_31 = arith.constant 0 : i32
    %dma_start3A_32 = tpu.memref_slice %arg7[%rem3A_24, %dma_start3A_30, %dma_start3A_31] : memref<2x16x20xi32, #tpu.memory_space<vmem>> -> memref<1x16x20xi32, #tpu.memory_space<vmem>>
    %dma_start3A_33 = tpu.memref_squeeze %dma_start3A_32 : memref<1x16x20xi32, #tpu.memory_space<vmem>> -> memref<16x20xi32, #tpu.memory_space<vmem>>
    %dma_start3A_34 = arith.constant 0 : i32
    %dma_start3A_35 = tpu.memref_slice %arg2[%add3A_22, %dma_start3A_34] : memref<16384x20xi32, #tpu.memory_space<hbm>> -> memref<16x20xi32, #tpu.memory_space<hbm>>
    tpu.enqueue_dma source(%dma_start3A_35 : memref<16x20xi32, #tpu.memory_space<hbm>>) target(%dma_start3A_33 : memref<16x20xi32, #tpu.memory_space<vmem>>) target_semaphore(%arg12 : memref<!tpu.dma_semaphore, #tpu.memory_space<semaphore_mem>>)
    %add3A_36 = arith.constant 0 : i32
    %add3A_37 = arith.addi %mul3A_2, %add3A_36 : i32
    %rem3A_38 = arith.constant 0 : i32
    %rem3A_39 = arith.constant 2 : i32
    %rem3A_40 = arith.remsi %rem3A_38, %rem3A_39 : i32
    %dma_wait3A = arith.constant 0 : i32
    %dma_wait3A_41 = arith.constant 0 : i32
    %dma_wait3A_42 = tpu.memref_slice %arg7[%rem3A_40, %dma_wait3A, %dma_wait3A_41] : memref<2x16x20xi32, #tpu.memory_space<vmem>> -> memref<1x16x20xi32, #tpu.memory_space<vmem>>
    %dma_wait3A_43 = tpu.memref_squeeze %dma_wait3A_42 : memref<1x16x20xi32, #tpu.memory_space<vmem>> -> memref<16x20xi32, #tpu.memory_space<vmem>>
    %dma_wait3A_44 = arith.constant 0 : i32
    %dma_wait3A_45 = tpu.memref_slice %arg2[%add3A_37, %dma_wait3A_44] : memref<16384x20xi32, #tpu.memory_space<hbm>> -> memref<16x20xi32, #tpu.memory_space<hbm>>
    %dma_wait3A_46 = arith.constant 0 : i32
    %dma_wait3A_47 = arith.constant 0 : i32
    %dma_wait3A_48 = tpu.memref_slice %arg7[%rem3A_40, %dma_wait3A_46, %dma_wait3A_47] : memref<2x16x20xi32, #tpu.memory_space<vmem>> -> memref<1x16x20xi32, #tpu.memory_space<vmem>>
    %dma_wait3A_49 = tpu.memref_squeeze %dma_wait3A_48 : memref<1x16x20xi32, #tpu.memory_space<vmem>> -> memref<16x20xi32, #tpu.memory_space<vmem>>
    %dma_wait3A_50 = arith.constant 0 : i32
    %dma_wait3A_51 = tpu.memref_slice %arg2[%add3A_37, %dma_wait3A_50] : memref<16384x20xi32, #tpu.memory_space<hbm>> -> memref<16x20xi32, #tpu.memory_space<hbm>>
    tpu.wait_dma2 semaphore(%arg12 : memref<!tpu.dma_semaphore, #tpu.memory_space<semaphore_mem>>) src(%dma_wait3A_51 : memref<16x20xi32, #tpu.memory_space<hbm>>) dst(%dma_wait3A_49 : memref<16x20xi32, #tpu.memory_space<vmem>>)
    %rem3A_52 = arith.constant 0 : i32
    %rem3A_53 = arith.constant 2 : i32
    %rem3A_54 = arith.remsi %rem3A_52, %rem3A_53 : i32
    %dma_start3A_55 = arith.constant 0 : i32
    %dma_start3A_56 = arith.constant 0 : i32
    %dma_start3A_57 = arith.constant 0 : i32
    %dma_start3A_58 = tpu.memref_slice %arg8[%rem3A_54, %dma_start3A_56, %dma_start3A_57] : memref<2x320x128xf32, #tpu.memory_space<vmem>> -> memref<1x20x128xf32, #tpu.memory_space<vmem>>
    %dma_start3A_59 = tpu.memref_squeeze %dma_start3A_58 : memref<1x20x128xf32, #tpu.memory_space<vmem>> -> memref<20x128xf32, #tpu.memory_space<vmem>>
    %dma_start3A_60 = arith.constant 0 : i32
    %dma_start3A_61 = tpu.memref_slice %arg7[%rem3A_54, %dma_start3A_55, %dma_start3A_60] : memref<2x16x20xi32, #tpu.memory_space<vmem>> -> memref<1x1x20xi32, #tpu.memory_space<vmem>>
    %dma_start3A_62 = tpu.memref_squeeze %dma_start3A_61 : memref<1x1x20xi32, #tpu.memory_space<vmem>> -> memref<20xi32, #tpu.memory_space<vmem>>
    %dma_start3A_63 = arith.constant 0 : i32
    %dma_start3A_64 = arith.constant 0 : i32
    %dma_start3A_65 = tpu.memref_slice %arg3[%dma_start3A_63, %dma_start3A_64] : memref<1000000x128xf32, #tpu.memory_space<hbm>> -> memref<1000000x128xf32, #tpu.memory_space<hbm>>
    tpu.enqueue_indirect_dma source(%dma_start3A_65 : memref<1000000x128xf32, #tpu.memory_space<hbm>>) target(%dma_start3A_59 : memref<20x128xf32, #tpu.memory_space<vmem>>) offsets(%dma_start3A_62 : memref<20xi32, #tpu.memory_space<vmem>>) semaphore(%arg13 : memref<!tpu.dma_semaphore, #tpu.memory_space<semaphore_mem>>)
    %dma_start3A_66 = arith.constant 1 : i32
    %dma_start3A_67 = arith.constant 20 : i32
    %dma_start3A_68 = arith.constant 0 : i32
    %dma_start3A_69 = tpu.memref_slice %arg8[%rem3A_54, %dma_start3A_67, %dma_start3A_68] : memref<2x320x128xf32, #tpu.memory_space<vmem>> -> memref<1x20x128xf32, #tpu.memory_space<vmem>>
    %dma_start3A_70 = tpu.memref_squeeze %dma_start3A_69 : memref<1x20x128xf32, #tpu.memory_space<vmem>> -> memref<20x128xf32, #tpu.memory_space<vmem>>
    %dma_start3A_71 = arith.constant 0 : i32
    %dma_start3A_72 = tpu.memref_slice %arg7[%rem3A_54, %dma_start3A_66, %dma_start3A_71] : memref<2x16x20xi32, #tpu.memory_space<vmem>> -> memref<1x1x20xi32, #tpu.memory_space<vmem>>
    %dma_start3A_73 = tpu.memref_squeeze %dma_start3A_72 : memref<1x1x20xi32, #tpu.memory_space<vmem>> -> memref<20xi32, #tpu.memory_space<vmem>>
    %dma_start3A_74 = arith.constant 0 : i32
    %dma_start3A_75 = arith.constant 0 : i32
    %dma_start3A_76 = tpu.memref_slice %arg3[%dma_start3A_74, %dma_start3A_75] : memref<1000000x128xf32, #tpu.memory_space<hbm>> -> memref<1000000x128xf32, #tpu.memory_space<hbm>>
    tpu.enqueue_indirect_dma source(%dma_start3A_76 : memref<1000000x128xf32, #tpu.memory_space<hbm>>) target(%dma_start3A_70 : memref<20x128xf32, #tpu.memory_space<vmem>>) offsets(%dma_start3A_73 : memref<20xi32, #tpu.memory_space<vmem>>) semaphore(%arg13 : memref<!tpu.dma_semaphore, #tpu.memory_space<semaphore_mem>>)
    %dma_start3A_77 = arith.constant 2 : i32
    %dma_start3A_78 = arith.constant 40 : i32
    %dma_start3A_79 = arith.constant 0 : i32
    %dma_start3A_80 = tpu.memref_slice %arg8[%rem3A_54, %dma_start3A_78, %dma_start3A_79] : memref<2x320x128xf32, #tpu.memory_space<vmem>> -> memref<1x20x128xf32, #tpu.memory_space<vmem>>
    %dma_start3A_81 = tpu.memref_squeeze %dma_start3A_80 : memref<1x20x128xf32, #tpu.memory_space<vmem>> -> memref<20x128xf32, #tpu.memory_space<vmem>>
    %dma_start3A_82 = arith.constant 0 : i32
    %dma_start3A_83 = tpu.memref_slice %arg7[%rem3A_54, %dma_start3A_77, %dma_start3A_82] : memref<2x16x20xi32, #tpu.memory_space<vmem>> -> memref<1x1x20xi32, #tpu.memory_space<vmem>>
    %dma_start3A_84 = tpu.memref_squeeze %dma_start3A_83 : memref<1x1x20xi32, #tpu.memory_space<vmem>> -> memref<20xi32, #tpu.memory_space<vmem>>
    %dma_start3A_85 = arith.constant 0 : i32
    %dma_start3A_86 = arith.constant 0 : i32
    %dma_start3A_87 = tpu.memref_slice %arg3[%dma_start3A_85, %dma_start3A_86] : memref<1000000x128xf32, #tpu.memory_space<hbm>> -> memref<1000000x128xf32, #tpu.memory_space<hbm>>
    tpu.enqueue_indirect_dma source(%dma_start3A_87 : memref<1000000x128xf32, #tpu.memory_space<hbm>>) target(%dma_start3A_81 : memref<20x128xf32, #tpu.memory_space<vmem>>) offsets(%dma_start3A_84 : memref<20xi32, #tpu.memory_space<vmem>>) semaphore(%arg13 : memref<!tpu.dma_semaphore, #tpu.memory_space<semaphore_mem>>)
    %dma_start3A_88 = arith.constant 3 : i32
    %dma_start3A_89 = arith.constant 60 : i32
    %dma_start3A_90 = arith.constant 0 : i32
    %dma_start3A_91 = tpu.memref_slice %arg8[%rem3A_54, %dma_start3A_89, %dma_start3A_90] : memref<2x320x128xf32, #tpu.memory_space<vmem>> -> memref<1x20x128xf32, #tpu.memory_space<vmem>>
    %dma_start3A_92 = tpu.memref_squeeze %dma_start3A_91 : memref<1x20x128xf32, #tpu.memory_space<vmem>> -> memref<20x128xf32, #tpu.memory_space<vmem>>
    %dma_start3A_93 = arith.constant 0 : i32
    %dma_start3A_94 = tpu.memref_slice %arg7[%rem3A_54, %dma_start3A_88, %dma_start3A_93] : memref<2x16x20xi32, #tpu.memory_space<vmem>> -> memref<1x1x20xi32, #tpu.memory_space<vmem>>
    %dma_start3A_95 = tpu.memref_squeeze %dma_start3A_94 : memref<1x1x20xi32, #tpu.memory_space<vmem>> -> memref<20xi32, #tpu.memory_space<vmem>>
    %dma_start3A_96 = arith.constant 0 : i32
    %dma_start3A_97 = arith.constant 0 : i32
    %dma_start3A_98 = tpu.memref_slice %arg3[%dma_start3A_96, %dma_start3A_97] : memref<1000000x128xf32, #tpu.memory_space<hbm>> -> memref<1000000x128xf32, #tpu.memory_space<hbm>>
    tpu.enqueue_indirect_dma source(%dma_start3A_98 : memref<1000000x128xf32, #tpu.memory_space<hbm>>) target(%dma_start3A_92 : memref<20x128xf32, #tpu.memory_space<vmem>>) offsets(%dma_start3A_95 : memref<20xi32, #tpu.memory_space<vmem>>) semaphore(%arg13 : memref<!tpu.dma_semaphore, #tpu.memory_space<semaphore_mem>>)
    %dma_start3A_99 = arith.constant 4 : i32
    %dma_start3A_100 = arith.constant 80 : i32
    %dma_start3A_101 = arith.constant 0 : i32
    %dma_start3A_102 = tpu.memref_slice %arg8[%rem3A_54, %dma_start3A_100, %dma_start3A_101] : memref<2x320x128xf32, #tpu.memory_space<vmem>> -> memref<1x20x128xf32, #tpu.memory_space<vmem>>
    %dma_start3A_103 = tpu.memref_squeeze %dma_start3A_102 : memref<1x20x128xf32, #tpu.memory_space<vmem>> -> memref<20x128xf32, #tpu.memory_space<vmem>>
    %dma_start3A_104 = arith.constant 0 : i32
    %dma_start3A_105 = tpu.memref_slice %arg7[%rem3A_54, %dma_start3A_99, %dma_start3A_104] : memref<2x16x20xi32, #tpu.memory_space<vmem>> -> memref<1x1x20xi32, #tpu.memory_space<vmem>>
    %dma_start3A_106 = tpu.memref_squeeze %dma_start3A_105 : memref<1x1x20xi32, #tpu.memory_space<vmem>> -> memref<20xi32, #tpu.memory_space<vmem>>
    %dma_start3A_107 = arith.constant 0 : i32
    %dma_start3A_108 = arith.constant 0 : i32
    %dma_start3A_109 = tpu.memref_slice %arg3[%dma_start3A_107, %dma_start3A_108] : memref<1000000x128xf32, #tpu.memory_space<hbm>> -> memref<1000000x128xf32, #tpu.memory_space<hbm>>
    tpu.enqueue_indirect_dma source(%dma_start3A_109 : memref<1000000x128xf32, #tpu.memory_space<hbm>>) target(%dma_start3A_103 : memref<20x128xf32, #tpu.memory_space<vmem>>) offsets(%dma_start3A_106 : memref<20xi32, #tpu.memory_space<vmem>>) semaphore(%arg13 : memref<!tpu.dma_semaphore, #tpu.memory_space<semaphore_mem>>)
    %dma_start3A_110 = arith.constant 5 : i32
    %dma_start3A_111 = arith.constant 100 : i32
    %dma_start3A_112 = arith.constant 0 : i32
    %dma_start3A_113 = tpu.memref_slice %arg8[%rem3A_54, %dma_start3A_111, %dma_start3A_112] : memref<2x320x128xf32, #tpu.memory_space<vmem>> -> memref<1x20x128xf32, #tpu.memory_space<vmem>>
    %dma_start3A_114 = tpu.memref_squeeze %dma_start3A_113 : memref<1x20x128xf32, #tpu.memory_space<vmem>> -> memref<20x128xf32, #tpu.memory_space<vmem>>
    %dma_start3A_115 = arith.constant 0 : i32
    %dma_start3A_116 = tpu.memref_slice %arg7[%rem3A_54, %dma_start3A_110, %dma_start3A_115] : memref<2x16x20xi32, #tpu.memory_space<vmem>> -> memref<1x1x20xi32, #tpu.memory_space<vmem>>
    %dma_start3A_117 = tpu.memref_squeeze %dma_start3A_116 : memref<1x1x20xi32, #tpu.memory_space<vmem>> -> memref<20xi32, #tpu.memory_space<vmem>>
    %dma_start3A_118 = arith.constant 0 : i32
    %dma_start3A_119 = arith.constant 0 : i32
    %dma_start3A_120 = tpu.memref_slice %arg3[%dma_start3A_118, %dma_start3A_119] : memref<1000000x128xf32, #tpu.memory_space<hbm>> -> memref<1000000x128xf32, #tpu.memory_space<hbm>>
    tpu.enqueue_indirect_dma source(%dma_start3A_120 : memref<1000000x128xf32, #tpu.memory_space<hbm>>) target(%dma_start3A_114 : memref<20x128xf32, #tpu.memory_space<vmem>>) offsets(%dma_start3A_117 : memref<20xi32, #tpu.memory_space<vmem>>) semaphore(%arg13 : memref<!tpu.dma_semaphore, #tpu.memory_space<semaphore_mem>>)
    %dma_start3A_121 = arith.constant 6 : i32
    %dma_start3A_122 = arith.constant 120 : i32
    %dma_start3A_123 = arith.constant 0 : i32
    %dma_start3A_124 = tpu.memref_slice %arg8[%rem3A_54, %dma_start3A_122, %dma_start3A_123] : memref<2x320x128xf32, #tpu.memory_space<vmem>> -> memref<1x20x128xf32, #tpu.memory_space<vmem>>
    %dma_start3A_125 = tpu.memref_squeeze %dma_start3A_124 : memref<1x20x128xf32, #tpu.memory_space<vmem>> -> memref<20x128xf32, #tpu.memory_space<vmem>>
    %dma_start3A_126 = arith.constant 0 : i32
    %dma_start3A_127 = tpu.memref_slice %arg7[%rem3A_54, %dma_start3A_121, %dma_start3A_126] : memref<2x16x20xi32, #tpu.memory_space<vmem>> -> memref<1x1x20xi32, #tpu.memory_space<vmem>>
    %dma_start3A_128 = tpu.memref_squeeze %dma_start3A_127 : memref<1x1x20xi32, #tpu.memory_space<vmem>> -> memref<20xi32, #tpu.memory_space<vmem>>
    %dma_start3A_129 = arith.constant 0 : i32
    %dma_start3A_130 = arith.constant 0 : i32
    %dma_start3A_131 = tpu.memref_slice %arg3[%dma_start3A_129, %dma_start3A_130] : memref<1000000x128xf32, #tpu.memory_space<hbm>> -> memref<1000000x128xf32, #tpu.memory_space<hbm>>
    tpu.enqueue_indirect_dma source(%dma_start3A_131 : memref<1000000x128xf32, #tpu.memory_space<hbm>>) target(%dma_start3A_125 : memref<20x128xf32, #tpu.memory_space<vmem>>) offsets(%dma_start3A_128 : memref<20xi32, #tpu.memory_space<vmem>>) semaphore(%arg13 : memref<!tpu.dma_semaphore, #tpu.memory_space<semaphore_mem>>)
    %dma_start3A_132 = arith.constant 7 : i32
    %dma_start3A_133 = arith.constant 140 : i32
    %dma_start3A_134 = arith.constant 0 : i32
    %dma_start3A_135 = tpu.memref_slice %arg8[%rem3A_54, %dma_start3A_133, %dma_start3A_134] : memref<2x320x128xf32, #tpu.memory_space<vmem>> -> memref<1x20x128xf32, #tpu.memory_space<vmem>>
    %dma_start3A_136 = tpu.memref_squeeze %dma_start3A_135 : memref<1x20x128xf32, #tpu.memory_space<vmem>> -> memref<20x128xf32, #tpu.memory_space<vmem>>
    %dma_start3A_137 = arith.constant 0 : i32
    %dma_start3A_138 = tpu.memref_slice %arg7[%rem3A_54, %dma_start3A_132, %dma_start3A_137] : memref<2x16x20xi32, #tpu.memory_space<vmem>> -> memref<1x1x20xi32, #tpu.memory_space<vmem>>
    %dma_start3A_139 = tpu.memref_squeeze %dma_start3A_138 : memref<1x1x20xi32, #tpu.memory_space<vmem>> -> memref<20xi32, #tpu.memory_space<vmem>>
    %dma_start3A_140 = arith.constant 0 : i32
    %dma_start3A_141 = arith.constant 0 : i32
    %dma_start3A_142 = tpu.memref_slice %arg3[%dma_start3A_140, %dma_start3A_141] : memref<1000000x128xf32, #tpu.memory_space<hbm>> -> memref<1000000x128xf32, #tpu.memory_space<hbm>>
    tpu.enqueue_indirect_dma source(%dma_start3A_142 : memref<1000000x128xf32, #tpu.memory_space<hbm>>) target(%dma_start3A_136 : memref<20x128xf32, #tpu.memory_space<vmem>>) offsets(%dma_start3A_139 : memref<20xi32, #tpu.memory_space<vmem>>) semaphore(%arg13 : memref<!tpu.dma_semaphore, #tpu.memory_space<semaphore_mem>>)
    %dma_start3A_143 = arith.constant 8 : i32
    %dma_start3A_144 = arith.constant 160 : i32
    %dma_start3A_145 = arith.constant 0 : i32
    %dma_start3A_146 = tpu.memref_slice %arg8[%rem3A_54, %dma_start3A_144, %dma_start3A_145] : memref<2x320x128xf32, #tpu.memory_space<vmem>> -> memref<1x20x128xf32, #tpu.memory_space<vmem>>
    %dma_start3A_147 = tpu.memref_squeeze %dma_start3A_146 : memref<1x20x128xf32, #tpu.memory_space<vmem>> -> memref<20x128xf32, #tpu.memory_space<vmem>>
    %dma_start3A_148 = arith.constant 0 : i32
    %dma_start3A_149 = tpu.memref_slice %arg7[%rem3A_54, %dma_start3A_143, %dma_start3A_148] : memref<2x16x20xi32, #tpu.memory_space<vmem>> -> memref<1x1x20xi32, #tpu.memory_space<vmem>>
    %dma_start3A_150 = tpu.memref_squeeze %dma_start3A_149 : memref<1x1x20xi32, #tpu.memory_space<vmem>> -> memref<20xi32, #tpu.memory_space<vmem>>
    %dma_start3A_151 = arith.constant 0 : i32
    %dma_start3A_152 = arith.constant 0 : i32
    %dma_start3A_153 = tpu.memref_slice %arg3[%dma_start3A_151, %dma_start3A_152] : memref<1000000x128xf32, #tpu.memory_space<hbm>> -> memref<1000000x128xf32, #tpu.memory_space<hbm>>
    tpu.enqueue_indirect_dma source(%dma_start3A_153 : memref<1000000x128xf32, #tpu.memory_space<hbm>>) target(%dma_start3A_147 : memref<20x128xf32, #tpu.memory_space<vmem>>) offsets(%dma_start3A_150 : memref<20xi32, #tpu.memory_space<vmem>>) semaphore(%arg13 : memref<!tpu.dma_semaphore, #tpu.memory_space<semaphore_mem>>)
    %dma_start3A_154 = arith.constant 9 : i32
    %dma_start3A_155 = arith.constant 180 : i32
    %dma_start3A_156 = arith.constant 0 : i32
    %dma_start3A_157 = tpu.memref_slice %arg8[%rem3A_54, %dma_start3A_155, %dma_start3A_156] : memref<2x320x128xf32, #tpu.memory_space<vmem>> -> memref<1x20x128xf32, #tpu.memory_space<vmem>>
    %dma_start3A_158 = tpu.memref_squeeze %dma_start3A_157 : memref<1x20x128xf32, #tpu.memory_space<vmem>> -> memref<20x128xf32, #tpu.memory_space<vmem>>
    %dma_start3A_159 = arith.constant 0 : i32
    %dma_start3A_160 = tpu.memref_slice %arg7[%rem3A_54, %dma_start3A_154, %dma_start3A_159] : memref<2x16x20xi32, #tpu.memory_space<vmem>> -> memref<1x1x20xi32, #tpu.memory_space<vmem>>
    %dma_start3A_161 = tpu.memref_squeeze %dma_start3A_160 : memref<1x1x20xi32, #tpu.memory_space<vmem>> -> memref<20xi32, #tpu.memory_space<vmem>>
    %dma_start3A_162 = arith.constant 0 : i32
    %dma_start3A_163 = arith.constant 0 : i32
    %dma_start3A_164 = tpu.memref_slice %arg3[%dma_start3A_162, %dma_start3A_163] : memref<1000000x128xf32, #tpu.memory_space<hbm>> -> memref<1000000x128xf32, #tpu.memory_space<hbm>>
    tpu.enqueue_indirect_dma source(%dma_start3A_164 : memref<1000000x128xf32, #tpu.memory_space<hbm>>) target(%dma_start3A_158 : memref<20x128xf32, #tpu.memory_space<vmem>>) offsets(%dma_start3A_161 : memref<20xi32, #tpu.memory_space<vmem>>) semaphore(%arg13 : memref<!tpu.dma_semaphore, #tpu.memory_space<semaphore_mem>>)
    %dma_start3A_165 = arith.constant 10 : i32
    %dma_start3A_166 = arith.constant 200 : i32
    %dma_start3A_167 = arith.constant 0 : i32
    %dma_start3A_168 = tpu.memref_slice %arg8[%rem3A_54, %dma_start3A_166, %dma_start3A_167] : memref<2x320x128xf32, #tpu.memory_space<vmem>> -> memref<1x20x128xf32, #tpu.memory_space<vmem>>
    %dma_start3A_169 = tpu.memref_squeeze %dma_start3A_168 : memref<1x20x128xf32, #tpu.memory_space<vmem>> -> memref<20x128xf32, #tpu.memory_space<vmem>>
    %dma_start3A_170 = arith.constant 0 : i32
    %dma_start3A_171 = tpu.memref_slice %arg7[%rem3A_54, %dma_start3A_165, %dma_start3A_170] : memref<2x16x20xi32, #tpu.memory_space<vmem>> -> memref<1x1x20xi32, #tpu.memory_space<vmem>>
    %dma_start3A_172 = tpu.memref_squeeze %dma_start3A_171 : memref<1x1x20xi32, #tpu.memory_space<vmem>> -> memref<20xi32, #tpu.memory_space<vmem>>
    %dma_start3A_173 = arith.constant 0 : i32
    %dma_start3A_174 = arith.constant 0 : i32
    %dma_start3A_175 = tpu.memref_slice %arg3[%dma_start3A_173, %dma_start3A_174] : memref<1000000x128xf32, #tpu.memory_space<hbm>> -> memref<1000000x128xf32, #tpu.memory_space<hbm>>
    tpu.enqueue_indirect_dma source(%dma_start3A_175 : memref<1000000x128xf32, #tpu.memory_space<hbm>>) target(%dma_start3A_169 : memref<20x128xf32, #tpu.memory_space<vmem>>) offsets(%dma_start3A_172 : memref<20xi32, #tpu.memory_space<vmem>>) semaphore(%arg13 : memref<!tpu.dma_semaphore, #tpu.memory_space<semaphore_mem>>)
    %dma_start3A_176 = arith.constant 11 : i32
    %dma_start3A_177 = arith.constant 220 : i32
    %dma_start3A_178 = arith.constant 0 : i32
    %dma_start3A_179 = tpu.memref_slice %arg8[%rem3A_54, %dma_start3A_177, %dma_start3A_178] : memref<2x320x128xf32, #tpu.memory_space<vmem>> -> memref<1x20x128xf32, #tpu.memory_space<vmem>>
    %dma_start3A_180 = tpu.memref_squeeze %dma_start3A_179 : memref<1x20x128xf32, #tpu.memory_space<vmem>> -> memref<20x128xf32, #tpu.memory_space<vmem>>
    %dma_start3A_181 = arith.constant 0 : i32
    %dma_start3A_182 = tpu.memref_slice %arg7[%rem3A_54, %dma_start3A_176, %dma_start3A_181] : memref<2x16x20xi32, #tpu.memory_space<vmem>> -> memref<1x1x20xi32, #tpu.memory_space<vmem>>
    %dma_start3A_183 = tpu.memref_squeeze %dma_start3A_182 : memref<1x1x20xi32, #tpu.memory_space<vmem>> -> memref<20xi32, #tpu.memory_space<vmem>>
    %dma_start3A_184 = arith.constant 0 : i32
    %dma_start3A_185 = arith.constant 0 : i32
    %dma_start3A_186 = tpu.memref_slice %arg3[%dma_start3A_184, %dma_start3A_185] : memref<1000000x128xf32, #tpu.memory_space<hbm>> -> memref<1000000x128xf32, #tpu.memory_space<hbm>>
    tpu.enqueue_indirect_dma source(%dma_start3A_186 : memref<1000000x128xf32, #tpu.memory_space<hbm>>) target(%dma_start3A_180 : memref<20x128xf32, #tpu.memory_space<vmem>>) offsets(%dma_start3A_183 : memref<20xi32, #tpu.memory_space<vmem>>) semaphore(%arg13 : memref<!tpu.dma_semaphore, #tpu.memory_space<semaphore_mem>>)
    %dma_start3A_187 = arith.constant 12 : i32
    %dma_start3A_188 = arith.constant 240 : i32
    %dma_start3A_189 = arith.constant 0 : i32
    %dma_start3A_190 = tpu.memref_slice %arg8[%rem3A_54, %dma_start3A_188, %dma_start3A_189] : memref<2x320x128xf32, #tpu.memory_space<vmem>> -> memref<1x20x128xf32, #tpu.memory_space<vmem>>
    %dma_start3A_191 = tpu.memref_squeeze %dma_start3A_190 : memref<1x20x128xf32, #tpu.memory_space<vmem>> -> memref<20x128xf32, #tpu.memory_space<vmem>>
    %dma_start3A_192 = arith.constant 0 : i32
    %dma_start3A_193 = tpu.memref_slice %arg7[%rem3A_54, %dma_start3A_187, %dma_start3A_192] : memref<2x16x20xi32, #tpu.memory_space<vmem>> -> memref<1x1x20xi32, #tpu.memory_space<vmem>>
    %dma_start3A_194 = tpu.memref_squeeze %dma_start3A_193 : memref<1x1x20xi32, #tpu.memory_space<vmem>> -> memref<20xi32, #tpu.memory_space<vmem>>
    %dma_start3A_195 = arith.constant 0 : i32
    %dma_start3A_196 = arith.constant 0 : i32
    %dma_start3A_197 = tpu.memref_slice %arg3[%dma_start3A_195, %dma_start3A_196] : memref<1000000x128xf32, #tpu.memory_space<hbm>> -> memref<1000000x128xf32, #tpu.memory_space<hbm>>
    tpu.enqueue_indirect_dma source(%dma_start3A_197 : memref<1000000x128xf32, #tpu.memory_space<hbm>>) target(%dma_start3A_191 : memref<20x128xf32, #tpu.memory_space<vmem>>) offsets(%dma_start3A_194 : memref<20xi32, #tpu.memory_space<vmem>>) semaphore(%arg13 : memref<!tpu.dma_semaphore, #tpu.memory_space<semaphore_mem>>)
    %dma_start3A_198 = arith.constant 13 : i32
    %dma_start3A_199 = arith.constant 260 : i32
    %dma_start3A_200 = arith.constant 0 : i32
    %dma_start3A_201 = tpu.memref_slice %arg8[%rem3A_54, %dma_start3A_199, %dma_start3A_200] : memref<2x320x128xf32, #tpu.memory_space<vmem>> -> memref<1x20x128xf32, #tpu.memory_space<vmem>>
    %dma_start3A_202 = tpu.memref_squeeze %dma_start3A_201 : memref<1x20x128xf32, #tpu.memory_space<vmem>> -> memref<20x128xf32, #tpu.memory_space<vmem>>
    %dma_start3A_203 = arith.constant 0 : i32
    %dma_start3A_204 = tpu.memref_slice %arg7[%rem3A_54, %dma_start3A_198, %dma_start3A_203] : memref<2x16x20xi32, #tpu.memory_space<vmem>> -> memref<1x1x20xi32, #tpu.memory_space<vmem>>
    %dma_start3A_205 = tpu.memref_squeeze %dma_start3A_204 : memref<1x1x20xi32, #tpu.memory_space<vmem>> -> memref<20xi32, #tpu.memory_space<vmem>>
    %dma_start3A_206 = arith.constant 0 : i32
    %dma_start3A_207 = arith.constant 0 : i32
    %dma_start3A_208 = tpu.memref_slice %arg3[%dma_start3A_206, %dma_start3A_207] : memref<1000000x128xf32, #tpu.memory_space<hbm>> -> memref<1000000x128xf32, #tpu.memory_space<hbm>>
    tpu.enqueue_indirect_dma source(%dma_start3A_208 : memref<1000000x128xf32, #tpu.memory_space<hbm>>) target(%dma_start3A_202 : memref<20x128xf32, #tpu.memory_space<vmem>>) offsets(%dma_start3A_205 : memref<20xi32, #tpu.memory_space<vmem>>) semaphore(%arg13 : memref<!tpu.dma_semaphore, #tpu.memory_space<semaphore_mem>>)
    %dma_start3A_209 = arith.constant 14 : i32
    %dma_start3A_210 = arith.constant 280 : i32
    %dma_start3A_211 = arith.constant 0 : i32
    %dma_start3A_212 = tpu.memref_slice %arg8[%rem3A_54, %dma_start3A_210, %dma_start3A_211] : memref<2x320x128xf32, #tpu.memory_space<vmem>> -> memref<1x20x128xf32, #tpu.memory_space<vmem>>
    %dma_start3A_213 = tpu.memref_squeeze %dma_start3A_212 : memref<1x20x128xf32, #tpu.memory_space<vmem>> -> memref<20x128xf32, #tpu.memory_space<vmem>>
    %dma_start3A_214 = arith.constant 0 : i32
    %dma_start3A_215 = tpu.memref_slice %arg7[%rem3A_54, %dma_start3A_209, %dma_start3A_214] : memref<2x16x20xi32, #tpu.memory_space<vmem>> -> memref<1x1x20xi32, #tpu.memory_space<vmem>>
    %dma_start3A_216 = tpu.memref_squeeze %dma_start3A_215 : memref<1x1x20xi32, #tpu.memory_space<vmem>> -> memref<20xi32, #tpu.memory_space<vmem>>
    %dma_start3A_217 = arith.constant 0 : i32
    %dma_start3A_218 = arith.constant 0 : i32
    %dma_start3A_219 = tpu.memref_slice %arg3[%dma_start3A_217, %dma_start3A_218] : memref<1000000x128xf32, #tpu.memory_space<hbm>> -> memref<1000000x128xf32, #tpu.memory_space<hbm>>
    tpu.enqueue_indirect_dma source(%dma_start3A_219 : memref<1000000x128xf32, #tpu.memory_space<hbm>>) target(%dma_start3A_213 : memref<20x128xf32, #tpu.memory_space<vmem>>) offsets(%dma_start3A_216 : memref<20xi32, #tpu.memory_space<vmem>>) semaphore(%arg13 : memref<!tpu.dma_semaphore, #tpu.memory_space<semaphore_mem>>)
    %dma_start3A_220 = arith.constant 15 : i32
    %dma_start3A_221 = arith.constant 300 : i32
    %dma_start3A_222 = arith.constant 0 : i32
    %dma_start3A_223 = tpu.memref_slice %arg8[%rem3A_54, %dma_start3A_221, %dma_start3A_222] : memref<2x320x128xf32, #tpu.memory_space<vmem>> -> memref<1x20x128xf32, #tpu.memory_space<vmem>>
    %dma_start3A_224 = tpu.memref_squeeze %dma_start3A_223 : memref<1x20x128xf32, #tpu.memory_space<vmem>> -> memref<20x128xf32, #tpu.memory_space<vmem>>
    %dma_start3A_225 = arith.constant 0 : i32
    %dma_start3A_226 = tpu.memref_slice %arg7[%rem3A_54, %dma_start3A_220, %dma_start3A_225] : memref<2x16x20xi32, #tpu.memory_space<vmem>> -> memref<1x1x20xi32, #tpu.memory_space<vmem>>
    %dma_start3A_227 = tpu.memref_squeeze %dma_start3A_226 : memref<1x1x20xi32, #tpu.memory_space<vmem>> -> memref<20xi32, #tpu.memory_space<vmem>>
    %dma_start3A_228 = arith.constant 0 : i32
    %dma_start3A_229 = arith.constant 0 : i32
    %dma_start3A_230 = tpu.memref_slice %arg3[%dma_start3A_228, %dma_start3A_229] : memref<1000000x128xf32, #tpu.memory_space<hbm>> -> memref<1000000x128xf32, #tpu.memory_space<hbm>>
    tpu.enqueue_indirect_dma source(%dma_start3A_230 : memref<1000000x128xf32, #tpu.memory_space<hbm>>) target(%dma_start3A_224 : memref<20x128xf32, #tpu.memory_space<vmem>>) offsets(%dma_start3A_227 : memref<20xi32, #tpu.memory_space<vmem>>) semaphore(%arg13 : memref<!tpu.dma_semaphore, #tpu.memory_space<semaphore_mem>>)
    %add3A_231 = arith.constant 16 : i32
    %add3A_232 = arith.addi %mul3A_2, %add3A_231 : i32
    %rem3A_233 = arith.constant 1 : i32
    %rem3A_234 = arith.constant 2 : i32
    %rem3A_235 = arith.remsi %rem3A_233, %rem3A_234 : i32
    %dma_start3A_236 = arith.constant 0 : i32
    %dma_start3A_237 = arith.constant 0 : i32
    %dma_start3A_238 = tpu.memref_slice %arg7[%rem3A_235, %dma_start3A_236, %dma_start3A_237] : memref<2x16x20xi32, #tpu.memory_space<vmem>> -> memref<1x16x20xi32, #tpu.memory_space<vmem>>
    %dma_start3A_239 = tpu.memref_squeeze %dma_start3A_238 : memref<1x16x20xi32, #tpu.memory_space<vmem>> -> memref<16x20xi32, #tpu.memory_space<vmem>>
    %dma_start3A_240 = arith.constant 0 : i32
    %dma_start3A_241 = tpu.memref_slice %arg2[%add3A_232, %dma_start3A_240] : memref<16384x20xi32, #tpu.memory_space<hbm>> -> memref<16x20xi32, #tpu.memory_space<hbm>>
    %dma_start3A_242 = arith.constant 0 : i32
    %dma_start3A_243 = arith.constant 0 : i32
    %dma_start3A_244 = tpu.memref_slice %arg7[%rem3A_235, %dma_start3A_242, %dma_start3A_243] : memref<2x16x20xi32, #tpu.memory_space<vmem>> -> memref<1x16x20xi32, #tpu.memory_space<vmem>>
    %dma_start3A_245 = tpu.memref_squeeze %dma_start3A_244 : memref<1x16x20xi32, #tpu.memory_space<vmem>> -> memref<16x20xi32, #tpu.memory_space<vmem>>
    %dma_start3A_246 = arith.constant 0 : i32
    %dma_start3A_247 = tpu.memref_slice %arg2[%add3A_232, %dma_start3A_246] : memref<16384x20xi32, #tpu.memory_space<hbm>> -> memref<16x20xi32, #tpu.memory_space<hbm>>
    tpu.enqueue_dma source(%dma_start3A_247 : memref<16x20xi32, #tpu.memory_space<hbm>>) target(%dma_start3A_245 : memref<16x20xi32, #tpu.memory_space<vmem>>) target_semaphore(%arg12 : memref<!tpu.dma_semaphore, #tpu.memory_space<semaphore_mem>>)
    %scan3A = arith.constant 0 : i32
    %scan3A_248 = arith.constant 0 : i32
    %scan3A_249 = arith.constant 32 : i32
    %scan3A_250 = arith.addi %scan3A_248, %scan3A_249 : i32
    %scan3A_251 = arith.constant 1 : i32
    scf.for %scan3A_287 = %scan3A_248 to %scan3A_250 step %scan3A_251  : i32 {
      %add3A_288 = arith.constant 1 : i32
      %add3A_289 = arith.addi %scan3A_287, %add3A_288 : i32
      %lt3A = arith.constant 32 : i32
      %lt3A_290 = arith.cmpi slt, %add3A_289, %lt3A : i32
      %convert_element_type3A = arith.extui %lt3A_290 : i1 to i32
      %cond3A = arith.constant 0 : i32
      %cond3A_291 = arith.cmpi ne, %convert_element_type3A, %cond3A : i32
      scf.if %cond3A_291 {
        %add3A_506 = arith.constant 1 : i32
        %add3A_507 = arith.addi %scan3A_287, %add3A_506 : i32
        %mul3A_508 = arith.constant 16 : i32
        %mul3A_509 = arith.muli %add3A_507, %mul3A_508 : i32
        %add3A_510 = arith.addi %mul3A_2, %mul3A_509 : i32
        %rem3A_511 = arith.constant 2 : i32
        %rem3A_512 = arith.remsi %add3A_507, %rem3A_511 : i32
        %dma_wait3A_513 = arith.constant 0 : i32
        %dma_wait3A_514 = arith.constant 0 : i32
        %dma_wait3A_515 = tpu.memref_slice %arg7[%rem3A_512, %dma_wait3A_513, %dma_wait3A_514] : memref<2x16x20xi32, #tpu.memory_space<vmem>> -> memref<1x16x20xi32, #tpu.memory_space<vmem>>
        %dma_wait3A_516 = tpu.memref_squeeze %dma_wait3A_515 : memref<1x16x20xi32, #tpu.memory_space<vmem>> -> memref<16x20xi32, #tpu.memory_space<vmem>>
        %dma_wait3A_517 = arith.constant 0 : i32
        %dma_wait3A_518 = tpu.memref_slice %arg2[%add3A_510, %dma_wait3A_517] : memref<16384x20xi32, #tpu.memory_space<hbm>> -> memref<16x20xi32, #tpu.memory_space<hbm>>
        %dma_wait3A_519 = arith.constant 0 : i32
        %dma_wait3A_520 = arith.constant 0 : i32
        %dma_wait3A_521 = tpu.memref_slice %arg7[%rem3A_512, %dma_wait3A_519, %dma_wait3A_520] : memref<2x16x20xi32, #tpu.memory_space<vmem>> -> memref<1x16x20xi32, #tpu.memory_space<vmem>>
        %dma_wait3A_522 = tpu.memref_squeeze %dma_wait3A_521 : memref<1x16x20xi32, #tpu.memory_space<vmem>> -> memref<16x20xi32, #tpu.memory_space<vmem>>
        %dma_wait3A_523 = arith.constant 0 : i32
        %dma_wait3A_524 = tpu.memref_slice %arg2[%add3A_510, %dma_wait3A_523] : memref<16384x20xi32, #tpu.memory_space<hbm>> -> memref<16x20xi32, #tpu.memory_space<hbm>>
        tpu.wait_dma2 semaphore(%arg12 : memref<!tpu.dma_semaphore, #tpu.memory_space<semaphore_mem>>) src(%dma_wait3A_524 : memref<16x20xi32, #tpu.memory_space<hbm>>) dst(%dma_wait3A_522 : memref<16x20xi32, #tpu.memory_space<vmem>>)
        %add3A_525 = arith.constant 1 : i32
        %add3A_526 = arith.addi %scan3A_287, %add3A_525 : i32
        %rem3A_527 = arith.constant 2 : i32
        %rem3A_528 = arith.remsi %add3A_526, %rem3A_527 : i32
        %dma_start3A_529 = arith.constant 0 : i32
        %dma_start3A_530 = arith.constant 0 : i32
        %dma_start3A_531 = arith.constant 0 : i32
        %dma_start3A_532 = tpu.memref_slice %arg8[%rem3A_528, %dma_start3A_530, %dma_start3A_531] : memref<2x320x128xf32, #tpu.memory_space<vmem>> -> memref<1x20x128xf32, #tpu.memory_space<vmem>>
        %dma_start3A_533 = tpu.memref_squeeze %dma_start3A_532 : memref<1x20x128xf32, #tpu.memory_space<vmem>> -> memref<20x128xf32, #tpu.memory_space<vmem>>
        %dma_start3A_534 = arith.constant 0 : i32
        %dma_start3A_535 = tpu.memref_slice %arg7[%rem3A_528, %dma_start3A_529, %dma_start3A_534] : memref<2x16x20xi32, #tpu.memory_space<vmem>> -> memref<1x1x20xi32, #tpu.memory_space<vmem>>
        %dma_start3A_536 = tpu.memref_squeeze %dma_start3A_535 : memref<1x1x20xi32, #tpu.memory_space<vmem>> -> memref<20xi32, #tpu.memory_space<vmem>>
        %dma_start3A_537 = arith.constant 0 : i32
        %dma_start3A_538 = arith.constant 0 : i32
        %dma_start3A_539 = tpu.memref_slice %arg3[%dma_start3A_537, %dma_start3A_538] : memref<1000000x128xf32, #tpu.memory_space<hbm>> -> memref<1000000x128xf32, #tpu.memory_space<hbm>>
        tpu.enqueue_indirect_dma source(%dma_start3A_539 : memref<1000000x128xf32, #tpu.memory_space<hbm>>) target(%dma_start3A_533 : memref<20x128xf32, #tpu.memory_space<vmem>>) offsets(%dma_start3A_536 : memref<20xi32, #tpu.memory_space<vmem>>) semaphore(%arg13 : memref<!tpu.dma_semaphore, #tpu.memory_space<semaphore_mem>>)
        %dma_start3A_540 = arith.constant 1 : i32
        %dma_start3A_541 = arith.constant 20 : i32
        %dma_start3A_542 = arith.constant 0 : i32
        %dma_start3A_543 = tpu.memref_slice %arg8[%rem3A_528, %dma_start3A_541, %dma_start3A_542] : memref<2x320x128xf32, #tpu.memory_space<vmem>> -> memref<1x20x128xf32, #tpu.memory_space<vmem>>
        %dma_start3A_544 = tpu.memref_squeeze %dma_start3A_543 : memref<1x20x128xf32, #tpu.memory_space<vmem>> -> memref<20x128xf32, #tpu.memory_space<vmem>>
        %dma_start3A_545 = arith.constant 0 : i32
        %dma_start3A_546 = tpu.memref_slice %arg7[%rem3A_528, %dma_start3A_540, %dma_start3A_545] : memref<2x16x20xi32, #tpu.memory_space<vmem>> -> memref<1x1x20xi32, #tpu.memory_space<vmem>>
        %dma_start3A_547 = tpu.memref_squeeze %dma_start3A_546 : memref<1x1x20xi32, #tpu.memory_space<vmem>> -> memref<20xi32, #tpu.memory_space<vmem>>
        %dma_start3A_548 = arith.constant 0 : i32
        %dma_start3A_549 = arith.constant 0 : i32
        %dma_start3A_550 = tpu.memref_slice %arg3[%dma_start3A_548, %dma_start3A_549] : memref<1000000x128xf32, #tpu.memory_space<hbm>> -> memref<1000000x128xf32, #tpu.memory_space<hbm>>
        tpu.enqueue_indirect_dma source(%dma_start3A_550 : memref<1000000x128xf32, #tpu.memory_space<hbm>>) target(%dma_start3A_544 : memref<20x128xf32, #tpu.memory_space<vmem>>) offsets(%dma_start3A_547 : memref<20xi32, #tpu.memory_space<vmem>>) semaphore(%arg13 : memref<!tpu.dma_semaphore, #tpu.memory_space<semaphore_mem>>)
        %dma_start3A_551 = arith.constant 2 : i32
        %dma_start3A_552 = arith.constant 40 : i32
        %dma_start3A_553 = arith.constant 0 : i32
        %dma_start3A_554 = tpu.memref_slice %arg8[%rem3A_528, %dma_start3A_552, %dma_start3A_553] : memref<2x320x128xf32, #tpu.memory_space<vmem>> -> memref<1x20x128xf32, #tpu.memory_space<vmem>>
        %dma_start3A_555 = tpu.memref_squeeze %dma_start3A_554 : memref<1x20x128xf32, #tpu.memory_space<vmem>> -> memref<20x128xf32, #tpu.memory_space<vmem>>
        %dma_start3A_556 = arith.constant 0 : i32
        %dma_start3A_557 = tpu.memref_slice %arg7[%rem3A_528, %dma_start3A_551, %dma_start3A_556] : memref<2x16x20xi32, #tpu.memory_space<vmem>> -> memref<1x1x20xi32, #tpu.memory_space<vmem>>
        %dma_start3A_558 = tpu.memref_squeeze %dma_start3A_557 : memref<1x1x20xi32, #tpu.memory_space<vmem>> -> memref<20xi32, #tpu.memory_space<vmem>>
        %dma_start3A_559 = arith.constant 0 : i32
        %dma_start3A_560 = arith.constant 0 : i32
        %dma_start3A_561 = tpu.memref_slice %arg3[%dma_start3A_559, %dma_start3A_560] : memref<1000000x128xf32, #tpu.memory_space<hbm>> -> memref<1000000x128xf32, #tpu.memory_space<hbm>>
        tpu.enqueue_indirect_dma source(%dma_start3A_561 : memref<1000000x128xf32, #tpu.memory_space<hbm>>) target(%dma_start3A_555 : memref<20x128xf32, #tpu.memory_space<vmem>>) offsets(%dma_start3A_558 : memref<20xi32, #tpu.memory_space<vmem>>) semaphore(%arg13 : memref<!tpu.dma_semaphore, #tpu.memory_space<semaphore_mem>>)
        %dma_start3A_562 = arith.constant 3 : i32
        %dma_start3A_563 = arith.constant 60 : i32
        %dma_start3A_564 = arith.constant 0 : i32
        %dma_start3A_565 = tpu.memref_slice %arg8[%rem3A_528, %dma_start3A_563, %dma_start3A_564] : memref<2x320x128xf32, #tpu.memory_space<vmem>> -> memref<1x20x128xf32, #tpu.memory_space<vmem>>
        %dma_start3A_566 = tpu.memref_squeeze %dma_start3A_565 : memref<1x20x128xf32, #tpu.memory_space<vmem>> -> memref<20x128xf32, #tpu.memory_space<vmem>>
        %dma_start3A_567 = arith.constant 0 : i32
        %dma_start3A_568 = tpu.memref_slice %arg7[%rem3A_528, %dma_start3A_562, %dma_start3A_567] : memref<2x16x20xi32, #tpu.memory_space<vmem>> -> memref<1x1x20xi32, #tpu.memory_space<vmem>>
        %dma_start3A_569 = tpu.memref_squeeze %dma_start3A_568 : memref<1x1x20xi32, #tpu.memory_space<vmem>> -> memref<20xi32, #tpu.memory_space<vmem>>
        %dma_start3A_570 = arith.constant 0 : i32
        %dma_start3A_571 = arith.constant 0 : i32
        %dma_start3A_572 = tpu.memref_slice %arg3[%dma_start3A_570, %dma_start3A_571] : memref<1000000x128xf32, #tpu.memory_space<hbm>> -> memref<1000000x128xf32, #tpu.memory_space<hbm>>
        tpu.enqueue_indirect_dma source(%dma_start3A_572 : memref<1000000x128xf32, #tpu.memory_space<hbm>>) target(%dma_start3A_566 : memref<20x128xf32, #tpu.memory_space<vmem>>) offsets(%dma_start3A_569 : memref<20xi32, #tpu.memory_space<vmem>>) semaphore(%arg13 : memref<!tpu.dma_semaphore, #tpu.memory_space<semaphore_mem>>)
        %dma_start3A_573 = arith.constant 4 : i32
        %dma_start3A_574 = arith.constant 80 : i32
        %dma_start3A_575 = arith.constant 0 : i32
        %dma_start3A_576 = tpu.memref_slice %arg8[%rem3A_528, %dma_start3A_574, %dma_start3A_575] : memref<2x320x128xf32, #tpu.memory_space<vmem>> -> memref<1x20x128xf32, #tpu.memory_space<vmem>>
        %dma_start3A_577 = tpu.memref_squeeze %dma_start3A_576 : memref<1x20x128xf32, #tpu.memory_space<vmem>> -> memref<20x128xf32, #tpu.memory_space<vmem>>
        %dma_start3A_578 = arith.constant 0 : i32
        %dma_start3A_579 = tpu.memref_slice %arg7[%rem3A_528, %dma_start3A_573, %dma_start3A_578] : memref<2x16x20xi32, #tpu.memory_space<vmem>> -> memref<1x1x20xi32, #tpu.memory_space<vmem>>
        %dma_start3A_580 = tpu.memref_squeeze %dma_start3A_579 : memref<1x1x20xi32, #tpu.memory_space<vmem>> -> memref<20xi32, #tpu.memory_space<vmem>>
        %dma_start3A_581 = arith.constant 0 : i32
        %dma_start3A_582 = arith.constant 0 : i32
        %dma_start3A_583 = tpu.memref_slice %arg3[%dma_start3A_581, %dma_start3A_582] : memref<1000000x128xf32, #tpu.memory_space<hbm>> -> memref<1000000x128xf32, #tpu.memory_space<hbm>>
        tpu.enqueue_indirect_dma source(%dma_start3A_583 : memref<1000000x128xf32, #tpu.memory_space<hbm>>) target(%dma_start3A_577 : memref<20x128xf32, #tpu.memory_space<vmem>>) offsets(%dma_start3A_580 : memref<20xi32, #tpu.memory_space<vmem>>) semaphore(%arg13 : memref<!tpu.dma_semaphore, #tpu.memory_space<semaphore_mem>>)
        %dma_start3A_584 = arith.constant 5 : i32
        %dma_start3A_585 = arith.constant 100 : i32
        %dma_start3A_586 = arith.constant 0 : i32
        %dma_start3A_587 = tpu.memref_slice %arg8[%rem3A_528, %dma_start3A_585, %dma_start3A_586] : memref<2x320x128xf32, #tpu.memory_space<vmem>> -> memref<1x20x128xf32, #tpu.memory_space<vmem>>
        %dma_start3A_588 = tpu.memref_squeeze %dma_start3A_587 : memref<1x20x128xf32, #tpu.memory_space<vmem>> -> memref<20x128xf32, #tpu.memory_space<vmem>>
        %dma_start3A_589 = arith.constant 0 : i32
        %dma_start3A_590 = tpu.memref_slice %arg7[%rem3A_528, %dma_start3A_584, %dma_start3A_589] : memref<2x16x20xi32, #tpu.memory_space<vmem>> -> memref<1x1x20xi32, #tpu.memory_space<vmem>>
        %dma_start3A_591 = tpu.memref_squeeze %dma_start3A_590 : memref<1x1x20xi32, #tpu.memory_space<vmem>> -> memref<20xi32, #tpu.memory_space<vmem>>
        %dma_start3A_592 = arith.constant 0 : i32
        %dma_start3A_593 = arith.constant 0 : i32
        %dma_start3A_594 = tpu.memref_slice %arg3[%dma_start3A_592, %dma_start3A_593] : memref<1000000x128xf32, #tpu.memory_space<hbm>> -> memref<1000000x128xf32, #tpu.memory_space<hbm>>
        tpu.enqueue_indirect_dma source(%dma_start3A_594 : memref<1000000x128xf32, #tpu.memory_space<hbm>>) target(%dma_start3A_588 : memref<20x128xf32, #tpu.memory_space<vmem>>) offsets(%dma_start3A_591 : memref<20xi32, #tpu.memory_space<vmem>>) semaphore(%arg13 : memref<!tpu.dma_semaphore, #tpu.memory_space<semaphore_mem>>)
        %dma_start3A_595 = arith.constant 6 : i32
        %dma_start3A_596 = arith.constant 120 : i32
        %dma_start3A_597 = arith.constant 0 : i32
        %dma_start3A_598 = tpu.memref_slice %arg8[%rem3A_528, %dma_start3A_596, %dma_start3A_597] : memref<2x320x128xf32, #tpu.memory_space<vmem>> -> memref<1x20x128xf32, #tpu.memory_space<vmem>>
        %dma_start3A_599 = tpu.memref_squeeze %dma_start3A_598 : memref<1x20x128xf32, #tpu.memory_space<vmem>> -> memref<20x128xf32, #tpu.memory_space<vmem>>
        %dma_start3A_600 = arith.constant 0 : i32
        %dma_start3A_601 = tpu.memref_slice %arg7[%rem3A_528, %dma_start3A_595, %dma_start3A_600] : memref<2x16x20xi32, #tpu.memory_space<vmem>> -> memref<1x1x20xi32, #tpu.memory_space<vmem>>
        %dma_start3A_602 = tpu.memref_squeeze %dma_start3A_601 : memref<1x1x20xi32, #tpu.memory_space<vmem>> -> memref<20xi32, #tpu.memory_space<vmem>>
        %dma_start3A_603 = arith.constant 0 : i32
        %dma_start3A_604 = arith.constant 0 : i32
        %dma_start3A_605 = tpu.memref_slice %arg3[%dma_start3A_603, %dma_start3A_604] : memref<1000000x128xf32, #tpu.memory_space<hbm>> -> memref<1000000x128xf32, #tpu.memory_space<hbm>>
        tpu.enqueue_indirect_dma source(%dma_start3A_605 : memref<1000000x128xf32, #tpu.memory_space<hbm>>) target(%dma_start3A_599 : memref<20x128xf32, #tpu.memory_space<vmem>>) offsets(%dma_start3A_602 : memref<20xi32, #tpu.memory_space<vmem>>) semaphore(%arg13 : memref<!tpu.dma_semaphore, #tpu.memory_space<semaphore_mem>>)
        %dma_start3A_606 = arith.constant 7 : i32
        %dma_start3A_607 = arith.constant 140 : i32
        %dma_start3A_608 = arith.constant 0 : i32
        %dma_start3A_609 = tpu.memref_slice %arg8[%rem3A_528, %dma_start3A_607, %dma_start3A_608] : memref<2x320x128xf32, #tpu.memory_space<vmem>> -> memref<1x20x128xf32, #tpu.memory_space<vmem>>
        %dma_start3A_610 = tpu.memref_squeeze %dma_start3A_609 : memref<1x20x128xf32, #tpu.memory_space<vmem>> -> memref<20x128xf32, #tpu.memory_space<vmem>>
        %dma_start3A_611 = arith.constant 0 : i32
        %dma_start3A_612 = tpu.memref_slice %arg7[%rem3A_528, %dma_start3A_606, %dma_start3A_611] : memref<2x16x20xi32, #tpu.memory_space<vmem>> -> memref<1x1x20xi32, #tpu.memory_space<vmem>>
        %dma_start3A_613 = tpu.memref_squeeze %dma_start3A_612 : memref<1x1x20xi32, #tpu.memory_space<vmem>> -> memref<20xi32, #tpu.memory_space<vmem>>
        %dma_start3A_614 = arith.constant 0 : i32
        %dma_start3A_615 = arith.constant 0 : i32
        %dma_start3A_616 = tpu.memref_slice %arg3[%dma_start3A_614, %dma_start3A_615] : memref<1000000x128xf32, #tpu.memory_space<hbm>> -> memref<1000000x128xf32, #tpu.memory_space<hbm>>
        tpu.enqueue_indirect_dma source(%dma_start3A_616 : memref<1000000x128xf32, #tpu.memory_space<hbm>>) target(%dma_start3A_610 : memref<20x128xf32, #tpu.memory_space<vmem>>) offsets(%dma_start3A_613 : memref<20xi32, #tpu.memory_space<vmem>>) semaphore(%arg13 : memref<!tpu.dma_semaphore, #tpu.memory_space<semaphore_mem>>)
        %dma_start3A_617 = arith.constant 8 : i32
        %dma_start3A_618 = arith.constant 160 : i32
        %dma_start3A_619 = arith.constant 0 : i32
        %dma_start3A_620 = tpu.memref_slice %arg8[%rem3A_528, %dma_start3A_618, %dma_start3A_619] : memref<2x320x128xf32, #tpu.memory_space<vmem>> -> memref<1x20x128xf32, #tpu.memory_space<vmem>>
        %dma_start3A_621 = tpu.memref_squeeze %dma_start3A_620 : memref<1x20x128xf32, #tpu.memory_space<vmem>> -> memref<20x128xf32, #tpu.memory_space<vmem>>
        %dma_start3A_622 = arith.constant 0 : i32
        %dma_start3A_623 = tpu.memref_slice %arg7[%rem3A_528, %dma_start3A_617, %dma_start3A_622] : memref<2x16x20xi32, #tpu.memory_space<vmem>> -> memref<1x1x20xi32, #tpu.memory_space<vmem>>
        %dma_start3A_624 = tpu.memref_squeeze %dma_start3A_623 : memref<1x1x20xi32, #tpu.memory_space<vmem>> -> memref<20xi32, #tpu.memory_space<vmem>>
        %dma_start3A_625 = arith.constant 0 : i32
        %dma_start3A_626 = arith.constant 0 : i32
        %dma_start3A_627 = tpu.memref_slice %arg3[%dma_start3A_625, %dma_start3A_626] : memref<1000000x128xf32, #tpu.memory_space<hbm>> -> memref<1000000x128xf32, #tpu.memory_space<hbm>>
        tpu.enqueue_indirect_dma source(%dma_start3A_627 : memref<1000000x128xf32, #tpu.memory_space<hbm>>) target(%dma_start3A_621 : memref<20x128xf32, #tpu.memory_space<vmem>>) offsets(%dma_start3A_624 : memref<20xi32, #tpu.memory_space<vmem>>) semaphore(%arg13 : memref<!tpu.dma_semaphore, #tpu.memory_space<semaphore_mem>>)
        %dma_start3A_628 = arith.constant 9 : i32
        %dma_start3A_629 = arith.constant 180 : i32
        %dma_start3A_630 = arith.constant 0 : i32
        %dma_start3A_631 = tpu.memref_slice %arg8[%rem3A_528, %dma_start3A_629, %dma_start3A_630] : memref<2x320x128xf32, #tpu.memory_space<vmem>> -> memref<1x20x128xf32, #tpu.memory_space<vmem>>
        %dma_start3A_632 = tpu.memref_squeeze %dma_start3A_631 : memref<1x20x128xf32, #tpu.memory_space<vmem>> -> memref<20x128xf32, #tpu.memory_space<vmem>>
        %dma_start3A_633 = arith.constant 0 : i32
        %dma_start3A_634 = tpu.memref_slice %arg7[%rem3A_528, %dma_start3A_628, %dma_start3A_633] : memref<2x16x20xi32, #tpu.memory_space<vmem>> -> memref<1x1x20xi32, #tpu.memory_space<vmem>>
        %dma_start3A_635 = tpu.memref_squeeze %dma_start3A_634 : memref<1x1x20xi32, #tpu.memory_space<vmem>> -> memref<20xi32, #tpu.memory_space<vmem>>
        %dma_start3A_636 = arith.constant 0 : i32
        %dma_start3A_637 = arith.constant 0 : i32
        %dma_start3A_638 = tpu.memref_slice %arg3[%dma_start3A_636, %dma_start3A_637] : memref<1000000x128xf32, #tpu.memory_space<hbm>> -> memref<1000000x128xf32, #tpu.memory_space<hbm>>
        tpu.enqueue_indirect_dma source(%dma_start3A_638 : memref<1000000x128xf32, #tpu.memory_space<hbm>>) target(%dma_start3A_632 : memref<20x128xf32, #tpu.memory_space<vmem>>) offsets(%dma_start3A_635 : memref<20xi32, #tpu.memory_space<vmem>>) semaphore(%arg13 : memref<!tpu.dma_semaphore, #tpu.memory_space<semaphore_mem>>)
        %dma_start3A_639 = arith.constant 10 : i32
        %dma_start3A_640 = arith.constant 200 : i32
        %dma_start3A_641 = arith.constant 0 : i32
        %dma_start3A_642 = tpu.memref_slice %arg8[%rem3A_528, %dma_start3A_640, %dma_start3A_641] : memref<2x320x128xf32, #tpu.memory_space<vmem>> -> memref<1x20x128xf32, #tpu.memory_space<vmem>>
        %dma_start3A_643 = tpu.memref_squeeze %dma_start3A_642 : memref<1x20x128xf32, #tpu.memory_space<vmem>> -> memref<20x128xf32, #tpu.memory_space<vmem>>
        %dma_start3A_644 = arith.constant 0 : i32
        %dma_start3A_645 = tpu.memref_slice %arg7[%rem3A_528, %dma_start3A_639, %dma_start3A_644] : memref<2x16x20xi32, #tpu.memory_space<vmem>> -> memref<1x1x20xi32, #tpu.memory_space<vmem>>
        %dma_start3A_646 = tpu.memref_squeeze %dma_start3A_645 : memref<1x1x20xi32, #tpu.memory_space<vmem>> -> memref<20xi32, #tpu.memory_space<vmem>>
        %dma_start3A_647 = arith.constant 0 : i32
        %dma_start3A_648 = arith.constant 0 : i32
        %dma_start3A_649 = tpu.memref_slice %arg3[%dma_start3A_647, %dma_start3A_648] : memref<1000000x128xf32, #tpu.memory_space<hbm>> -> memref<1000000x128xf32, #tpu.memory_space<hbm>>
        tpu.enqueue_indirect_dma source(%dma_start3A_649 : memref<1000000x128xf32, #tpu.memory_space<hbm>>) target(%dma_start3A_643 : memref<20x128xf32, #tpu.memory_space<vmem>>) offsets(%dma_start3A_646 : memref<20xi32, #tpu.memory_space<vmem>>) semaphore(%arg13 : memref<!tpu.dma_semaphore, #tpu.memory_space<semaphore_mem>>)
        %dma_start3A_650 = arith.constant 11 : i32
        %dma_start3A_651 = arith.constant 220 : i32
        %dma_start3A_652 = arith.constant 0 : i32
        %dma_start3A_653 = tpu.memref_slice %arg8[%rem3A_528, %dma_start3A_651, %dma_start3A_652] : memref<2x320x128xf32, #tpu.memory_space<vmem>> -> memref<1x20x128xf32, #tpu.memory_space<vmem>>
        %dma_start3A_654 = tpu.memref_squeeze %dma_start3A_653 : memref<1x20x128xf32, #tpu.memory_space<vmem>> -> memref<20x128xf32, #tpu.memory_space<vmem>>
        %dma_start3A_655 = arith.constant 0 : i32
        %dma_start3A_656 = tpu.memref_slice %arg7[%rem3A_528, %dma_start3A_650, %dma_start3A_655] : memref<2x16x20xi32, #tpu.memory_space<vmem>> -> memref<1x1x20xi32, #tpu.memory_space<vmem>>
        %dma_start3A_657 = tpu.memref_squeeze %dma_start3A_656 : memref<1x1x20xi32, #tpu.memory_space<vmem>> -> memref<20xi32, #tpu.memory_space<vmem>>
        %dma_start3A_658 = arith.constant 0 : i32
        %dma_start3A_659 = arith.constant 0 : i32
        %dma_start3A_660 = tpu.memref_slice %arg3[%dma_start3A_658, %dma_start3A_659] : memref<1000000x128xf32, #tpu.memory_space<hbm>> -> memref<1000000x128xf32, #tpu.memory_space<hbm>>
        tpu.enqueue_indirect_dma source(%dma_start3A_660 : memref<1000000x128xf32, #tpu.memory_space<hbm>>) target(%dma_start3A_654 : memref<20x128xf32, #tpu.memory_space<vmem>>) offsets(%dma_start3A_657 : memref<20xi32, #tpu.memory_space<vmem>>) semaphore(%arg13 : memref<!tpu.dma_semaphore, #tpu.memory_space<semaphore_mem>>)
        %dma_start3A_661 = arith.constant 12 : i32
        %dma_start3A_662 = arith.constant 240 : i32
        %dma_start3A_663 = arith.constant 0 : i32
        %dma_start3A_664 = tpu.memref_slice %arg8[%rem3A_528, %dma_start3A_662, %dma_start3A_663] : memref<2x320x128xf32, #tpu.memory_space<vmem>> -> memref<1x20x128xf32, #tpu.memory_space<vmem>>
        %dma_start3A_665 = tpu.memref_squeeze %dma_start3A_664 : memref<1x20x128xf32, #tpu.memory_space<vmem>> -> memref<20x128xf32, #tpu.memory_space<vmem>>
        %dma_start3A_666 = arith.constant 0 : i32
        %dma_start3A_667 = tpu.memref_slice %arg7[%rem3A_528, %dma_start3A_661, %dma_start3A_666] : memref<2x16x20xi32, #tpu.memory_space<vmem>> -> memref<1x1x20xi32, #tpu.memory_space<vmem>>
        %dma_start3A_668 = tpu.memref_squeeze %dma_start3A_667 : memref<1x1x20xi32, #tpu.memory_space<vmem>> -> memref<20xi32, #tpu.memory_space<vmem>>
        %dma_start3A_669 = arith.constant 0 : i32
        %dma_start3A_670 = arith.constant 0 : i32
        %dma_start3A_671 = tpu.memref_slice %arg3[%dma_start3A_669, %dma_start3A_670] : memref<1000000x128xf32, #tpu.memory_space<hbm>> -> memref<1000000x128xf32, #tpu.memory_space<hbm>>
        tpu.enqueue_indirect_dma source(%dma_start3A_671 : memref<1000000x128xf32, #tpu.memory_space<hbm>>) target(%dma_start3A_665 : memref<20x128xf32, #tpu.memory_space<vmem>>) offsets(%dma_start3A_668 : memref<20xi32, #tpu.memory_space<vmem>>) semaphore(%arg13 : memref<!tpu.dma_semaphore, #tpu.memory_space<semaphore_mem>>)
        %dma_start3A_672 = arith.constant 13 : i32
        %dma_start3A_673 = arith.constant 260 : i32
        %dma_start3A_674 = arith.constant 0 : i32
        %dma_start3A_675 = tpu.memref_slice %arg8[%rem3A_528, %dma_start3A_673, %dma_start3A_674] : memref<2x320x128xf32, #tpu.memory_space<vmem>> -> memref<1x20x128xf32, #tpu.memory_space<vmem>>
        %dma_start3A_676 = tpu.memref_squeeze %dma_start3A_675 : memref<1x20x128xf32, #tpu.memory_space<vmem>> -> memref<20x128xf32, #tpu.memory_space<vmem>>
        %dma_start3A_677 = arith.constant 0 : i32
        %dma_start3A_678 = tpu.memref_slice %arg7[%rem3A_528, %dma_start3A_672, %dma_start3A_677] : memref<2x16x20xi32, #tpu.memory_space<vmem>> -> memref<1x1x20xi32, #tpu.memory_space<vmem>>
        %dma_start3A_679 = tpu.memref_squeeze %dma_start3A_678 : memref<1x1x20xi32, #tpu.memory_space<vmem>> -> memref<20xi32, #tpu.memory_space<vmem>>
        %dma_start3A_680 = arith.constant 0 : i32
        %dma_start3A_681 = arith.constant 0 : i32
        %dma_start3A_682 = tpu.memref_slice %arg3[%dma_start3A_680, %dma_start3A_681] : memref<1000000x128xf32, #tpu.memory_space<hbm>> -> memref<1000000x128xf32, #tpu.memory_space<hbm>>
        tpu.enqueue_indirect_dma source(%dma_start3A_682 : memref<1000000x128xf32, #tpu.memory_space<hbm>>) target(%dma_start3A_676 : memref<20x128xf32, #tpu.memory_space<vmem>>) offsets(%dma_start3A_679 : memref<20xi32, #tpu.memory_space<vmem>>) semaphore(%arg13 : memref<!tpu.dma_semaphore, #tpu.memory_space<semaphore_mem>>)
        %dma_start3A_683 = arith.constant 14 : i32
        %dma_start3A_684 = arith.constant 280 : i32
        %dma_start3A_685 = arith.constant 0 : i32
        %dma_start3A_686 = tpu.memref_slice %arg8[%rem3A_528, %dma_start3A_684, %dma_start3A_685] : memref<2x320x128xf32, #tpu.memory_space<vmem>> -> memref<1x20x128xf32, #tpu.memory_space<vmem>>
        %dma_start3A_687 = tpu.memref_squeeze %dma_start3A_686 : memref<1x20x128xf32, #tpu.memory_space<vmem>> -> memref<20x128xf32, #tpu.memory_space<vmem>>
        %dma_start3A_688 = arith.constant 0 : i32
        %dma_start3A_689 = tpu.memref_slice %arg7[%rem3A_528, %dma_start3A_683, %dma_start3A_688] : memref<2x16x20xi32, #tpu.memory_space<vmem>> -> memref<1x1x20xi32, #tpu.memory_space<vmem>>
        %dma_start3A_690 = tpu.memref_squeeze %dma_start3A_689 : memref<1x1x20xi32, #tpu.memory_space<vmem>> -> memref<20xi32, #tpu.memory_space<vmem>>
        %dma_start3A_691 = arith.constant 0 : i32
        %dma_start3A_692 = arith.constant 0 : i32
        %dma_start3A_693 = tpu.memref_slice %arg3[%dma_start3A_691, %dma_start3A_692] : memref<1000000x128xf32, #tpu.memory_space<hbm>> -> memref<1000000x128xf32, #tpu.memory_space<hbm>>
        tpu.enqueue_indirect_dma source(%dma_start3A_693 : memref<1000000x128xf32, #tpu.memory_space<hbm>>) target(%dma_start3A_687 : memref<20x128xf32, #tpu.memory_space<vmem>>) offsets(%dma_start3A_690 : memref<20xi32, #tpu.memory_space<vmem>>) semaphore(%arg13 : memref<!tpu.dma_semaphore, #tpu.memory_space<semaphore_mem>>)
        %dma_start3A_694 = arith.constant 15 : i32
        %dma_start3A_695 = arith.constant 300 : i32
        %dma_start3A_696 = arith.constant 0 : i32
        %dma_start3A_697 = tpu.memref_slice %arg8[%rem3A_528, %dma_start3A_695, %dma_start3A_696] : memref<2x320x128xf32, #tpu.memory_space<vmem>> -> memref<1x20x128xf32, #tpu.memory_space<vmem>>
        %dma_start3A_698 = tpu.memref_squeeze %dma_start3A_697 : memref<1x20x128xf32, #tpu.memory_space<vmem>> -> memref<20x128xf32, #tpu.memory_space<vmem>>
        %dma_start3A_699 = arith.constant 0 : i32
        %dma_start3A_700 = tpu.memref_slice %arg7[%rem3A_528, %dma_start3A_694, %dma_start3A_699] : memref<2x16x20xi32, #tpu.memory_space<vmem>> -> memref<1x1x20xi32, #tpu.memory_space<vmem>>
        %dma_start3A_701 = tpu.memref_squeeze %dma_start3A_700 : memref<1x1x20xi32, #tpu.memory_space<vmem>> -> memref<20xi32, #tpu.memory_space<vmem>>
        %dma_start3A_702 = arith.constant 0 : i32
        %dma_start3A_703 = arith.constant 0 : i32
        %dma_start3A_704 = tpu.memref_slice %arg3[%dma_start3A_702, %dma_start3A_703] : memref<1000000x128xf32, #tpu.memory_space<hbm>> -> memref<1000000x128xf32, #tpu.memory_space<hbm>>
        tpu.enqueue_indirect_dma source(%dma_start3A_704 : memref<1000000x128xf32, #tpu.memory_space<hbm>>) target(%dma_start3A_698 : memref<20x128xf32, #tpu.memory_space<vmem>>) offsets(%dma_start3A_701 : memref<20xi32, #tpu.memory_space<vmem>>) semaphore(%arg13 : memref<!tpu.dma_semaphore, #tpu.memory_space<semaphore_mem>>)
      } else {
      }
      %add3A_292 = arith.constant 2 : i32
      %add3A_293 = arith.addi %scan3A_287, %add3A_292 : i32
      %lt3A_294 = arith.constant 32 : i32
      %lt3A_295 = arith.cmpi slt, %add3A_293, %lt3A_294 : i32
      %convert_element_type3A_296 = arith.extui %lt3A_295 : i1 to i32
      %cond3A_297 = arith.constant 0 : i32
      %cond3A_298 = arith.cmpi ne, %convert_element_type3A_296, %cond3A_297 : i32
      scf.if %cond3A_298 {
        %add3A_506 = arith.constant 2 : i32
        %add3A_507 = arith.addi %scan3A_287, %add3A_506 : i32
        %mul3A_508 = arith.constant 16 : i32
        %mul3A_509 = arith.muli %add3A_507, %mul3A_508 : i32
        %add3A_510 = arith.addi %mul3A_2, %mul3A_509 : i32
        %rem3A_511 = arith.constant 2 : i32
        %rem3A_512 = arith.remsi %add3A_507, %rem3A_511 : i32
        %dma_start3A_513 = arith.constant 0 : i32
        %dma_start3A_514 = arith.constant 0 : i32
        %dma_start3A_515 = tpu.memref_slice %arg7[%rem3A_512, %dma_start3A_513, %dma_start3A_514] : memref<2x16x20xi32, #tpu.memory_space<vmem>> -> memref<1x16x20xi32, #tpu.memory_space<vmem>>
        %dma_start3A_516 = tpu.memref_squeeze %dma_start3A_515 : memref<1x16x20xi32, #tpu.memory_space<vmem>> -> memref<16x20xi32, #tpu.memory_space<vmem>>
        %dma_start3A_517 = arith.constant 0 : i32
        %dma_start3A_518 = tpu.memref_slice %arg2[%add3A_510, %dma_start3A_517] : memref<16384x20xi32, #tpu.memory_space<hbm>> -> memref<16x20xi32, #tpu.memory_space<hbm>>
        %dma_start3A_519 = arith.constant 0 : i32
        %dma_start3A_520 = arith.constant 0 : i32
        %dma_start3A_521 = tpu.memref_slice %arg7[%rem3A_512, %dma_start3A_519, %dma_start3A_520] : memref<2x16x20xi32, #tpu.memory_space<vmem>> -> memref<1x16x20xi32, #tpu.memory_space<vmem>>
        %dma_start3A_522 = tpu.memref_squeeze %dma_start3A_521 : memref<1x16x20xi32, #tpu.memory_space<vmem>> -> memref<16x20xi32, #tpu.memory_space<vmem>>
        %dma_start3A_523 = arith.constant 0 : i32
        %dma_start3A_524 = tpu.memref_slice %arg2[%add3A_510, %dma_start3A_523] : memref<16384x20xi32, #tpu.memory_space<hbm>> -> memref<16x20xi32, #tpu.memory_space<hbm>>
        tpu.enqueue_dma source(%dma_start3A_524 : memref<16x20xi32, #tpu.memory_space<hbm>>) target(%dma_start3A_522 : memref<16x20xi32, #tpu.memory_space<vmem>>) target_semaphore(%arg12 : memref<!tpu.dma_semaphore, #tpu.memory_space<semaphore_mem>>)
      } else {
      }
      %rem3A_299 = arith.constant 2 : i32
      %rem3A_300 = arith.remsi %scan3A_287, %rem3A_299 : i32
      %dma_wait3A_301 = arith.constant 0 : i32
      %dma_wait3A_302 = arith.constant 0 : i32
      %dma_wait3A_303 = arith.constant 0 : i32
      %dma_wait3A_304 = tpu.memref_slice %arg8[%rem3A_300, %dma_wait3A_302, %dma_wait3A_303] : memref<2x320x128xf32, #tpu.memory_space<vmem>> -> memref<1x20x128xf32, #tpu.memory_space<vmem>>
      %dma_wait3A_305 = tpu.memref_squeeze %dma_wait3A_304 : memref<1x20x128xf32, #tpu.memory_space<vmem>> -> memref<20x128xf32, #tpu.memory_space<vmem>>
      %dma_wait3A_306 = arith.constant 0 : i32
      %dma_wait3A_307 = tpu.memref_slice %arg7[%rem3A_300, %dma_wait3A_301, %dma_wait3A_306] : memref<2x16x20xi32, #tpu.memory_space<vmem>> -> memref<1x1x20xi32, #tpu.memory_space<vmem>>
      %dma_wait3A_308 = tpu.memref_squeeze %dma_wait3A_307 : memref<1x1x20xi32, #tpu.memory_space<vmem>> -> memref<20xi32, #tpu.memory_space<vmem>>
      %dma_wait3A_309 = arith.constant 0 : i32
      %dma_wait3A_310 = arith.constant 0 : i32
      %dma_wait3A_311 = tpu.memref_slice %arg3[%dma_wait3A_309, %dma_wait3A_310] : memref<1000000x128xf32, #tpu.memory_space<hbm>> -> memref<1000000x128xf32, #tpu.memory_space<hbm>>
      tpu.wait_indirect_dma semaphore(%arg13 : memref<!tpu.dma_semaphore, #tpu.memory_space<semaphore_mem>>) src(%dma_wait3A_311 : memref<1000000x128xf32, #tpu.memory_space<hbm>>) dst(%dma_wait3A_305 : memref<20x128xf32, #tpu.memory_space<vmem>>)
      %dma_wait3A_312 = arith.constant 1 : i32
      %dma_wait3A_313 = arith.constant 20 : i32
      %dma_wait3A_314 = arith.constant 0 : i32
      %dma_wait3A_315 = tpu.memref_slice %arg8[%rem3A_300, %dma_wait3A_313, %dma_wait3A_314] : memref<2x320x128xf32, #tpu.memory_space<vmem>> -> memref<1x20x128xf32, #tpu.memory_space<vmem>>
      %dma_wait3A_316 = tpu.memref_squeeze %dma_wait3A_315 : memref<1x20x128xf32, #tpu.memory_space<vmem>> -> memref<20x128xf32, #tpu.memory_space<vmem>>
      %dma_wait3A_317 = arith.constant 0 : i32
      %dma_wait3A_318 = tpu.memref_slice %arg7[%rem3A_300, %dma_wait3A_312, %dma_wait3A_317] : memref<2x16x20xi32, #tpu.memory_space<vmem>> -> memref<1x1x20xi32, #tpu.memory_space<vmem>>
      %dma_wait3A_319 = tpu.memref_squeeze %dma_wait3A_318 : memref<1x1x20xi32, #tpu.memory_space<vmem>> -> memref<20xi32, #tpu.memory_space<vmem>>
      %dma_wait3A_320 = arith.constant 0 : i32
      %dma_wait3A_321 = arith.constant 0 : i32
      %dma_wait3A_322 = tpu.memref_slice %arg3[%dma_wait3A_320, %dma_wait3A_321] : memref<1000000x128xf32, #tpu.memory_space<hbm>> -> memref<1000000x128xf32, #tpu.memory_space<hbm>>
      tpu.wait_indirect_dma semaphore(%arg13 : memref<!tpu.dma_semaphore, #tpu.memory_space<semaphore_mem>>) src(%dma_wait3A_322 : memref<1000000x128xf32, #tpu.memory_space<hbm>>) dst(%dma_wait3A_316 : memref<20x128xf32, #tpu.memory_space<vmem>>)
      %dma_wait3A_323 = arith.constant 2 : i32
      %dma_wait3A_324 = arith.constant 40 : i32
      %dma_wait3A_325 = arith.constant 0 : i32
      %dma_wait3A_326 = tpu.memref_slice %arg8[%rem3A_300, %dma_wait3A_324, %dma_wait3A_325] : memref<2x320x128xf32, #tpu.memory_space<vmem>> -> memref<1x20x128xf32, #tpu.memory_space<vmem>>
      %dma_wait3A_327 = tpu.memref_squeeze %dma_wait3A_326 : memref<1x20x128xf32, #tpu.memory_space<vmem>> -> memref<20x128xf32, #tpu.memory_space<vmem>>
      %dma_wait3A_328 = arith.constant 0 : i32
      %dma_wait3A_329 = tpu.memref_slice %arg7[%rem3A_300, %dma_wait3A_323, %dma_wait3A_328] : memref<2x16x20xi32, #tpu.memory_space<vmem>> -> memref<1x1x20xi32, #tpu.memory_space<vmem>>
      %dma_wait3A_330 = tpu.memref_squeeze %dma_wait3A_329 : memref<1x1x20xi32, #tpu.memory_space<vmem>> -> memref<20xi32, #tpu.memory_space<vmem>>
      %dma_wait3A_331 = arith.constant 0 : i32
      %dma_wait3A_332 = arith.constant 0 : i32
      %dma_wait3A_333 = tpu.memref_slice %arg3[%dma_wait3A_331, %dma_wait3A_332] : memref<1000000x128xf32, #tpu.memory_space<hbm>> -> memref<1000000x128xf32, #tpu.memory_space<hbm>>
      tpu.wait_indirect_dma semaphore(%arg13 : memref<!tpu.dma_semaphore, #tpu.memory_space<semaphore_mem>>) src(%dma_wait3A_333 : memref<1000000x128xf32, #tpu.memory_space<hbm>>) dst(%dma_wait3A_327 : memref<20x128xf32, #tpu.memory_space<vmem>>)
      %dma_wait3A_334 = arith.constant 3 : i32
      %dma_wait3A_335 = arith.constant 60 : i32
      %dma_wait3A_336 = arith.constant 0 : i32
      %dma_wait3A_337 = tpu.memref_slice %arg8[%rem3A_300, %dma_wait3A_335, %dma_wait3A_336] : memref<2x320x128xf32, #tpu.memory_space<vmem>> -> memref<1x20x128xf32, #tpu.memory_space<vmem>>
      %dma_wait3A_338 = tpu.memref_squeeze %dma_wait3A_337 : memref<1x20x128xf32, #tpu.memory_space<vmem>> -> memref<20x128xf32, #tpu.memory_space<vmem>>
      %dma_wait3A_339 = arith.constant 0 : i32
      %dma_wait3A_340 = tpu.memref_slice %arg7[%rem3A_300, %dma_wait3A_334, %dma_wait3A_339] : memref<2x16x20xi32, #tpu.memory_space<vmem>> -> memref<1x1x20xi32, #tpu.memory_space<vmem>>
      %dma_wait3A_341 = tpu.memref_squeeze %dma_wait3A_340 : memref<1x1x20xi32, #tpu.memory_space<vmem>> -> memref<20xi32, #tpu.memory_space<vmem>>
      %dma_wait3A_342 = arith.constant 0 : i32
      %dma_wait3A_343 = arith.constant 0 : i32
      %dma_wait3A_344 = tpu.memref_slice %arg3[%dma_wait3A_342, %dma_wait3A_343] : memref<1000000x128xf32, #tpu.memory_space<hbm>> -> memref<1000000x128xf32, #tpu.memory_space<hbm>>
      tpu.wait_indirect_dma semaphore(%arg13 : memref<!tpu.dma_semaphore, #tpu.memory_space<semaphore_mem>>) src(%dma_wait3A_344 : memref<1000000x128xf32, #tpu.memory_space<hbm>>) dst(%dma_wait3A_338 : memref<20x128xf32, #tpu.memory_space<vmem>>)
      %dma_wait3A_345 = arith.constant 4 : i32
      %dma_wait3A_346 = arith.constant 80 : i32
      %dma_wait3A_347 = arith.constant 0 : i32
      %dma_wait3A_348 = tpu.memref_slice %arg8[%rem3A_300, %dma_wait3A_346, %dma_wait3A_347] : memref<2x320x128xf32, #tpu.memory_space<vmem>> -> memref<1x20x128xf32, #tpu.memory_space<vmem>>
      %dma_wait3A_349 = tpu.memref_squeeze %dma_wait3A_348 : memref<1x20x128xf32, #tpu.memory_space<vmem>> -> memref<20x128xf32, #tpu.memory_space<vmem>>
      %dma_wait3A_350 = arith.constant 0 : i32
      %dma_wait3A_351 = tpu.memref_slice %arg7[%rem3A_300, %dma_wait3A_345, %dma_wait3A_350] : memref<2x16x20xi32, #tpu.memory_space<vmem>> -> memref<1x1x20xi32, #tpu.memory_space<vmem>>
      %dma_wait3A_352 = tpu.memref_squeeze %dma_wait3A_351 : memref<1x1x20xi32, #tpu.memory_space<vmem>> -> memref<20xi32, #tpu.memory_space<vmem>>
      %dma_wait3A_353 = arith.constant 0 : i32
      %dma_wait3A_354 = arith.constant 0 : i32
      %dma_wait3A_355 = tpu.memref_slice %arg3[%dma_wait3A_353, %dma_wait3A_354] : memref<1000000x128xf32, #tpu.memory_space<hbm>> -> memref<1000000x128xf32, #tpu.memory_space<hbm>>
      tpu.wait_indirect_dma semaphore(%arg13 : memref<!tpu.dma_semaphore, #tpu.memory_space<semaphore_mem>>) src(%dma_wait3A_355 : memref<1000000x128xf32, #tpu.memory_space<hbm>>) dst(%dma_wait3A_349 : memref<20x128xf32, #tpu.memory_space<vmem>>)
      %dma_wait3A_356 = arith.constant 5 : i32
      %dma_wait3A_357 = arith.constant 100 : i32
      %dma_wait3A_358 = arith.constant 0 : i32
      %dma_wait3A_359 = tpu.memref_slice %arg8[%rem3A_300, %dma_wait3A_357, %dma_wait3A_358] : memref<2x320x128xf32, #tpu.memory_space<vmem>> -> memref<1x20x128xf32, #tpu.memory_space<vmem>>
      %dma_wait3A_360 = tpu.memref_squeeze %dma_wait3A_359 : memref<1x20x128xf32, #tpu.memory_space<vmem>> -> memref<20x128xf32, #tpu.memory_space<vmem>>
      %dma_wait3A_361 = arith.constant 0 : i32
      %dma_wait3A_362 = tpu.memref_slice %arg7[%rem3A_300, %dma_wait3A_356, %dma_wait3A_361] : memref<2x16x20xi32, #tpu.memory_space<vmem>> -> memref<1x1x20xi32, #tpu.memory_space<vmem>>
      %dma_wait3A_363 = tpu.memref_squeeze %dma_wait3A_362 : memref<1x1x20xi32, #tpu.memory_space<vmem>> -> memref<20xi32, #tpu.memory_space<vmem>>
      %dma_wait3A_364 = arith.constant 0 : i32
      %dma_wait3A_365 = arith.constant 0 : i32
      %dma_wait3A_366 = tpu.memref_slice %arg3[%dma_wait3A_364, %dma_wait3A_365] : memref<1000000x128xf32, #tpu.memory_space<hbm>> -> memref<1000000x128xf32, #tpu.memory_space<hbm>>
      tpu.wait_indirect_dma semaphore(%arg13 : memref<!tpu.dma_semaphore, #tpu.memory_space<semaphore_mem>>) src(%dma_wait3A_366 : memref<1000000x128xf32, #tpu.memory_space<hbm>>) dst(%dma_wait3A_360 : memref<20x128xf32, #tpu.memory_space<vmem>>)
      %dma_wait3A_367 = arith.constant 6 : i32
      %dma_wait3A_368 = arith.constant 120 : i32
      %dma_wait3A_369 = arith.constant 0 : i32
      %dma_wait3A_370 = tpu.memref_slice %arg8[%rem3A_300, %dma_wait3A_368, %dma_wait3A_369] : memref<2x320x128xf32, #tpu.memory_space<vmem>> -> memref<1x20x128xf32, #tpu.memory_space<vmem>>
      %dma_wait3A_371 = tpu.memref_squeeze %dma_wait3A_370 : memref<1x20x128xf32, #tpu.memory_space<vmem>> -> memref<20x128xf32, #tpu.memory_space<vmem>>
      %dma_wait3A_372 = arith.constant 0 : i32
      %dma_wait3A_373 = tpu.memref_slice %arg7[%rem3A_300, %dma_wait3A_367, %dma_wait3A_372] : memref<2x16x20xi32, #tpu.memory_space<vmem>> -> memref<1x1x20xi32, #tpu.memory_space<vmem>>
      %dma_wait3A_374 = tpu.memref_squeeze %dma_wait3A_373 : memref<1x1x20xi32, #tpu.memory_space<vmem>> -> memref<20xi32, #tpu.memory_space<vmem>>
      %dma_wait3A_375 = arith.constant 0 : i32
      %dma_wait3A_376 = arith.constant 0 : i32
      %dma_wait3A_377 = tpu.memref_slice %arg3[%dma_wait3A_375, %dma_wait3A_376] : memref<1000000x128xf32, #tpu.memory_space<hbm>> -> memref<1000000x128xf32, #tpu.memory_space<hbm>>
      tpu.wait_indirect_dma semaphore(%arg13 : memref<!tpu.dma_semaphore, #tpu.memory_space<semaphore_mem>>) src(%dma_wait3A_377 : memref<1000000x128xf32, #tpu.memory_space<hbm>>) dst(%dma_wait3A_371 : memref<20x128xf32, #tpu.memory_space<vmem>>)
      %dma_wait3A_378 = arith.constant 7 : i32
      %dma_wait3A_379 = arith.constant 140 : i32
      %dma_wait3A_380 = arith.constant 0 : i32
      %dma_wait3A_381 = tpu.memref_slice %arg8[%rem3A_300, %dma_wait3A_379, %dma_wait3A_380] : memref<2x320x128xf32, #tpu.memory_space<vmem>> -> memref<1x20x128xf32, #tpu.memory_space<vmem>>
      %dma_wait3A_382 = tpu.memref_squeeze %dma_wait3A_381 : memref<1x20x128xf32, #tpu.memory_space<vmem>> -> memref<20x128xf32, #tpu.memory_space<vmem>>
      %dma_wait3A_383 = arith.constant 0 : i32
      %dma_wait3A_384 = tpu.memref_slice %arg7[%rem3A_300, %dma_wait3A_378, %dma_wait3A_383] : memref<2x16x20xi32, #tpu.memory_space<vmem>> -> memref<1x1x20xi32, #tpu.memory_space<vmem>>
      %dma_wait3A_385 = tpu.memref_squeeze %dma_wait3A_384 : memref<1x1x20xi32, #tpu.memory_space<vmem>> -> memref<20xi32, #tpu.memory_space<vmem>>
      %dma_wait3A_386 = arith.constant 0 : i32
      %dma_wait3A_387 = arith.constant 0 : i32
      %dma_wait3A_388 = tpu.memref_slice %arg3[%dma_wait3A_386, %dma_wait3A_387] : memref<1000000x128xf32, #tpu.memory_space<hbm>> -> memref<1000000x128xf32, #tpu.memory_space<hbm>>
      tpu.wait_indirect_dma semaphore(%arg13 : memref<!tpu.dma_semaphore, #tpu.memory_space<semaphore_mem>>) src(%dma_wait3A_388 : memref<1000000x128xf32, #tpu.memory_space<hbm>>) dst(%dma_wait3A_382 : memref<20x128xf32, #tpu.memory_space<vmem>>)
      %dma_wait3A_389 = arith.constant 8 : i32
      %dma_wait3A_390 = arith.constant 160 : i32
      %dma_wait3A_391 = arith.constant 0 : i32
      %dma_wait3A_392 = tpu.memref_slice %arg8[%rem3A_300, %dma_wait3A_390, %dma_wait3A_391] : memref<2x320x128xf32, #tpu.memory_space<vmem>> -> memref<1x20x128xf32, #tpu.memory_space<vmem>>
      %dma_wait3A_393 = tpu.memref_squeeze %dma_wait3A_392 : memref<1x20x128xf32, #tpu.memory_space<vmem>> -> memref<20x128xf32, #tpu.memory_space<vmem>>
      %dma_wait3A_394 = arith.constant 0 : i32
      %dma_wait3A_395 = tpu.memref_slice %arg7[%rem3A_300, %dma_wait3A_389, %dma_wait3A_394] : memref<2x16x20xi32, #tpu.memory_space<vmem>> -> memref<1x1x20xi32, #tpu.memory_space<vmem>>
      %dma_wait3A_396 = tpu.memref_squeeze %dma_wait3A_395 : memref<1x1x20xi32, #tpu.memory_space<vmem>> -> memref<20xi32, #tpu.memory_space<vmem>>
      %dma_wait3A_397 = arith.constant 0 : i32
      %dma_wait3A_398 = arith.constant 0 : i32
      %dma_wait3A_399 = tpu.memref_slice %arg3[%dma_wait3A_397, %dma_wait3A_398] : memref<1000000x128xf32, #tpu.memory_space<hbm>> -> memref<1000000x128xf32, #tpu.memory_space<hbm>>
      tpu.wait_indirect_dma semaphore(%arg13 : memref<!tpu.dma_semaphore, #tpu.memory_space<semaphore_mem>>) src(%dma_wait3A_399 : memref<1000000x128xf32, #tpu.memory_space<hbm>>) dst(%dma_wait3A_393 : memref<20x128xf32, #tpu.memory_space<vmem>>)
      %dma_wait3A_400 = arith.constant 9 : i32
      %dma_wait3A_401 = arith.constant 180 : i32
      %dma_wait3A_402 = arith.constant 0 : i32
      %dma_wait3A_403 = tpu.memref_slice %arg8[%rem3A_300, %dma_wait3A_401, %dma_wait3A_402] : memref<2x320x128xf32, #tpu.memory_space<vmem>> -> memref<1x20x128xf32, #tpu.memory_space<vmem>>
      %dma_wait3A_404 = tpu.memref_squeeze %dma_wait3A_403 : memref<1x20x128xf32, #tpu.memory_space<vmem>> -> memref<20x128xf32, #tpu.memory_space<vmem>>
      %dma_wait3A_405 = arith.constant 0 : i32
      %dma_wait3A_406 = tpu.memref_slice %arg7[%rem3A_300, %dma_wait3A_400, %dma_wait3A_405] : memref<2x16x20xi32, #tpu.memory_space<vmem>> -> memref<1x1x20xi32, #tpu.memory_space<vmem>>
      %dma_wait3A_407 = tpu.memref_squeeze %dma_wait3A_406 : memref<1x1x20xi32, #tpu.memory_space<vmem>> -> memref<20xi32, #tpu.memory_space<vmem>>
      %dma_wait3A_408 = arith.constant 0 : i32
      %dma_wait3A_409 = arith.constant 0 : i32
      %dma_wait3A_410 = tpu.memref_slice %arg3[%dma_wait3A_408, %dma_wait3A_409] : memref<1000000x128xf32, #tpu.memory_space<hbm>> -> memref<1000000x128xf32, #tpu.memory_space<hbm>>
      tpu.wait_indirect_dma semaphore(%arg13 : memref<!tpu.dma_semaphore, #tpu.memory_space<semaphore_mem>>) src(%dma_wait3A_410 : memref<1000000x128xf32, #tpu.memory_space<hbm>>) dst(%dma_wait3A_404 : memref<20x128xf32, #tpu.memory_space<vmem>>)
      %dma_wait3A_411 = arith.constant 10 : i32
      %dma_wait3A_412 = arith.constant 200 : i32
      %dma_wait3A_413 = arith.constant 0 : i32
      %dma_wait3A_414 = tpu.memref_slice %arg8[%rem3A_300, %dma_wait3A_412, %dma_wait3A_413] : memref<2x320x128xf32, #tpu.memory_space<vmem>> -> memref<1x20x128xf32, #tpu.memory_space<vmem>>
      %dma_wait3A_415 = tpu.memref_squeeze %dma_wait3A_414 : memref<1x20x128xf32, #tpu.memory_space<vmem>> -> memref<20x128xf32, #tpu.memory_space<vmem>>
      %dma_wait3A_416 = arith.constant 0 : i32
      %dma_wait3A_417 = tpu.memref_slice %arg7[%rem3A_300, %dma_wait3A_411, %dma_wait3A_416] : memref<2x16x20xi32, #tpu.memory_space<vmem>> -> memref<1x1x20xi32, #tpu.memory_space<vmem>>
      %dma_wait3A_418 = tpu.memref_squeeze %dma_wait3A_417 : memref<1x1x20xi32, #tpu.memory_space<vmem>> -> memref<20xi32, #tpu.memory_space<vmem>>
      %dma_wait3A_419 = arith.constant 0 : i32
      %dma_wait3A_420 = arith.constant 0 : i32
      %dma_wait3A_421 = tpu.memref_slice %arg3[%dma_wait3A_419, %dma_wait3A_420] : memref<1000000x128xf32, #tpu.memory_space<hbm>> -> memref<1000000x128xf32, #tpu.memory_space<hbm>>
      tpu.wait_indirect_dma semaphore(%arg13 : memref<!tpu.dma_semaphore, #tpu.memory_space<semaphore_mem>>) src(%dma_wait3A_421 : memref<1000000x128xf32, #tpu.memory_space<hbm>>) dst(%dma_wait3A_415 : memref<20x128xf32, #tpu.memory_space<vmem>>)
      %dma_wait3A_422 = arith.constant 11 : i32
      %dma_wait3A_423 = arith.constant 220 : i32
      %dma_wait3A_424 = arith.constant 0 : i32
      %dma_wait3A_425 = tpu.memref_slice %arg8[%rem3A_300, %dma_wait3A_423, %dma_wait3A_424] : memref<2x320x128xf32, #tpu.memory_space<vmem>> -> memref<1x20x128xf32, #tpu.memory_space<vmem>>
      %dma_wait3A_426 = tpu.memref_squeeze %dma_wait3A_425 : memref<1x20x128xf32, #tpu.memory_space<vmem>> -> memref<20x128xf32, #tpu.memory_space<vmem>>
      %dma_wait3A_427 = arith.constant 0 : i32
      %dma_wait3A_428 = tpu.memref_slice %arg7[%rem3A_300, %dma_wait3A_422, %dma_wait3A_427] : memref<2x16x20xi32, #tpu.memory_space<vmem>> -> memref<1x1x20xi32, #tpu.memory_space<vmem>>
      %dma_wait3A_429 = tpu.memref_squeeze %dma_wait3A_428 : memref<1x1x20xi32, #tpu.memory_space<vmem>> -> memref<20xi32, #tpu.memory_space<vmem>>
      %dma_wait3A_430 = arith.constant 0 : i32
      %dma_wait3A_431 = arith.constant 0 : i32
      %dma_wait3A_432 = tpu.memref_slice %arg3[%dma_wait3A_430, %dma_wait3A_431] : memref<1000000x128xf32, #tpu.memory_space<hbm>> -> memref<1000000x128xf32, #tpu.memory_space<hbm>>
      tpu.wait_indirect_dma semaphore(%arg13 : memref<!tpu.dma_semaphore, #tpu.memory_space<semaphore_mem>>) src(%dma_wait3A_432 : memref<1000000x128xf32, #tpu.memory_space<hbm>>) dst(%dma_wait3A_426 : memref<20x128xf32, #tpu.memory_space<vmem>>)
      %dma_wait3A_433 = arith.constant 12 : i32
      %dma_wait3A_434 = arith.constant 240 : i32
      %dma_wait3A_435 = arith.constant 0 : i32
      %dma_wait3A_436 = tpu.memref_slice %arg8[%rem3A_300, %dma_wait3A_434, %dma_wait3A_435] : memref<2x320x128xf32, #tpu.memory_space<vmem>> -> memref<1x20x128xf32, #tpu.memory_space<vmem>>
      %dma_wait3A_437 = tpu.memref_squeeze %dma_wait3A_436 : memref<1x20x128xf32, #tpu.memory_space<vmem>> -> memref<20x128xf32, #tpu.memory_space<vmem>>
      %dma_wait3A_438 = arith.constant 0 : i32
      %dma_wait3A_439 = tpu.memref_slice %arg7[%rem3A_300, %dma_wait3A_433, %dma_wait3A_438] : memref<2x16x20xi32, #tpu.memory_space<vmem>> -> memref<1x1x20xi32, #tpu.memory_space<vmem>>
      %dma_wait3A_440 = tpu.memref_squeeze %dma_wait3A_439 : memref<1x1x20xi32, #tpu.memory_space<vmem>> -> memref<20xi32, #tpu.memory_space<vmem>>
      %dma_wait3A_441 = arith.constant 0 : i32
      %dma_wait3A_442 = arith.constant 0 : i32
      %dma_wait3A_443 = tpu.memref_slice %arg3[%dma_wait3A_441, %dma_wait3A_442] : memref<1000000x128xf32, #tpu.memory_space<hbm>> -> memref<1000000x128xf32, #tpu.memory_space<hbm>>
      tpu.wait_indirect_dma semaphore(%arg13 : memref<!tpu.dma_semaphore, #tpu.memory_space<semaphore_mem>>) src(%dma_wait3A_443 : memref<1000000x128xf32, #tpu.memory_space<hbm>>) dst(%dma_wait3A_437 : memref<20x128xf32, #tpu.memory_space<vmem>>)
      %dma_wait3A_444 = arith.constant 13 : i32
      %dma_wait3A_445 = arith.constant 260 : i32
      %dma_wait3A_446 = arith.constant 0 : i32
      %dma_wait3A_447 = tpu.memref_slice %arg8[%rem3A_300, %dma_wait3A_445, %dma_wait3A_446] : memref<2x320x128xf32, #tpu.memory_space<vmem>> -> memref<1x20x128xf32, #tpu.memory_space<vmem>>
      %dma_wait3A_448 = tpu.memref_squeeze %dma_wait3A_447 : memref<1x20x128xf32, #tpu.memory_space<vmem>> -> memref<20x128xf32, #tpu.memory_space<vmem>>
      %dma_wait3A_449 = arith.constant 0 : i32
      %dma_wait3A_450 = tpu.memref_slice %arg7[%rem3A_300, %dma_wait3A_444, %dma_wait3A_449] : memref<2x16x20xi32, #tpu.memory_space<vmem>> -> memref<1x1x20xi32, #tpu.memory_space<vmem>>
      %dma_wait3A_451 = tpu.memref_squeeze %dma_wait3A_450 : memref<1x1x20xi32, #tpu.memory_space<vmem>> -> memref<20xi32, #tpu.memory_space<vmem>>
      %dma_wait3A_452 = arith.constant 0 : i32
      %dma_wait3A_453 = arith.constant 0 : i32
      %dma_wait3A_454 = tpu.memref_slice %arg3[%dma_wait3A_452, %dma_wait3A_453] : memref<1000000x128xf32, #tpu.memory_space<hbm>> -> memref<1000000x128xf32, #tpu.memory_space<hbm>>
      tpu.wait_indirect_dma semaphore(%arg13 : memref<!tpu.dma_semaphore, #tpu.memory_space<semaphore_mem>>) src(%dma_wait3A_454 : memref<1000000x128xf32, #tpu.memory_space<hbm>>) dst(%dma_wait3A_448 : memref<20x128xf32, #tpu.memory_space<vmem>>)
      %dma_wait3A_455 = arith.constant 14 : i32
      %dma_wait3A_456 = arith.constant 280 : i32
      %dma_wait3A_457 = arith.constant 0 : i32
      %dma_wait3A_458 = tpu.memref_slice %arg8[%rem3A_300, %dma_wait3A_456, %dma_wait3A_457] : memref<2x320x128xf32, #tpu.memory_space<vmem>> -> memref<1x20x128xf32, #tpu.memory_space<vmem>>
      %dma_wait3A_459 = tpu.memref_squeeze %dma_wait3A_458 : memref<1x20x128xf32, #tpu.memory_space<vmem>> -> memref<20x128xf32, #tpu.memory_space<vmem>>
      %dma_wait3A_460 = arith.constant 0 : i32
      %dma_wait3A_461 = tpu.memref_slice %arg7[%rem3A_300, %dma_wait3A_455, %dma_wait3A_460] : memref<2x16x20xi32, #tpu.memory_space<vmem>> -> memref<1x1x20xi32, #tpu.memory_space<vmem>>
      %dma_wait3A_462 = tpu.memref_squeeze %dma_wait3A_461 : memref<1x1x20xi32, #tpu.memory_space<vmem>> -> memref<20xi32, #tpu.memory_space<vmem>>
      %dma_wait3A_463 = arith.constant 0 : i32
      %dma_wait3A_464 = arith.constant 0 : i32
      %dma_wait3A_465 = tpu.memref_slice %arg3[%dma_wait3A_463, %dma_wait3A_464] : memref<1000000x128xf32, #tpu.memory_space<hbm>> -> memref<1000000x128xf32, #tpu.memory_space<hbm>>
      tpu.wait_indirect_dma semaphore(%arg13 : memref<!tpu.dma_semaphore, #tpu.memory_space<semaphore_mem>>) src(%dma_wait3A_465 : memref<1000000x128xf32, #tpu.memory_space<hbm>>) dst(%dma_wait3A_459 : memref<20x128xf32, #tpu.memory_space<vmem>>)
      %dma_wait3A_466 = arith.constant 15 : i32
      %dma_wait3A_467 = arith.constant 300 : i32
      %dma_wait3A_468 = arith.constant 0 : i32
      %dma_wait3A_469 = tpu.memref_slice %arg8[%rem3A_300, %dma_wait3A_467, %dma_wait3A_468] : memref<2x320x128xf32, #tpu.memory_space<vmem>> -> memref<1x20x128xf32, #tpu.memory_space<vmem>>
      %dma_wait3A_470 = tpu.memref_squeeze %dma_wait3A_469 : memref<1x20x128xf32, #tpu.memory_space<vmem>> -> memref<20x128xf32, #tpu.memory_space<vmem>>
      %dma_wait3A_471 = arith.constant 0 : i32
      %dma_wait3A_472 = tpu.memref_slice %arg7[%rem3A_300, %dma_wait3A_466, %dma_wait3A_471] : memref<2x16x20xi32, #tpu.memory_space<vmem>> -> memref<1x1x20xi32, #tpu.memory_space<vmem>>
      %dma_wait3A_473 = tpu.memref_squeeze %dma_wait3A_472 : memref<1x1x20xi32, #tpu.memory_space<vmem>> -> memref<20xi32, #tpu.memory_space<vmem>>
      %dma_wait3A_474 = arith.constant 0 : i32
      %dma_wait3A_475 = arith.constant 0 : i32
      %dma_wait3A_476 = tpu.memref_slice %arg3[%dma_wait3A_474, %dma_wait3A_475] : memref<1000000x128xf32, #tpu.memory_space<hbm>> -> memref<1000000x128xf32, #tpu.memory_space<hbm>>
      tpu.wait_indirect_dma semaphore(%arg13 : memref<!tpu.dma_semaphore, #tpu.memory_space<semaphore_mem>>) src(%dma_wait3A_476 : memref<1000000x128xf32, #tpu.memory_space<hbm>>) dst(%dma_wait3A_470 : memref<20x128xf32, #tpu.memory_space<vmem>>)
      %ge3A = arith.constant 2 : i32
      %ge3A_477 = arith.cmpi sge, %scan3A_287, %ge3A : i32
      %convert_element_type3A_478 = arith.extui %ge3A_477 : i1 to i32
      %cond3A_479 = arith.constant 0 : i32
      %cond3A_480 = arith.cmpi ne, %convert_element_type3A_478, %cond3A_479 : i32
      scf.if %cond3A_480 {
        %sub3A = arith.constant 2 : i32
        %sub3A_506 = arith.subi %scan3A_287, %sub3A : i32
        %rem3A_507 = arith.constant 2 : i32
        %rem3A_508 = arith.remsi %sub3A_506, %rem3A_507 : i32
        %mul3A_509 = arith.constant 320 : i32
        %mul3A_510 = arith.muli %sub3A_506, %mul3A_509 : i32
        %add3A_511 = arith.addi %mul3A_4, %mul3A_510 : i32
        %dma_wait3A_512 = arith.constant 0 : i32
        %dma_wait3A_513 = arith.constant 0 : i32
        %dma_wait3A_514 = tpu.memref_slice %arg9[%rem3A_508, %dma_wait3A_512, %dma_wait3A_513] : memref<2x320x64xf32, #tpu.memory_space<vmem>> -> memref<1x320x64xf32, #tpu.memory_space<vmem>>
        %dma_wait3A_515 = tpu.memref_squeeze %dma_wait3A_514 : memref<1x320x64xf32, #tpu.memory_space<vmem>> -> memref<320x64xf32, #tpu.memory_space<vmem>>
        %dma_wait3A_516 = arith.constant 0 : i32
        %dma_wait3A_517 = tpu.memref_slice %arg6[%add3A_511, %dma_wait3A_516] : memref<327680x64xf32, #tpu.memory_space<hbm>> -> memref<320x64xf32, #tpu.memory_space<hbm>>
        %dma_wait3A_518 = arith.constant 0 : i32
        %dma_wait3A_519 = tpu.memref_slice %arg6[%add3A_511, %dma_wait3A_518] : memref<327680x64xf32, #tpu.memory_space<hbm>> -> memref<320x64xf32, #tpu.memory_space<hbm>>
        %dma_wait3A_520 = arith.constant 0 : i32
        %dma_wait3A_521 = arith.constant 0 : i32
        %dma_wait3A_522 = tpu.memref_slice %arg9[%rem3A_508, %dma_wait3A_520, %dma_wait3A_521] : memref<2x320x64xf32, #tpu.memory_space<vmem>> -> memref<1x320x64xf32, #tpu.memory_space<vmem>>
        %dma_wait3A_523 = tpu.memref_squeeze %dma_wait3A_522 : memref<1x320x64xf32, #tpu.memory_space<vmem>> -> memref<320x64xf32, #tpu.memory_space<vmem>>
        tpu.wait_dma2 semaphore(%arg14 : memref<!tpu.dma_semaphore, #tpu.memory_space<semaphore_mem>>) src(%dma_wait3A_523 : memref<320x64xf32, #tpu.memory_space<vmem>>) dst(%dma_wait3A_519 : memref<320x64xf32, #tpu.memory_space<hbm>>)
      } else {
      }
      %rem3A_481 = arith.constant 2 : i32
      %rem3A_482 = arith.remsi %scan3A_287, %rem3A_481 : i32
      %scan3A_483 = arith.constant 0 : i32
      %scan3A_484 = arith.constant 0 : i32
      %scan3A_485 = arith.constant 40 : i32
      %scan3A_486 = arith.addi %scan3A_484, %scan3A_485 : i32
      %scan3A_487 = arith.constant 1 : i32
      scf.for %scan3A_506 = %scan3A_484 to %scan3A_486 step %scan3A_487  : i32 {
        %mul3A_507 = arith.constant 8 : i32
        %mul3A_508 = arith.muli %scan3A_506, %mul3A_507 : i32
        %add3A_509 = arith.constant 0 : i32
        %add3A_510 = arith.addi %mul3A_508, %add3A_509 : i32
        %get3A_511 = arith.constant 0 : i32
        %get3A_512 = arith.constant 0 : i32
        %get3A_513 = tpu.memref_slice %arg8[%rem3A_482, %get3A_511, %get3A_512] : memref<2x320x128xf32, #tpu.memory_space<vmem>> -> memref<1x320x128xf32, #tpu.memory_space<vmem>>
        %get3A_514 = tpu.memref_squeeze %get3A_513 : memref<1x320x128xf32, #tpu.memory_space<vmem>> -> memref<320x128xf32, #tpu.memory_space<vmem>>
        %get3A_515 = arith.index_cast %add3A_510 : i32 to index
        %get3A_516 = arith.constant 0 : index
        %get3A_517 = tpu.vector_load %get3A_514[%get3A_515, %get3A_516] {strides = array<i32>} : memref<320x128xf32, #tpu.memory_space<vmem>>, vector<16xf32>,
        %get3A_518 = arith.constant 0 : i32
        %get3A_519 = arith.constant 0 : i32
        %get3A_520 = tpu.memref_slice %arg8[%rem3A_482, %get3A_518, %get3A_519] : memref<2x320x128xf32, #tpu.memory_space<vmem>> -> memref<1x320x128xf32, #tpu.memory_space<vmem>>
        %get3A_521 = tpu.memref_squeeze %get3A_520 : memref<1x320x128xf32, #tpu.memory_space<vmem>> -> memref<320x128xf32, #tpu.memory_space<vmem>>
        %get3A_522 = arith.index_cast %add3A_510 : i32 to index
        %get3A_523 = arith.constant 16 : index
        %get3A_524 = tpu.vector_load %get3A_521[%get3A_522, %get3A_523] {strides = array<i32>} : memref<320x128xf32, #tpu.memory_space<vmem>>, vector<16xf32>,
        %get3A_525 = arith.constant 0 : i32
        %get3A_526 = arith.constant 0 : i32
        %get3A_527 = tpu.memref_slice %arg8[%rem3A_482, %get3A_525, %get3A_526] : memref<2x320x128xf32, #tpu.memory_space<vmem>> -> memref<1x320x128xf32, #tpu.memory_space<vmem>>
        %get3A_528 = tpu.memref_squeeze %get3A_527 : memref<1x320x128xf32, #tpu.memory_space<vmem>> -> memref<320x128xf32, #tpu.memory_space<vmem>>
        %get3A_529 = arith.index_cast %add3A_510 : i32 to index
        %get3A_530 = arith.constant 32 : index
        %get3A_531 = tpu.vector_load %get3A_528[%get3A_529, %get3A_530] {strides = array<i32>} : memref<320x128xf32, #tpu.memory_space<vmem>>, vector<16xf32>,
        %get3A_532 = arith.constant 0 : i32
        %get3A_533 = arith.constant 0 : i32
        %get3A_534 = tpu.memref_slice %arg8[%rem3A_482, %get3A_532, %get3A_533] : memref<2x320x128xf32, #tpu.memory_space<vmem>> -> memref<1x320x128xf32, #tpu.memory_space<vmem>>
        %get3A_535 = tpu.memref_squeeze %get3A_534 : memref<1x320x128xf32, #tpu.memory_space<vmem>> -> memref<320x128xf32, #tpu.memory_space<vmem>>
        %get3A_536 = arith.index_cast %add3A_510 : i32 to index
        %get3A_537 = arith.constant 48 : index
        %get3A_538 = tpu.vector_load %get3A_535[%get3A_536, %get3A_537] {strides = array<i32>} : memref<320x128xf32, #tpu.memory_space<vmem>>, vector<16xf32>,
        %add3A_539 = arith.addf %get3A_517, %get3A_524 : vector<16xf32>
        %add3A_540 = arith.addf %get3A_531, %get3A_538 : vector<16xf32>
        %add3A_541 = arith.addf %add3A_539, %add3A_540 : vector<16xf32>
        %mul3A_542 = arith.mulf %get3A_517, %get3A_517 : vector<16xf32>
        %mul3A_543 = arith.mulf %get3A_524, %get3A_524 : vector<16xf32>
        %add3A_544 = arith.addf %mul3A_542, %mul3A_543 : vector<16xf32>
        %mul3A_545 = arith.mulf %get3A_531, %get3A_531 : vector<16xf32>
        %mul3A_546 = arith.mulf %get3A_538, %get3A_538 : vector<16xf32>
        %add3A_547 = arith.addf %mul3A_545, %mul3A_546 : vector<16xf32>
        %add3A_548 = arith.addf %add3A_544, %add3A_547 : vector<16xf32>
        %broadcast_in_dim3A_549 = arith.constant true
        %broadcast_in_dim3A_550 = vector.broadcast %broadcast_in_dim3A_549 : i1 to vector<16xi1>
        %masked_cumsum3A = tpu.scan <sum>, %add3A_541 masked %broadcast_in_dim3A_550 : vector<16xf32>, vector<16xi1> -> vector<16xf32>
        %lt3A_551 = arith.constant 0 : i32
        %lt3A_552 = vector.broadcast %lt3A_551 : i32 to vector<16xi32>
        %lt3A_553 = arith.cmpi slt, %broadcast_in_dim3A_20, %lt3A_552 : vector<16xi32>
        %add3A_554 = arith.constant 16 : i32
        %add3A_555 = vector.broadcast %add3A_554 : i32 to vector<16xi32>
        %add3A_556 = arith.addi %broadcast_in_dim3A_20, %add3A_555 : vector<16xi32>
        %select_n3A = arith.select %lt3A_553, %add3A_556, %broadcast_in_dim3A_20 : vector<16xi1>, vector<16xi32>
        %broadcast_in_dim3A_557 = vector.shape_cast %select_n3A : vector<16xi32> to vector<16x1xi32>
        %gather3A = vector.shape_cast %broadcast_in_dim3A_557 : vector<16x1xi32> to vector<16xi32>
        %gather3A_558 = tpu.dynamic_gather %masked_cumsum3A[%gather3A] in [0] : vector<16xf32>, vector<16xi32> -> vector<16xf32>
        %broadcast_in_dim3A_559 = arith.constant true
        %broadcast_in_dim3A_560 = vector.broadcast %broadcast_in_dim3A_559 : i1 to vector<16xi1>
        %masked_cumsum3A_561 = tpu.scan <sum>, %add3A_548 masked %broadcast_in_dim3A_560 : vector<16xf32>, vector<16xi1> -> vector<16xf32>
        %lt3A_562 = arith.constant 0 : i32
        %lt3A_563 = vector.broadcast %lt3A_562 : i32 to vector<16xi32>
        %lt3A_564 = arith.cmpi slt, %broadcast_in_dim3A_20, %lt3A_563 : vector<16xi32>
        %add3A_565 = arith.constant 16 : i32
        %add3A_566 = vector.broadcast %add3A_565 : i32 to vector<16xi32>
        %add3A_567 = arith.addi %broadcast_in_dim3A_20, %add3A_566 : vector<16xi32>
        %select_n3A_568 = arith.select %lt3A_564, %add3A_567, %broadcast_in_dim3A_20 : vector<16xi1>, vector<16xi32>
        %broadcast_in_dim3A_569 = vector.shape_cast %select_n3A_568 : vector<16xi32> to vector<16x1xi32>
        %gather3A_570 = vector.shape_cast %broadcast_in_dim3A_569 : vector<16x1xi32> to vector<16xi32>
        %gather3A_571 = tpu.dynamic_gather %masked_cumsum3A_561[%gather3A_570] in [0] : vector<16xf32>, vector<16xi32> -> vector<16xf32>
        %mul3A_572 = arith.constant 1.562500e-02 : f32
        %mul3A_573 = vector.broadcast %mul3A_572 : f32 to vector<16xf32>
        %mul3A_574 = arith.mulf %gather3A_558, %mul3A_573 : vector<16xf32>
        %mul3A_575 = arith.constant 1.562500e-02 : f32
        %mul3A_576 = vector.broadcast %mul3A_575 : f32 to vector<16xf32>
        %mul3A_577 = arith.mulf %gather3A_571, %mul3A_576 : vector<16xf32>
        %mul3A_578 = arith.mulf %mul3A_574, %mul3A_574 : vector<16xf32>
        %sub3A = arith.subf %mul3A_577, %mul3A_578 : vector<16xf32>
        %add3A_579 = arith.constant 9.99999974E-6 : f32
        %add3A_580 = vector.broadcast %add3A_579 : f32 to vector<16xf32>
        %add3A_581 = arith.addf %sub3A, %add3A_580 : vector<16xf32>
        %bitcast3A = vector.bitcast %add3A_581 : vector<16xf32> to vector<16xi32>
        %shift_right_arithmetic3A = arith.constant 1 : i32
        %shift_right_arithmetic3A_582 = vector.broadcast %shift_right_arithmetic3A : i32 to vector<16xi32>
        %shift_right_arithmetic3A_583 = arith.shrsi %bitcast3A, %shift_right_arithmetic3A_582 : vector<16xi32>
        %sub3A_584 = arith.constant 1597463007 : i32
        %sub3A_585 = vector.broadcast %sub3A_584 : i32 to vector<16xi32>
        %sub3A_586 = arith.subi %sub3A_585, %shift_right_arithmetic3A_583 : vector<16xi32>
        %bitcast3A_587 = vector.bitcast %sub3A_586 : vector<16xi32> to vector<16xf32>
        %mul3A_588 = arith.constant 5.000000e-01 : f32
        %mul3A_589 = vector.broadcast %mul3A_588 : f32 to vector<16xf32>
        %mul3A_590 = arith.mulf %add3A_581, %mul3A_589 : vector<16xf32>
        %mul3A_591 = arith.mulf %mul3A_590, %bitcast3A_587 : vector<16xf32>
        %mul3A_592 = arith.mulf %mul3A_591, %bitcast3A_587 : vector<16xf32>
        %sub3A_593 = arith.constant 1.500000e+00 : f32
        %sub3A_594 = vector.broadcast %sub3A_593 : f32 to vector<16xf32>
        %sub3A_595 = arith.subf %sub3A_594, %mul3A_592 : vector<16xf32>
        %mul3A_596 = arith.mulf %bitcast3A_587, %sub3A_595 : vector<16xf32>
        %mul3A_597 = arith.mulf %mul3A_590, %mul3A_596 : vector<16xf32>
        %mul3A_598 = arith.mulf %mul3A_597, %mul3A_596 : vector<16xf32>
        %sub3A_599 = arith.constant 1.500000e+00 : f32
        %sub3A_600 = vector.broadcast %sub3A_599 : f32 to vector<16xf32>
        %sub3A_601 = arith.subf %sub3A_600, %mul3A_598 : vector<16xf32>
        %mul3A_602 = arith.mulf %mul3A_596, %sub3A_601 : vector<16xf32>
        %neg3A = arith.constant 0.000000e+00 : f32
        %neg3A_603 = vector.broadcast %neg3A : f32 to vector<16xf32>
        %neg3A_604 = arith.subf %neg3A_603, %mul3A_574 : vector<16xf32>
        %mul3A_605 = arith.mulf %neg3A_604, %mul3A_602 : vector<16xf32>
        %mul3A_606 = arith.mulf %get3A_517, %mul3A_602 : vector<16xf32>
        %add3A_607 = arith.addf %mul3A_606, %mul3A_605 : vector<16xf32>
        %mul3A_608 = arith.mulf %add3A_607, %get3A_5 : vector<16xf32>
        %add3A_609 = arith.addf %mul3A_608, %get3A_13 : vector<16xf32>
        %swap3A = arith.constant 0 : i32
        %swap3A_610 = arith.constant 0 : i32
        %swap3A_611 = tpu.memref_slice %arg9[%rem3A_482, %swap3A, %swap3A_610] : memref<2x320x64xf32, #tpu.memory_space<vmem>> -> memref<1x320x64xf32, #tpu.memory_space<vmem>>
        %swap3A_612 = tpu.memref_squeeze %swap3A_611 : memref<1x320x64xf32, #tpu.memory_space<vmem>> -> memref<320x64xf32, #tpu.memory_space<vmem>>
        %swap3A_613 = arith.index_cast %add3A_510 : i32 to index
        %swap3A_614 = arith.constant 0 : index
        %swap3A_615 = tpu.vector_load %swap3A_612[%swap3A_613, %swap3A_614] {strides = array<i32>} : memref<320x64xf32, #tpu.memory_space<vmem>>, vector<16xf32>,
        tpu.vector_store %swap3A_612[%swap3A_613, %swap3A_614], %add3A_609 {strides = array<i32>} : memref<320x64xf32, #tpu.memory_space<vmem>>, vector<16xf32>,
        %mul3A_616 = arith.mulf %get3A_524, %mul3A_602 : vector<16xf32>
        %add3A_617 = arith.addf %mul3A_616, %mul3A_605 : vector<16xf32>
        %mul3A_618 = arith.mulf %add3A_617, %get3A_7 : vector<16xf32>
        %add3A_619 = arith.addf %mul3A_618, %get3A_15 : vector<16xf32>
        %swap3A_620 = arith.constant 0 : i32
        %swap3A_621 = arith.constant 0 : i32
        %swap3A_622 = tpu.memref_slice %arg9[%rem3A_482, %swap3A_620, %swap3A_621] : memref<2x320x64xf32, #tpu.memory_space<vmem>> -> memref<1x320x64xf32, #tpu.memory_space<vmem>>
        %swap3A_623 = tpu.memref_squeeze %swap3A_622 : memref<1x320x64xf32, #tpu.memory_space<vmem>> -> memref<320x64xf32, #tpu.memory_space<vmem>>
        %swap3A_624 = arith.index_cast %add3A_510 : i32 to index
        %swap3A_625 = arith.constant 16 : index
        %swap3A_626 = tpu.vector_load %swap3A_623[%swap3A_624, %swap3A_625] {strides = array<i32>} : memref<320x64xf32, #tpu.memory_space<vmem>>, vector<16xf32>,
        tpu.vector_store %swap3A_623[%swap3A_624, %swap3A_625], %add3A_619 {strides = array<i32>} : memref<320x64xf32, #tpu.memory_space<vmem>>, vector<16xf32>,
        %mul3A_627 = arith.mulf %get3A_531, %mul3A_602 : vector<16xf32>
        %add3A_628 = arith.addf %mul3A_627, %mul3A_605 : vector<16xf32>
        %mul3A_629 = arith.mulf %add3A_628, %get3A_9 : vector<16xf32>
        %add3A_630 = arith.addf %mul3A_629, %get3A_17 : vector<16xf32>
        %swap3A_631 = arith.constant 0 : i32
        %swap3A_632 = arith.constant 0 : i32
        %swap3A_633 = tpu.memref_slice %arg9[%rem3A_482, %swap3A_631, %swap3A_632] : memref<2x320x64xf32, #tpu.memory_space<vmem>> -> memref<1x320x64xf32, #tpu.memory_space<vmem>>
        %swap3A_634 = tpu.memref_squeeze %swap3A_633 : memref<1x320x64xf32, #tpu.memory_space<vmem>> -> memref<320x64xf32, #tpu.memory_space<vmem>>
        %swap3A_635 = arith.index_cast %add3A_510 : i32 to index
        %swap3A_636 = arith.constant 32 : index
        %swap3A_637 = tpu.vector_load %swap3A_634[%swap3A_635, %swap3A_636] {strides = array<i32>} : memref<320x64xf32, #tpu.memory_space<vmem>>, vector<16xf32>,
        tpu.vector_store %swap3A_634[%swap3A_635, %swap3A_636], %add3A_630 {strides = array<i32>} : memref<320x64xf32, #tpu.memory_space<vmem>>, vector<16xf32>,
        %mul3A_638 = arith.mulf %get3A_538, %mul3A_602 : vector<16xf32>
        %add3A_639 = arith.addf %mul3A_638, %mul3A_605 : vector<16xf32>
        %mul3A_640 = arith.mulf %add3A_639, %get3A_11 : vector<16xf32>
        %add3A_641 = arith.addf %mul3A_640, %get3A_19 : vector<16xf32>
        %swap3A_642 = arith.constant 0 : i32
        %swap3A_643 = arith.constant 0 : i32
        %swap3A_644 = tpu.memref_slice %arg9[%rem3A_482, %swap3A_642, %swap3A_643] : memref<2x320x64xf32, #tpu.memory_space<vmem>> -> memref<1x320x64xf32, #tpu.memory_space<vmem>>
        %swap3A_645 = tpu.memref_squeeze %swap3A_644 : memref<1x320x64xf32, #tpu.memory_space<vmem>> -> memref<320x64xf32, #tpu.memory_space<vmem>>
        %swap3A_646 = arith.index_cast %add3A_510 : i32 to index
        %swap3A_647 = arith.constant 48 : index
        %swap3A_648 = tpu.vector_load %swap3A_645[%swap3A_646, %swap3A_647] {strides = array<i32>} : memref<320x64xf32, #tpu.memory_space<vmem>>, vector<16xf32>,
        tpu.vector_store %swap3A_645[%swap3A_646, %swap3A_647], %add3A_641 {strides = array<i32>} : memref<320x64xf32, #tpu.memory_space<vmem>>, vector<16xf32>,
        %mul3A_649 = arith.constant 8 : i32
        %mul3A_650 = arith.muli %scan3A_506, %mul3A_649 : i32
        %add3A_651 = arith.constant 1 : i32
        %add3A_652 = arith.addi %mul3A_650, %add3A_651 : i32
        %get3A_653 = arith.constant 0 : i32
        %get3A_654 = arith.constant 0 : i32
        %get3A_655 = tpu.memref_slice %arg8[%rem3A_482, %get3A_653, %get3A_654] : memref<2x320x128xf32, #tpu.memory_space<vmem>> -> memref<1x320x128xf32, #tpu.memory_space<vmem>>
        %get3A_656 = tpu.memref_squeeze %get3A_655 : memref<1x320x128xf32, #tpu.memory_space<vmem>> -> memref<320x128xf32, #tpu.memory_space<vmem>>
        %get3A_657 = arith.index_cast %add3A_652 : i32 to index
        %get3A_658 = arith.constant 0 : index
        %get3A_659 = tpu.vector_load %get3A_656[%get3A_657, %get3A_658] {strides = array<i32>} : memref<320x128xf32, #tpu.memory_space<vmem>>, vector<16xf32>,
        %get3A_660 = arith.constant 0 : i32
        %get3A_661 = arith.constant 0 : i32
        %get3A_662 = tpu.memref_slice %arg8[%rem3A_482, %get3A_660, %get3A_661] : memref<2x320x128xf32, #tpu.memory_space<vmem>> -> memref<1x320x128xf32, #tpu.memory_space<vmem>>
        %get3A_663 = tpu.memref_squeeze %get3A_662 : memref<1x320x128xf32, #tpu.memory_space<vmem>> -> memref<320x128xf32, #tpu.memory_space<vmem>>
        %get3A_664 = arith.index_cast %add3A_652 : i32 to index
        %get3A_665 = arith.constant 16 : index
        %get3A_666 = tpu.vector_load %get3A_663[%get3A_664, %get3A_665] {strides = array<i32>} : memref<320x128xf32, #tpu.memory_space<vmem>>, vector<16xf32>,
        %get3A_667 = arith.constant 0 : i32
        %get3A_668 = arith.constant 0 : i32
        %get3A_669 = tpu.memref_slice %arg8[%rem3A_482, %get3A_667, %get3A_668] : memref<2x320x128xf32, #tpu.memory_space<vmem>> -> memref<1x320x128xf32, #tpu.memory_space<vmem>>
        %get3A_670 = tpu.memref_squeeze %get3A_669 : memref<1x320x128xf32, #tpu.memory_space<vmem>> -> memref<320x128xf32, #tpu.memory_space<vmem>>
        %get3A_671 = arith.index_cast %add3A_652 : i32 to index
        %get3A_672 = arith.constant 32 : index
        %get3A_673 = tpu.vector_load %get3A_670[%get3A_671, %get3A_672] {strides = array<i32>} : memref<320x128xf32, #tpu.memory_space<vmem>>, vector<16xf32>,
        %get3A_674 = arith.constant 0 : i32
        %get3A_675 = arith.constant 0 : i32
        %get3A_676 = tpu.memref_slice %arg8[%rem3A_482, %get3A_674, %get3A_675] : memref<2x320x128xf32, #tpu.memory_space<vmem>> -> memref<1x320x128xf32, #tpu.memory_space<vmem>>
        %get3A_677 = tpu.memref_squeeze %get3A_676 : memref<1x320x128xf32, #tpu.memory_space<vmem>> -> memref<320x128xf32, #tpu.memory_space<vmem>>
        %get3A_678 = arith.index_cast %add3A_652 : i32 to index
        %get3A_679 = arith.constant 48 : index
        %get3A_680 = tpu.vector_load %get3A_677[%get3A_678, %get3A_679] {strides = array<i32>} : memref<320x128xf32, #tpu.memory_space<vmem>>, vector<16xf32>,
        %add3A_681 = arith.addf %get3A_659, %get3A_666 : vector<16xf32>
        %add3A_682 = arith.addf %get3A_673, %get3A_680 : vector<16xf32>
        %add3A_683 = arith.addf %add3A_681, %add3A_682 : vector<16xf32>
        %mul3A_684 = arith.mulf %get3A_659, %get3A_659 : vector<16xf32>
        %mul3A_685 = arith.mulf %get3A_666, %get3A_666 : vector<16xf32>
        %add3A_686 = arith.addf %mul3A_684, %mul3A_685 : vector<16xf32>
        %mul3A_687 = arith.mulf %get3A_673, %get3A_673 : vector<16xf32>
        %mul3A_688 = arith.mulf %get3A_680, %get3A_680 : vector<16xf32>
        %add3A_689 = arith.addf %mul3A_687, %mul3A_688 : vector<16xf32>
        %add3A_690 = arith.addf %add3A_686, %add3A_689 : vector<16xf32>
        %broadcast_in_dim3A_691 = arith.constant true
        %broadcast_in_dim3A_692 = vector.broadcast %broadcast_in_dim3A_691 : i1 to vector<16xi1>
        %masked_cumsum3A_693 = tpu.scan <sum>, %add3A_683 masked %broadcast_in_dim3A_692 : vector<16xf32>, vector<16xi1> -> vector<16xf32>
        %lt3A_694 = arith.constant 0 : i32
        %lt3A_695 = vector.broadcast %lt3A_694 : i32 to vector<16xi32>
        %lt3A_696 = arith.cmpi slt, %broadcast_in_dim3A_20, %lt3A_695 : vector<16xi32>
        %add3A_697 = arith.constant 16 : i32
        %add3A_698 = vector.broadcast %add3A_697 : i32 to vector<16xi32>
        %add3A_699 = arith.addi %broadcast_in_dim3A_20, %add3A_698 : vector<16xi32>
        %select_n3A_700 = arith.select %lt3A_696, %add3A_699, %broadcast_in_dim3A_20 : vector<16xi1>, vector<16xi32>
        %broadcast_in_dim3A_701 = vector.shape_cast %select_n3A_700 : vector<16xi32> to vector<16x1xi32>
        %gather3A_702 = vector.shape_cast %broadcast_in_dim3A_701 : vector<16x1xi32> to vector<16xi32>
        %gather3A_703 = tpu.dynamic_gather %masked_cumsum3A_693[%gather3A_702] in [0] : vector<16xf32>, vector<16xi32> -> vector<16xf32>
        %broadcast_in_dim3A_704 = arith.constant true
        %broadcast_in_dim3A_705 = vector.broadcast %broadcast_in_dim3A_704 : i1 to vector<16xi1>
        %masked_cumsum3A_706 = tpu.scan <sum>, %add3A_690 masked %broadcast_in_dim3A_705 : vector<16xf32>, vector<16xi1> -> vector<16xf32>
        %lt3A_707 = arith.constant 0 : i32
        %lt3A_708 = vector.broadcast %lt3A_707 : i32 to vector<16xi32>
        %lt3A_709 = arith.cmpi slt, %broadcast_in_dim3A_20, %lt3A_708 : vector<16xi32>
        %add3A_710 = arith.constant 16 : i32
        %add3A_711 = vector.broadcast %add3A_710 : i32 to vector<16xi32>
        %add3A_712 = arith.addi %broadcast_in_dim3A_20, %add3A_711 : vector<16xi32>
        %select_n3A_713 = arith.select %lt3A_709, %add3A_712, %broadcast_in_dim3A_20 : vector<16xi1>, vector<16xi32>
        %broadcast_in_dim3A_714 = vector.shape_cast %select_n3A_713 : vector<16xi32> to vector<16x1xi32>
        %gather3A_715 = vector.shape_cast %broadcast_in_dim3A_714 : vector<16x1xi32> to vector<16xi32>
        %gather3A_716 = tpu.dynamic_gather %masked_cumsum3A_706[%gather3A_715] in [0] : vector<16xf32>, vector<16xi32> -> vector<16xf32>
        %mul3A_717 = arith.constant 1.562500e-02 : f32
        %mul3A_718 = vector.broadcast %mul3A_717 : f32 to vector<16xf32>
        %mul3A_719 = arith.mulf %gather3A_703, %mul3A_718 : vector<16xf32>
        %mul3A_720 = arith.constant 1.562500e-02 : f32
        %mul3A_721 = vector.broadcast %mul3A_720 : f32 to vector<16xf32>
        %mul3A_722 = arith.mulf %gather3A_716, %mul3A_721 : vector<16xf32>
        %mul3A_723 = arith.mulf %mul3A_719, %mul3A_719 : vector<16xf32>
        %sub3A_724 = arith.subf %mul3A_722, %mul3A_723 : vector<16xf32>
        %add3A_725 = arith.constant 9.99999974E-6 : f32
        %add3A_726 = vector.broadcast %add3A_725 : f32 to vector<16xf32>
        %add3A_727 = arith.addf %sub3A_724, %add3A_726 : vector<16xf32>
        %bitcast3A_728 = vector.bitcast %add3A_727 : vector<16xf32> to vector<16xi32>
        %shift_right_arithmetic3A_729 = arith.constant 1 : i32
        %shift_right_arithmetic3A_730 = vector.broadcast %shift_right_arithmetic3A_729 : i32 to vector<16xi32>
        %shift_right_arithmetic3A_731 = arith.shrsi %bitcast3A_728, %shift_right_arithmetic3A_730 : vector<16xi32>
        %sub3A_732 = arith.constant 1597463007 : i32
        %sub3A_733 = vector.broadcast %sub3A_732 : i32 to vector<16xi32>
        %sub3A_734 = arith.subi %sub3A_733, %shift_right_arithmetic3A_731 : vector<16xi32>
        %bitcast3A_735 = vector.bitcast %sub3A_734 : vector<16xi32> to vector<16xf32>
        %mul3A_736 = arith.constant 5.000000e-01 : f32
        %mul3A_737 = vector.broadcast %mul3A_736 : f32 to vector<16xf32>
        %mul3A_738 = arith.mulf %add3A_727, %mul3A_737 : vector<16xf32>
        %mul3A_739 = arith.mulf %mul3A_738, %bitcast3A_735 : vector<16xf32>
        %mul3A_740 = arith.mulf %mul3A_739, %bitcast3A_735 : vector<16xf32>
        %sub3A_741 = arith.constant 1.500000e+00 : f32
        %sub3A_742 = vector.broadcast %sub3A_741 : f32 to vector<16xf32>
        %sub3A_743 = arith.subf %sub3A_742, %mul3A_740 : vector<16xf32>
        %mul3A_744 = arith.mulf %bitcast3A_735, %sub3A_743 : vector<16xf32>
        %mul3A_745 = arith.mulf %mul3A_738, %mul3A_744 : vector<16xf32>
        %mul3A_746 = arith.mulf %mul3A_745, %mul3A_744 : vector<16xf32>
        %sub3A_747 = arith.constant 1.500000e+00 : f32
        %sub3A_748 = vector.broadcast %sub3A_747 : f32 to vector<16xf32>
        %sub3A_749 = arith.subf %sub3A_748, %mul3A_746 : vector<16xf32>
        %mul3A_750 = arith.mulf %mul3A_744, %sub3A_749 : vector<16xf32>
        %neg3A_751 = arith.constant 0.000000e+00 : f32
        %neg3A_752 = vector.broadcast %neg3A_751 : f32 to vector<16xf32>
        %neg3A_753 = arith.subf %neg3A_752, %mul3A_719 : vector<16xf32>
        %mul3A_754 = arith.mulf %neg3A_753, %mul3A_750 : vector<16xf32>
        %mul3A_755 = arith.mulf %get3A_659, %mul3A_750 : vector<16xf32>
        %add3A_756 = arith.addf %mul3A_755, %mul3A_754 : vector<16xf32>
        %mul3A_757 = arith.mulf %add3A_756, %get3A_5 : vector<16xf32>
        %add3A_758 = arith.addf %mul3A_757, %get3A_13 : vector<16xf32>
        %swap3A_759 = arith.constant 0 : i32
        %swap3A_760 = arith.constant 0 : i32
        %swap3A_761 = tpu.memref_slice %arg9[%rem3A_482, %swap3A_759, %swap3A_760] : memref<2x320x64xf32, #tpu.memory_space<vmem>> -> memref<1x320x64xf32, #tpu.memory_space<vmem>>
        %swap3A_762 = tpu.memref_squeeze %swap3A_761 : memref<1x320x64xf32, #tpu.memory_space<vmem>> -> memref<320x64xf32, #tpu.memory_space<vmem>>
        %swap3A_763 = arith.index_cast %add3A_652 : i32 to index
        %swap3A_764 = arith.constant 0 : index
        %swap3A_765 = tpu.vector_load %swap3A_762[%swap3A_763, %swap3A_764] {strides = array<i32>} : memref<320x64xf32, #tpu.memory_space<vmem>>, vector<16xf32>,
        tpu.vector_store %swap3A_762[%swap3A_763, %swap3A_764], %add3A_758 {strides = array<i32>} : memref<320x64xf32, #tpu.memory_space<vmem>>, vector<16xf32>,
        %mul3A_766 = arith.mulf %get3A_666, %mul3A_750 : vector<16xf32>
        %add3A_767 = arith.addf %mul3A_766, %mul3A_754 : vector<16xf32>
        %mul3A_768 = arith.mulf %add3A_767, %get3A_7 : vector<16xf32>
        %add3A_769 = arith.addf %mul3A_768, %get3A_15 : vector<16xf32>
        %swap3A_770 = arith.constant 0 : i32
        %swap3A_771 = arith.constant 0 : i32
        %swap3A_772 = tpu.memref_slice %arg9[%rem3A_482, %swap3A_770, %swap3A_771] : memref<2x320x64xf32, #tpu.memory_space<vmem>> -> memref<1x320x64xf32, #tpu.memory_space<vmem>>
        %swap3A_773 = tpu.memref_squeeze %swap3A_772 : memref<1x320x64xf32, #tpu.memory_space<vmem>> -> memref<320x64xf32, #tpu.memory_space<vmem>>
        %swap3A_774 = arith.index_cast %add3A_652 : i32 to index
        %swap3A_775 = arith.constant 16 : index
        %swap3A_776 = tpu.vector_load %swap3A_773[%swap3A_774, %swap3A_775] {strides = array<i32>} : memref<320x64xf32, #tpu.memory_space<vmem>>, vector<16xf32>,
        tpu.vector_store %swap3A_773[%swap3A_774, %swap3A_775], %add3A_769 {strides = array<i32>} : memref<320x64xf32, #tpu.memory_space<vmem>>, vector<16xf32>,
        %mul3A_777 = arith.mulf %get3A_673, %mul3A_750 : vector<16xf32>
        %add3A_778 = arith.addf %mul3A_777, %mul3A_754 : vector<16xf32>
        %mul3A_779 = arith.mulf %add3A_778, %get3A_9 : vector<16xf32>
        %add3A_780 = arith.addf %mul3A_779, %get3A_17 : vector<16xf32>
        %swap3A_781 = arith.constant 0 : i32
        %swap3A_782 = arith.constant 0 : i32
        %swap3A_783 = tpu.memref_slice %arg9[%rem3A_482, %swap3A_781, %swap3A_782] : memref<2x320x64xf32, #tpu.memory_space<vmem>> -> memref<1x320x64xf32, #tpu.memory_space<vmem>>
        %swap3A_784 = tpu.memref_squeeze %swap3A_783 : memref<1x320x64xf32, #tpu.memory_space<vmem>> -> memref<320x64xf32, #tpu.memory_space<vmem>>
        %swap3A_785 = arith.index_cast %add3A_652 : i32 to index
        %swap3A_786 = arith.constant 32 : index
        %swap3A_787 = tpu.vector_load %swap3A_784[%swap3A_785, %swap3A_786] {strides = array<i32>} : memref<320x64xf32, #tpu.memory_space<vmem>>, vector<16xf32>,
        tpu.vector_store %swap3A_784[%swap3A_785, %swap3A_786], %add3A_780 {strides = array<i32>} : memref<320x64xf32, #tpu.memory_space<vmem>>, vector<16xf32>,
        %mul3A_788 = arith.mulf %get3A_680, %mul3A_750 : vector<16xf32>
        %add3A_789 = arith.addf %mul3A_788, %mul3A_754 : vector<16xf32>
        %mul3A_790 = arith.mulf %add3A_789, %get3A_11 : vector<16xf32>
        %add3A_791 = arith.addf %mul3A_790, %get3A_19 : vector<16xf32>
        %swap3A_792 = arith.constant 0 : i32
        %swap3A_793 = arith.constant 0 : i32
        %swap3A_794 = tpu.memref_slice %arg9[%rem3A_482, %swap3A_792, %swap3A_793] : memref<2x320x64xf32, #tpu.memory_space<vmem>> -> memref<1x320x64xf32, #tpu.memory_space<vmem>>
        %swap3A_795 = tpu.memref_squeeze %swap3A_794 : memref<1x320x64xf32, #tpu.memory_space<vmem>> -> memref<320x64xf32, #tpu.memory_space<vmem>>
        %swap3A_796 = arith.index_cast %add3A_652 : i32 to index
        %swap3A_797 = arith.constant 48 : index
        %swap3A_798 = tpu.vector_load %swap3A_795[%swap3A_796, %swap3A_797] {strides = array<i32>} : memref<320x64xf32, #tpu.memory_space<vmem>>, vector<16xf32>,
        tpu.vector_store %swap3A_795[%swap3A_796, %swap3A_797], %add3A_791 {strides = array<i32>} : memref<320x64xf32, #tpu.memory_space<vmem>>, vector<16xf32>,
        %mul3A_799 = arith.constant 8 : i32
        %mul3A_800 = arith.muli %scan3A_506, %mul3A_799 : i32
        %add3A_801 = arith.constant 2 : i32
        %add3A_802 = arith.addi %mul3A_800, %add3A_801 : i32
        %get3A_803 = arith.constant 0 : i32
        %get3A_804 = arith.constant 0 : i32
        %get3A_805 = tpu.memref_slice %arg8[%rem3A_482, %get3A_803, %get3A_804] : memref<2x320x128xf32, #tpu.memory_space<vmem>> -> memref<1x320x128xf32, #tpu.memory_space<vmem>>
        %get3A_806 = tpu.memref_squeeze %get3A_805 : memref<1x320x128xf32, #tpu.memory_space<vmem>> -> memref<320x128xf32, #tpu.memory_space<vmem>>
        %get3A_807 = arith.index_cast %add3A_802 : i32 to index
        %get3A_808 = arith.constant 0 : index
        %get3A_809 = tpu.vector_load %get3A_806[%get3A_807, %get3A_808] {strides = array<i32>} : memref<320x128xf32, #tpu.memory_space<vmem>>, vector<16xf32>,
        %get3A_810 = arith.constant 0 : i32
        %get3A_811 = arith.constant 0 : i32
        %get3A_812 = tpu.memref_slice %arg8[%rem3A_482, %get3A_810, %get3A_811] : memref<2x320x128xf32, #tpu.memory_space<vmem>> -> memref<1x320x128xf32, #tpu.memory_space<vmem>>
        %get3A_813 = tpu.memref_squeeze %get3A_812 : memref<1x320x128xf32, #tpu.memory_space<vmem>> -> memref<320x128xf32, #tpu.memory_space<vmem>>
        %get3A_814 = arith.index_cast %add3A_802 : i32 to index
        %get3A_815 = arith.constant 16 : index
        %get3A_816 = tpu.vector_load %get3A_813[%get3A_814, %get3A_815] {strides = array<i32>} : memref<320x128xf32, #tpu.memory_space<vmem>>, vector<16xf32>,
        %get3A_817 = arith.constant 0 : i32
        %get3A_818 = arith.constant 0 : i32
        %get3A_819 = tpu.memref_slice %arg8[%rem3A_482, %get3A_817, %get3A_818] : memref<2x320x128xf32, #tpu.memory_space<vmem>> -> memref<1x320x128xf32, #tpu.memory_space<vmem>>
        %get3A_820 = tpu.memref_squeeze %get3A_819 : memref<1x320x128xf32, #tpu.memory_space<vmem>> -> memref<320x128xf32, #tpu.memory_space<vmem>>
        %get3A_821 = arith.index_cast %add3A_802 : i32 to index
        %get3A_822 = arith.constant 32 : index
        %get3A_823 = tpu.vector_load %get3A_820[%get3A_821, %get3A_822] {strides = array<i32>} : memref<320x128xf32, #tpu.memory_space<vmem>>, vector<16xf32>,
        %get3A_824 = arith.constant 0 : i32
        %get3A_825 = arith.constant 0 : i32
        %get3A_826 = tpu.memref_slice %arg8[%rem3A_482, %get3A_824, %get3A_825] : memref<2x320x128xf32, #tpu.memory_space<vmem>> -> memref<1x320x128xf32, #tpu.memory_space<vmem>>
        %get3A_827 = tpu.memref_squeeze %get3A_826 : memref<1x320x128xf32, #tpu.memory_space<vmem>> -> memref<320x128xf32, #tpu.memory_space<vmem>>
        %get3A_828 = arith.index_cast %add3A_802 : i32 to index
        %get3A_829 = arith.constant 48 : index
        %get3A_830 = tpu.vector_load %get3A_827[%get3A_828, %get3A_829] {strides = array<i32>} : memref<320x128xf32, #tpu.memory_space<vmem>>, vector<16xf32>,
        %add3A_831 = arith.addf %get3A_809, %get3A_816 : vector<16xf32>
        %add3A_832 = arith.addf %get3A_823, %get3A_830 : vector<16xf32>
        %add3A_833 = arith.addf %add3A_831, %add3A_832 : vector<16xf32>
        %mul3A_834 = arith.mulf %get3A_809, %get3A_809 : vector<16xf32>
        %mul3A_835 = arith.mulf %get3A_816, %get3A_816 : vector<16xf32>
        %add3A_836 = arith.addf %mul3A_834, %mul3A_835 : vector<16xf32>
        %mul3A_837 = arith.mulf %get3A_823, %get3A_823 : vector<16xf32>
        %mul3A_838 = arith.mulf %get3A_830, %get3A_830 : vector<16xf32>
        %add3A_839 = arith.addf %mul3A_837, %mul3A_838 : vector<16xf32>
        %add3A_840 = arith.addf %add3A_836, %add3A_839 : vector<16xf32>
        %broadcast_in_dim3A_841 = arith.constant true
        %broadcast_in_dim3A_842 = vector.broadcast %broadcast_in_dim3A_841 : i1 to vector<16xi1>
        %masked_cumsum3A_843 = tpu.scan <sum>, %add3A_833 masked %broadcast_in_dim3A_842 : vector<16xf32>, vector<16xi1> -> vector<16xf32>
        %lt3A_844 = arith.constant 0 : i32
        %lt3A_845 = vector.broadcast %lt3A_844 : i32 to vector<16xi32>
        %lt3A_846 = arith.cmpi slt, %broadcast_in_dim3A_20, %lt3A_845 : vector<16xi32>
        %add3A_847 = arith.constant 16 : i32
        %add3A_848 = vector.broadcast %add3A_847 : i32 to vector<16xi32>
        %add3A_849 = arith.addi %broadcast_in_dim3A_20, %add3A_848 : vector<16xi32>
        %select_n3A_850 = arith.select %lt3A_846, %add3A_849, %broadcast_in_dim3A_20 : vector<16xi1>, vector<16xi32>
        %broadcast_in_dim3A_851 = vector.shape_cast %select_n3A_850 : vector<16xi32> to vector<16x1xi32>
        %gather3A_852 = vector.shape_cast %broadcast_in_dim3A_851 : vector<16x1xi32> to vector<16xi32>
        %gather3A_853 = tpu.dynamic_gather %masked_cumsum3A_843[%gather3A_852] in [0] : vector<16xf32>, vector<16xi32> -> vector<16xf32>
        %broadcast_in_dim3A_854 = arith.constant true
        %broadcast_in_dim3A_855 = vector.broadcast %broadcast_in_dim3A_854 : i1 to vector<16xi1>
        %masked_cumsum3A_856 = tpu.scan <sum>, %add3A_840 masked %broadcast_in_dim3A_855 : vector<16xf32>, vector<16xi1> -> vector<16xf32>
        %lt3A_857 = arith.constant 0 : i32
        %lt3A_858 = vector.broadcast %lt3A_857 : i32 to vector<16xi32>
        %lt3A_859 = arith.cmpi slt, %broadcast_in_dim3A_20, %lt3A_858 : vector<16xi32>
        %add3A_860 = arith.constant 16 : i32
        %add3A_861 = vector.broadcast %add3A_860 : i32 to vector<16xi32>
        %add3A_862 = arith.addi %broadcast_in_dim3A_20, %add3A_861 : vector<16xi32>
        %select_n3A_863 = arith.select %lt3A_859, %add3A_862, %broadcast_in_dim3A_20 : vector<16xi1>, vector<16xi32>
        %broadcast_in_dim3A_864 = vector.shape_cast %select_n3A_863 : vector<16xi32> to vector<16x1xi32>
        %gather3A_865 = vector.shape_cast %broadcast_in_dim3A_864 : vector<16x1xi32> to vector<16xi32>
        %gather3A_866 = tpu.dynamic_gather %masked_cumsum3A_856[%gather3A_865] in [0] : vector<16xf32>, vector<16xi32> -> vector<16xf32>
        %mul3A_867 = arith.constant 1.562500e-02 : f32
        %mul3A_868 = vector.broadcast %mul3A_867 : f32 to vector<16xf32>
        %mul3A_869 = arith.mulf %gather3A_853, %mul3A_868 : vector<16xf32>
        %mul3A_870 = arith.constant 1.562500e-02 : f32
        %mul3A_871 = vector.broadcast %mul3A_870 : f32 to vector<16xf32>
        %mul3A_872 = arith.mulf %gather3A_866, %mul3A_871 : vector<16xf32>
        %mul3A_873 = arith.mulf %mul3A_869, %mul3A_869 : vector<16xf32>
        %sub3A_874 = arith.subf %mul3A_872, %mul3A_873 : vector<16xf32>
        %add3A_875 = arith.constant 9.99999974E-6 : f32
        %add3A_876 = vector.broadcast %add3A_875 : f32 to vector<16xf32>
        %add3A_877 = arith.addf %sub3A_874, %add3A_876 : vector<16xf32>
        %bitcast3A_878 = vector.bitcast %add3A_877 : vector<16xf32> to vector<16xi32>
        %shift_right_arithmetic3A_879 = arith.constant 1 : i32
        %shift_right_arithmetic3A_880 = vector.broadcast %shift_right_arithmetic3A_879 : i32 to vector<16xi32>
        %shift_right_arithmetic3A_881 = arith.shrsi %bitcast3A_878, %shift_right_arithmetic3A_880 : vector<16xi32>
        %sub3A_882 = arith.constant 1597463007 : i32
        %sub3A_883 = vector.broadcast %sub3A_882 : i32 to vector<16xi32>
        %sub3A_884 = arith.subi %sub3A_883, %shift_right_arithmetic3A_881 : vector<16xi32>
        %bitcast3A_885 = vector.bitcast %sub3A_884 : vector<16xi32> to vector<16xf32>
        %mul3A_886 = arith.constant 5.000000e-01 : f32
        %mul3A_887 = vector.broadcast %mul3A_886 : f32 to vector<16xf32>
        %mul3A_888 = arith.mulf %add3A_877, %mul3A_887 : vector<16xf32>
        %mul3A_889 = arith.mulf %mul3A_888, %bitcast3A_885 : vector<16xf32>
        %mul3A_890 = arith.mulf %mul3A_889, %bitcast3A_885 : vector<16xf32>
        %sub3A_891 = arith.constant 1.500000e+00 : f32
        %sub3A_892 = vector.broadcast %sub3A_891 : f32 to vector<16xf32>
        %sub3A_893 = arith.subf %sub3A_892, %mul3A_890 : vector<16xf32>
        %mul3A_894 = arith.mulf %bitcast3A_885, %sub3A_893 : vector<16xf32>
        %mul3A_895 = arith.mulf %mul3A_888, %mul3A_894 : vector<16xf32>
        %mul3A_896 = arith.mulf %mul3A_895, %mul3A_894 : vector<16xf32>
        %sub3A_897 = arith.constant 1.500000e+00 : f32
        %sub3A_898 = vector.broadcast %sub3A_897 : f32 to vector<16xf32>
        %sub3A_899 = arith.subf %sub3A_898, %mul3A_896 : vector<16xf32>
        %mul3A_900 = arith.mulf %mul3A_894, %sub3A_899 : vector<16xf32>
        %neg3A_901 = arith.constant 0.000000e+00 : f32
        %neg3A_902 = vector.broadcast %neg3A_901 : f32 to vector<16xf32>
        %neg3A_903 = arith.subf %neg3A_902, %mul3A_869 : vector<16xf32>
        %mul3A_904 = arith.mulf %neg3A_903, %mul3A_900 : vector<16xf32>
        %mul3A_905 = arith.mulf %get3A_809, %mul3A_900 : vector<16xf32>
        %add3A_906 = arith.addf %mul3A_905, %mul3A_904 : vector<16xf32>
        %mul3A_907 = arith.mulf %add3A_906, %get3A_5 : vector<16xf32>
        %add3A_908 = arith.addf %mul3A_907, %get3A_13 : vector<16xf32>
        %swap3A_909 = arith.constant 0 : i32
        %swap3A_910 = arith.constant 0 : i32
        %swap3A_911 = tpu.memref_slice %arg9[%rem3A_482, %swap3A_909, %swap3A_910] : memref<2x320x64xf32, #tpu.memory_space<vmem>> -> memref<1x320x64xf32, #tpu.memory_space<vmem>>
        %swap3A_912 = tpu.memref_squeeze %swap3A_911 : memref<1x320x64xf32, #tpu.memory_space<vmem>> -> memref<320x64xf32, #tpu.memory_space<vmem>>
        %swap3A_913 = arith.index_cast %add3A_802 : i32 to index
        %swap3A_914 = arith.constant 0 : index
        %swap3A_915 = tpu.vector_load %swap3A_912[%swap3A_913, %swap3A_914] {strides = array<i32>} : memref<320x64xf32, #tpu.memory_space<vmem>>, vector<16xf32>,
        tpu.vector_store %swap3A_912[%swap3A_913, %swap3A_914], %add3A_908 {strides = array<i32>} : memref<320x64xf32, #tpu.memory_space<vmem>>, vector<16xf32>,
        %mul3A_916 = arith.mulf %get3A_816, %mul3A_900 : vector<16xf32>
        %add3A_917 = arith.addf %mul3A_916, %mul3A_904 : vector<16xf32>
        %mul3A_918 = arith.mulf %add3A_917, %get3A_7 : vector<16xf32>
        %add3A_919 = arith.addf %mul3A_918, %get3A_15 : vector<16xf32>
        %swap3A_920 = arith.constant 0 : i32
        %swap3A_921 = arith.constant 0 : i32
        %swap3A_922 = tpu.memref_slice %arg9[%rem3A_482, %swap3A_920, %swap3A_921] : memref<2x320x64xf32, #tpu.memory_space<vmem>> -> memref<1x320x64xf32, #tpu.memory_space<vmem>>
        %swap3A_923 = tpu.memref_squeeze %swap3A_922 : memref<1x320x64xf32, #tpu.memory_space<vmem>> -> memref<320x64xf32, #tpu.memory_space<vmem>>
        %swap3A_924 = arith.index_cast %add3A_802 : i32 to index
        %swap3A_925 = arith.constant 16 : index
        %swap3A_926 = tpu.vector_load %swap3A_923[%swap3A_924, %swap3A_925] {strides = array<i32>} : memref<320x64xf32, #tpu.memory_space<vmem>>, vector<16xf32>,
        tpu.vector_store %swap3A_923[%swap3A_924, %swap3A_925], %add3A_919 {strides = array<i32>} : memref<320x64xf32, #tpu.memory_space<vmem>>, vector<16xf32>,
        %mul3A_927 = arith.mulf %get3A_823, %mul3A_900 : vector<16xf32>
        %add3A_928 = arith.addf %mul3A_927, %mul3A_904 : vector<16xf32>
        %mul3A_929 = arith.mulf %add3A_928, %get3A_9 : vector<16xf32>
        %add3A_930 = arith.addf %mul3A_929, %get3A_17 : vector<16xf32>
        %swap3A_931 = arith.constant 0 : i32
        %swap3A_932 = arith.constant 0 : i32
        %swap3A_933 = tpu.memref_slice %arg9[%rem3A_482, %swap3A_931, %swap3A_932] : memref<2x320x64xf32, #tpu.memory_space<vmem>> -> memref<1x320x64xf32, #tpu.memory_space<vmem>>
        %swap3A_934 = tpu.memref_squeeze %swap3A_933 : memref<1x320x64xf32, #tpu.memory_space<vmem>> -> memref<320x64xf32, #tpu.memory_space<vmem>>
        %swap3A_935 = arith.index_cast %add3A_802 : i32 to index
        %swap3A_936 = arith.constant 32 : index
        %swap3A_937 = tpu.vector_load %swap3A_934[%swap3A_935, %swap3A_936] {strides = array<i32>} : memref<320x64xf32, #tpu.memory_space<vmem>>, vector<16xf32>,
        tpu.vector_store %swap3A_934[%swap3A_935, %swap3A_936], %add3A_930 {strides = array<i32>} : memref<320x64xf32, #tpu.memory_space<vmem>>, vector<16xf32>,
        %mul3A_938 = arith.mulf %get3A_830, %mul3A_900 : vector<16xf32>
        %add3A_939 = arith.addf %mul3A_938, %mul3A_904 : vector<16xf32>
        %mul3A_940 = arith.mulf %add3A_939, %get3A_11 : vector<16xf32>
        %add3A_941 = arith.addf %mul3A_940, %get3A_19 : vector<16xf32>
        %swap3A_942 = arith.constant 0 : i32
        %swap3A_943 = arith.constant 0 : i32
        %swap3A_944 = tpu.memref_slice %arg9[%rem3A_482, %swap3A_942, %swap3A_943] : memref<2x320x64xf32, #tpu.memory_space<vmem>> -> memref<1x320x64xf32, #tpu.memory_space<vmem>>
        %swap3A_945 = tpu.memref_squeeze %swap3A_944 : memref<1x320x64xf32, #tpu.memory_space<vmem>> -> memref<320x64xf32, #tpu.memory_space<vmem>>
        %swap3A_946 = arith.index_cast %add3A_802 : i32 to index
        %swap3A_947 = arith.constant 48 : index
        %swap3A_948 = tpu.vector_load %swap3A_945[%swap3A_946, %swap3A_947] {strides = array<i32>} : memref<320x64xf32, #tpu.memory_space<vmem>>, vector<16xf32>,
        tpu.vector_store %swap3A_945[%swap3A_946, %swap3A_947], %add3A_941 {strides = array<i32>} : memref<320x64xf32, #tpu.memory_space<vmem>>, vector<16xf32>,
        %mul3A_949 = arith.constant 8 : i32
        %mul3A_950 = arith.muli %scan3A_506, %mul3A_949 : i32
        %add3A_951 = arith.constant 3 : i32
        %add3A_952 = arith.addi %mul3A_950, %add3A_951 : i32
        %get3A_953 = arith.constant 0 : i32
        %get3A_954 = arith.constant 0 : i32
        %get3A_955 = tpu.memref_slice %arg8[%rem3A_482, %get3A_953, %get3A_954] : memref<2x320x128xf32, #tpu.memory_space<vmem>> -> memref<1x320x128xf32, #tpu.memory_space<vmem>>
        %get3A_956 = tpu.memref_squeeze %get3A_955 : memref<1x320x128xf32, #tpu.memory_space<vmem>> -> memref<320x128xf32, #tpu.memory_space<vmem>>
        %get3A_957 = arith.index_cast %add3A_952 : i32 to index
        %get3A_958 = arith.constant 0 : index
        %get3A_959 = tpu.vector_load %get3A_956[%get3A_957, %get3A_958] {strides = array<i32>} : memref<320x128xf32, #tpu.memory_space<vmem>>, vector<16xf32>,
        %get3A_960 = arith.constant 0 : i32
        %get3A_961 = arith.constant 0 : i32
        %get3A_962 = tpu.memref_slice %arg8[%rem3A_482, %get3A_960, %get3A_961] : memref<2x320x128xf32, #tpu.memory_space<vmem>> -> memref<1x320x128xf32, #tpu.memory_space<vmem>>
        %get3A_963 = tpu.memref_squeeze %get3A_962 : memref<1x320x128xf32, #tpu.memory_space<vmem>> -> memref<320x128xf32, #tpu.memory_space<vmem>>
        %get3A_964 = arith.index_cast %add3A_952 : i32 to index
        %get3A_965 = arith.constant 16 : index
        %get3A_966 = tpu.vector_load %get3A_963[%get3A_964, %get3A_965] {strides = array<i32>} : memref<320x128xf32, #tpu.memory_space<vmem>>, vector<16xf32>,
        %get3A_967 = arith.constant 0 : i32
        %get3A_968 = arith.constant 0 : i32
        %get3A_969 = tpu.memref_slice %arg8[%rem3A_482, %get3A_967, %get3A_968] : memref<2x320x128xf32, #tpu.memory_space<vmem>> -> memref<1x320x128xf32, #tpu.memory_space<vmem>>
        %get3A_970 = tpu.memref_squeeze %get3A_969 : memref<1x320x128xf32, #tpu.memory_space<vmem>> -> memref<320x128xf32, #tpu.memory_space<vmem>>
        %get3A_971 = arith.index_cast %add3A_952 : i32 to index
        %get3A_972 = arith.constant 32 : index
        %get3A_973 = tpu.vector_load %get3A_970[%get3A_971, %get3A_972] {strides = array<i32>} : memref<320x128xf32, #tpu.memory_space<vmem>>, vector<16xf32>,
        %get3A_974 = arith.constant 0 : i32
        %get3A_975 = arith.constant 0 : i32
        %get3A_976 = tpu.memref_slice %arg8[%rem3A_482, %get3A_974, %get3A_975] : memref<2x320x128xf32, #tpu.memory_space<vmem>> -> memref<1x320x128xf32, #tpu.memory_space<vmem>>
        %get3A_977 = tpu.memref_squeeze %get3A_976 : memref<1x320x128xf32, #tpu.memory_space<vmem>> -> memref<320x128xf32, #tpu.memory_space<vmem>>
        %get3A_978 = arith.index_cast %add3A_952 : i32 to index
        %get3A_979 = arith.constant 48 : index
        %get3A_980 = tpu.vector_load %get3A_977[%get3A_978, %get3A_979] {strides = array<i32>} : memref<320x128xf32, #tpu.memory_space<vmem>>, vector<16xf32>,
        %add3A_981 = arith.addf %get3A_959, %get3A_966 : vector<16xf32>
        %add3A_982 = arith.addf %get3A_973, %get3A_980 : vector<16xf32>
        %add3A_983 = arith.addf %add3A_981, %add3A_982 : vector<16xf32>
        %mul3A_984 = arith.mulf %get3A_959, %get3A_959 : vector<16xf32>
        %mul3A_985 = arith.mulf %get3A_966, %get3A_966 : vector<16xf32>
        %add3A_986 = arith.addf %mul3A_984, %mul3A_985 : vector<16xf32>
        %mul3A_987 = arith.mulf %get3A_973, %get3A_973 : vector<16xf32>
        %mul3A_988 = arith.mulf %get3A_980, %get3A_980 : vector<16xf32>
        %add3A_989 = arith.addf %mul3A_987, %mul3A_988 : vector<16xf32>
        %add3A_990 = arith.addf %add3A_986, %add3A_989 : vector<16xf32>
        %broadcast_in_dim3A_991 = arith.constant true
        %broadcast_in_dim3A_992 = vector.broadcast %broadcast_in_dim3A_991 : i1 to vector<16xi1>
        %masked_cumsum3A_993 = tpu.scan <sum>, %add3A_983 masked %broadcast_in_dim3A_992 : vector<16xf32>, vector<16xi1> -> vector<16xf32>
        %lt3A_994 = arith.constant 0 : i32
        %lt3A_995 = vector.broadcast %lt3A_994 : i32 to vector<16xi32>
        %lt3A_996 = arith.cmpi slt, %broadcast_in_dim3A_20, %lt3A_995 : vector<16xi32>
        %add3A_997 = arith.constant 16 : i32
        %add3A_998 = vector.broadcast %add3A_997 : i32 to vector<16xi32>
        %add3A_999 = arith.addi %broadcast_in_dim3A_20, %add3A_998 : vector<16xi32>
        %select_n3A_1000 = arith.select %lt3A_996, %add3A_999, %broadcast_in_dim3A_20 : vector<16xi1>, vector<16xi32>
        %broadcast_in_dim3A_1001 = vector.shape_cast %select_n3A_1000 : vector<16xi32> to vector<16x1xi32>
        %gather3A_1002 = vector.shape_cast %broadcast_in_dim3A_1001 : vector<16x1xi32> to vector<16xi32>
        %gather3A_1003 = tpu.dynamic_gather %masked_cumsum3A_993[%gather3A_1002] in [0] : vector<16xf32>, vector<16xi32> -> vector<16xf32>
        %broadcast_in_dim3A_1004 = arith.constant true
        %broadcast_in_dim3A_1005 = vector.broadcast %broadcast_in_dim3A_1004 : i1 to vector<16xi1>
        %masked_cumsum3A_1006 = tpu.scan <sum>, %add3A_990 masked %broadcast_in_dim3A_1005 : vector<16xf32>, vector<16xi1> -> vector<16xf32>
        %lt3A_1007 = arith.constant 0 : i32
        %lt3A_1008 = vector.broadcast %lt3A_1007 : i32 to vector<16xi32>
        %lt3A_1009 = arith.cmpi slt, %broadcast_in_dim3A_20, %lt3A_1008 : vector<16xi32>
        %add3A_1010 = arith.constant 16 : i32
        %add3A_1011 = vector.broadcast %add3A_1010 : i32 to vector<16xi32>
        %add3A_1012 = arith.addi %broadcast_in_dim3A_20, %add3A_1011 : vector<16xi32>
        %select_n3A_1013 = arith.select %lt3A_1009, %add3A_1012, %broadcast_in_dim3A_20 : vector<16xi1>, vector<16xi32>
        %broadcast_in_dim3A_1014 = vector.shape_cast %select_n3A_1013 : vector<16xi32> to vector<16x1xi32>
        %gather3A_1015 = vector.shape_cast %broadcast_in_dim3A_1014 : vector<16x1xi32> to vector<16xi32>
        %gather3A_1016 = tpu.dynamic_gather %masked_cumsum3A_1006[%gather3A_1015] in [0] : vector<16xf32>, vector<16xi32> -> vector<16xf32>
        %mul3A_1017 = arith.constant 1.562500e-02 : f32
        %mul3A_1018 = vector.broadcast %mul3A_1017 : f32 to vector<16xf32>
        %mul3A_1019 = arith.mulf %gather3A_1003, %mul3A_1018 : vector<16xf32>
        %mul3A_1020 = arith.constant 1.562500e-02 : f32
        %mul3A_1021 = vector.broadcast %mul3A_1020 : f32 to vector<16xf32>
        %mul3A_1022 = arith.mulf %gather3A_1016, %mul3A_1021 : vector<16xf32>
        %mul3A_1023 = arith.mulf %mul3A_1019, %mul3A_1019 : vector<16xf32>
        %sub3A_1024 = arith.subf %mul3A_1022, %mul3A_1023 : vector<16xf32>
        %add3A_1025 = arith.constant 9.99999974E-6 : f32
        %add3A_1026 = vector.broadcast %add3A_1025 : f32 to vector<16xf32>
        %add3A_1027 = arith.addf %sub3A_1024, %add3A_1026 : vector<16xf32>
        %bitcast3A_1028 = vector.bitcast %add3A_1027 : vector<16xf32> to vector<16xi32>
        %shift_right_arithmetic3A_1029 = arith.constant 1 : i32
        %shift_right_arithmetic3A_1030 = vector.broadcast %shift_right_arithmetic3A_1029 : i32 to vector<16xi32>
        %shift_right_arithmetic3A_1031 = arith.shrsi %bitcast3A_1028, %shift_right_arithmetic3A_1030 : vector<16xi32>
        %sub3A_1032 = arith.constant 1597463007 : i32
        %sub3A_1033 = vector.broadcast %sub3A_1032 : i32 to vector<16xi32>
        %sub3A_1034 = arith.subi %sub3A_1033, %shift_right_arithmetic3A_1031 : vector<16xi32>
        %bitcast3A_1035 = vector.bitcast %sub3A_1034 : vector<16xi32> to vector<16xf32>
        %mul3A_1036 = arith.constant 5.000000e-01 : f32
        %mul3A_1037 = vector.broadcast %mul3A_1036 : f32 to vector<16xf32>
        %mul3A_1038 = arith.mulf %add3A_1027, %mul3A_1037 : vector<16xf32>
        %mul3A_1039 = arith.mulf %mul3A_1038, %bitcast3A_1035 : vector<16xf32>
        %mul3A_1040 = arith.mulf %mul3A_1039, %bitcast3A_1035 : vector<16xf32>
        %sub3A_1041 = arith.constant 1.500000e+00 : f32
        %sub3A_1042 = vector.broadcast %sub3A_1041 : f32 to vector<16xf32>
        %sub3A_1043 = arith.subf %sub3A_1042, %mul3A_1040 : vector<16xf32>
        %mul3A_1044 = arith.mulf %bitcast3A_1035, %sub3A_1043 : vector<16xf32>
        %mul3A_1045 = arith.mulf %mul3A_1038, %mul3A_1044 : vector<16xf32>
        %mul3A_1046 = arith.mulf %mul3A_1045, %mul3A_1044 : vector<16xf32>
        %sub3A_1047 = arith.constant 1.500000e+00 : f32
        %sub3A_1048 = vector.broadcast %sub3A_1047 : f32 to vector<16xf32>
        %sub3A_1049 = arith.subf %sub3A_1048, %mul3A_1046 : vector<16xf32>
        %mul3A_1050 = arith.mulf %mul3A_1044, %sub3A_1049 : vector<16xf32>
        %neg3A_1051 = arith.constant 0.000000e+00 : f32
        %neg3A_1052 = vector.broadcast %neg3A_1051 : f32 to vector<16xf32>
        %neg3A_1053 = arith.subf %neg3A_1052, %mul3A_1019 : vector<16xf32>
        %mul3A_1054 = arith.mulf %neg3A_1053, %mul3A_1050 : vector<16xf32>
        %mul3A_1055 = arith.mulf %get3A_959, %mul3A_1050 : vector<16xf32>
        %add3A_1056 = arith.addf %mul3A_1055, %mul3A_1054 : vector<16xf32>
        %mul3A_1057 = arith.mulf %add3A_1056, %get3A_5 : vector<16xf32>
        %add3A_1058 = arith.addf %mul3A_1057, %get3A_13 : vector<16xf32>
        %swap3A_1059 = arith.constant 0 : i32
        %swap3A_1060 = arith.constant 0 : i32
        %swap3A_1061 = tpu.memref_slice %arg9[%rem3A_482, %swap3A_1059, %swap3A_1060] : memref<2x320x64xf32, #tpu.memory_space<vmem>> -> memref<1x320x64xf32, #tpu.memory_space<vmem>>
        %swap3A_1062 = tpu.memref_squeeze %swap3A_1061 : memref<1x320x64xf32, #tpu.memory_space<vmem>> -> memref<320x64xf32, #tpu.memory_space<vmem>>
        %swap3A_1063 = arith.index_cast %add3A_952 : i32 to index
        %swap3A_1064 = arith.constant 0 : index
        %swap3A_1065 = tpu.vector_load %swap3A_1062[%swap3A_1063, %swap3A_1064] {strides = array<i32>} : memref<320x64xf32, #tpu.memory_space<vmem>>, vector<16xf32>,
        tpu.vector_store %swap3A_1062[%swap3A_1063, %swap3A_1064], %add3A_1058 {strides = array<i32>} : memref<320x64xf32, #tpu.memory_space<vmem>>, vector<16xf32>,
        %mul3A_1066 = arith.mulf %get3A_966, %mul3A_1050 : vector<16xf32>
        %add3A_1067 = arith.addf %mul3A_1066, %mul3A_1054 : vector<16xf32>
        %mul3A_1068 = arith.mulf %add3A_1067, %get3A_7 : vector<16xf32>
        %add3A_1069 = arith.addf %mul3A_1068, %get3A_15 : vector<16xf32>
        %swap3A_1070 = arith.constant 0 : i32
        %swap3A_1071 = arith.constant 0 : i32
        %swap3A_1072 = tpu.memref_slice %arg9[%rem3A_482, %swap3A_1070, %swap3A_1071] : memref<2x320x64xf32, #tpu.memory_space<vmem>> -> memref<1x320x64xf32, #tpu.memory_space<vmem>>
        %swap3A_1073 = tpu.memref_squeeze %swap3A_1072 : memref<1x320x64xf32, #tpu.memory_space<vmem>> -> memref<320x64xf32, #tpu.memory_space<vmem>>
        %swap3A_1074 = arith.index_cast %add3A_952 : i32 to index
        %swap3A_1075 = arith.constant 16 : index
        %swap3A_1076 = tpu.vector_load %swap3A_1073[%swap3A_1074, %swap3A_1075] {strides = array<i32>} : memref<320x64xf32, #tpu.memory_space<vmem>>, vector<16xf32>,
        tpu.vector_store %swap3A_1073[%swap3A_1074, %swap3A_1075], %add3A_1069 {strides = array<i32>} : memref<320x64xf32, #tpu.memory_space<vmem>>, vector<16xf32>,
        %mul3A_1077 = arith.mulf %get3A_973, %mul3A_1050 : vector<16xf32>
        %add3A_1078 = arith.addf %mul3A_1077, %mul3A_1054 : vector<16xf32>
        %mul3A_1079 = arith.mulf %add3A_1078, %get3A_9 : vector<16xf32>
        %add3A_1080 = arith.addf %mul3A_1079, %get3A_17 : vector<16xf32>
        %swap3A_1081 = arith.constant 0 : i32
        %swap3A_1082 = arith.constant 0 : i32
        %swap3A_1083 = tpu.memref_slice %arg9[%rem3A_482, %swap3A_1081, %swap3A_1082] : memref<2x320x64xf32, #tpu.memory_space<vmem>> -> memref<1x320x64xf32, #tpu.memory_space<vmem>>
        %swap3A_1084 = tpu.memref_squeeze %swap3A_1083 : memref<1x320x64xf32, #tpu.memory_space<vmem>> -> memref<320x64xf32, #tpu.memory_space<vmem>>
        %swap3A_1085 = arith.index_cast %add3A_952 : i32 to index
        %swap3A_1086 = arith.constant 32 : index
        %swap3A_1087 = tpu.vector_load %swap3A_1084[%swap3A_1085, %swap3A_1086] {strides = array<i32>} : memref<320x64xf32, #tpu.memory_space<vmem>>, vector<16xf32>,
        tpu.vector_store %swap3A_1084[%swap3A_1085, %swap3A_1086], %add3A_1080 {strides = array<i32>} : memref<320x64xf32, #tpu.memory_space<vmem>>, vector<16xf32>,
        %mul3A_1088 = arith.mulf %get3A_980, %mul3A_1050 : vector<16xf32>
        %add3A_1089 = arith.addf %mul3A_1088, %mul3A_1054 : vector<16xf32>
        %mul3A_1090 = arith.mulf %add3A_1089, %get3A_11 : vector<16xf32>
        %add3A_1091 = arith.addf %mul3A_1090, %get3A_19 : vector<16xf32>
        %swap3A_1092 = arith.constant 0 : i32
        %swap3A_1093 = arith.constant 0 : i32
        %swap3A_1094 = tpu.memref_slice %arg9[%rem3A_482, %swap3A_1092, %swap3A_1093] : memref<2x320x64xf32, #tpu.memory_space<vmem>> -> memref<1x320x64xf32, #tpu.memory_space<vmem>>
        %swap3A_1095 = tpu.memref_squeeze %swap3A_1094 : memref<1x320x64xf32, #tpu.memory_space<vmem>> -> memref<320x64xf32, #tpu.memory_space<vmem>>
        %swap3A_1096 = arith.index_cast %add3A_952 : i32 to index
        %swap3A_1097 = arith.constant 48 : index
        %swap3A_1098 = tpu.vector_load %swap3A_1095[%swap3A_1096, %swap3A_1097] {strides = array<i32>} : memref<320x64xf32, #tpu.memory_space<vmem>>, vector<16xf32>,
        tpu.vector_store %swap3A_1095[%swap3A_1096, %swap3A_1097], %add3A_1091 {strides = array<i32>} : memref<320x64xf32, #tpu.memory_space<vmem>>, vector<16xf32>,
        %mul3A_1099 = arith.constant 8 : i32
        %mul3A_1100 = arith.muli %scan3A_506, %mul3A_1099 : i32
        %add3A_1101 = arith.constant 4 : i32
        %add3A_1102 = arith.addi %mul3A_1100, %add3A_1101 : i32
        %get3A_1103 = arith.constant 0 : i32
        %get3A_1104 = arith.constant 0 : i32
        %get3A_1105 = tpu.memref_slice %arg8[%rem3A_482, %get3A_1103, %get3A_1104] : memref<2x320x128xf32, #tpu.memory_space<vmem>> -> memref<1x320x128xf32, #tpu.memory_space<vmem>>
        %get3A_1106 = tpu.memref_squeeze %get3A_1105 : memref<1x320x128xf32, #tpu.memory_space<vmem>> -> memref<320x128xf32, #tpu.memory_space<vmem>>
        %get3A_1107 = arith.index_cast %add3A_1102 : i32 to index
        %get3A_1108 = arith.constant 0 : index
        %get3A_1109 = tpu.vector_load %get3A_1106[%get3A_1107, %get3A_1108] {strides = array<i32>} : memref<320x128xf32, #tpu.memory_space<vmem>>, vector<16xf32>,
        %get3A_1110 = arith.constant 0 : i32
        %get3A_1111 = arith.constant 0 : i32
        %get3A_1112 = tpu.memref_slice %arg8[%rem3A_482, %get3A_1110, %get3A_1111] : memref<2x320x128xf32, #tpu.memory_space<vmem>> -> memref<1x320x128xf32, #tpu.memory_space<vmem>>
        %get3A_1113 = tpu.memref_squeeze %get3A_1112 : memref<1x320x128xf32, #tpu.memory_space<vmem>> -> memref<320x128xf32, #tpu.memory_space<vmem>>
        %get3A_1114 = arith.index_cast %add3A_1102 : i32 to index
        %get3A_1115 = arith.constant 16 : index
        %get3A_1116 = tpu.vector_load %get3A_1113[%get3A_1114, %get3A_1115] {strides = array<i32>} : memref<320x128xf32, #tpu.memory_space<vmem>>, vector<16xf32>,
        %get3A_1117 = arith.constant 0 : i32
        %get3A_1118 = arith.constant 0 : i32
        %get3A_1119 = tpu.memref_slice %arg8[%rem3A_482, %get3A_1117, %get3A_1118] : memref<2x320x128xf32, #tpu.memory_space<vmem>> -> memref<1x320x128xf32, #tpu.memory_space<vmem>>
        %get3A_1120 = tpu.memref_squeeze %get3A_1119 : memref<1x320x128xf32, #tpu.memory_space<vmem>> -> memref<320x128xf32, #tpu.memory_space<vmem>>
        %get3A_1121 = arith.index_cast %add3A_1102 : i32 to index
        %get3A_1122 = arith.constant 32 : index
        %get3A_1123 = tpu.vector_load %get3A_1120[%get3A_1121, %get3A_1122] {strides = array<i32>} : memref<320x128xf32, #tpu.memory_space<vmem>>, vector<16xf32>,
        %get3A_1124 = arith.constant 0 : i32
        %get3A_1125 = arith.constant 0 : i32
        %get3A_1126 = tpu.memref_slice %arg8[%rem3A_482, %get3A_1124, %get3A_1125] : memref<2x320x128xf32, #tpu.memory_space<vmem>> -> memref<1x320x128xf32, #tpu.memory_space<vmem>>
        %get3A_1127 = tpu.memref_squeeze %get3A_1126 : memref<1x320x128xf32, #tpu.memory_space<vmem>> -> memref<320x128xf32, #tpu.memory_space<vmem>>
        %get3A_1128 = arith.index_cast %add3A_1102 : i32 to index
        %get3A_1129 = arith.constant 48 : index
        %get3A_1130 = tpu.vector_load %get3A_1127[%get3A_1128, %get3A_1129] {strides = array<i32>} : memref<320x128xf32, #tpu.memory_space<vmem>>, vector<16xf32>,
        %add3A_1131 = arith.addf %get3A_1109, %get3A_1116 : vector<16xf32>
        %add3A_1132 = arith.addf %get3A_1123, %get3A_1130 : vector<16xf32>
        %add3A_1133 = arith.addf %add3A_1131, %add3A_1132 : vector<16xf32>
        %mul3A_1134 = arith.mulf %get3A_1109, %get3A_1109 : vector<16xf32>
        %mul3A_1135 = arith.mulf %get3A_1116, %get3A_1116 : vector<16xf32>
        %add3A_1136 = arith.addf %mul3A_1134, %mul3A_1135 : vector<16xf32>
        %mul3A_1137 = arith.mulf %get3A_1123, %get3A_1123 : vector<16xf32>
        %mul3A_1138 = arith.mulf %get3A_1130, %get3A_1130 : vector<16xf32>
        %add3A_1139 = arith.addf %mul3A_1137, %mul3A_1138 : vector<16xf32>
        %add3A_1140 = arith.addf %add3A_1136, %add3A_1139 : vector<16xf32>
        %broadcast_in_dim3A_1141 = arith.constant true
        %broadcast_in_dim3A_1142 = vector.broadcast %broadcast_in_dim3A_1141 : i1 to vector<16xi1>
        %masked_cumsum3A_1143 = tpu.scan <sum>, %add3A_1133 masked %broadcast_in_dim3A_1142 : vector<16xf32>, vector<16xi1> -> vector<16xf32>
        %lt3A_1144 = arith.constant 0 : i32
        %lt3A_1145 = vector.broadcast %lt3A_1144 : i32 to vector<16xi32>
        %lt3A_1146 = arith.cmpi slt, %broadcast_in_dim3A_20, %lt3A_1145 : vector<16xi32>
        %add3A_1147 = arith.constant 16 : i32
        %add3A_1148 = vector.broadcast %add3A_1147 : i32 to vector<16xi32>
        %add3A_1149 = arith.addi %broadcast_in_dim3A_20, %add3A_1148 : vector<16xi32>
        %select_n3A_1150 = arith.select %lt3A_1146, %add3A_1149, %broadcast_in_dim3A_20 : vector<16xi1>, vector<16xi32>
        %broadcast_in_dim3A_1151 = vector.shape_cast %select_n3A_1150 : vector<16xi32> to vector<16x1xi32>
        %gather3A_1152 = vector.shape_cast %broadcast_in_dim3A_1151 : vector<16x1xi32> to vector<16xi32>
        %gather3A_1153 = tpu.dynamic_gather %masked_cumsum3A_1143[%gather3A_1152] in [0] : vector<16xf32>, vector<16xi32> -> vector<16xf32>
        %broadcast_in_dim3A_1154 = arith.constant true
        %broadcast_in_dim3A_1155 = vector.broadcast %broadcast_in_dim3A_1154 : i1 to vector<16xi1>
        %masked_cumsum3A_1156 = tpu.scan <sum>, %add3A_1140 masked %broadcast_in_dim3A_1155 : vector<16xf32>, vector<16xi1> -> vector<16xf32>
        %lt3A_1157 = arith.constant 0 : i32
        %lt3A_1158 = vector.broadcast %lt3A_1157 : i32 to vector<16xi32>
        %lt3A_1159 = arith.cmpi slt, %broadcast_in_dim3A_20, %lt3A_1158 : vector<16xi32>
        %add3A_1160 = arith.constant 16 : i32
        %add3A_1161 = vector.broadcast %add3A_1160 : i32 to vector<16xi32>
        %add3A_1162 = arith.addi %broadcast_in_dim3A_20, %add3A_1161 : vector<16xi32>
        %select_n3A_1163 = arith.select %lt3A_1159, %add3A_1162, %broadcast_in_dim3A_20 : vector<16xi1>, vector<16xi32>
        %broadcast_in_dim3A_1164 = vector.shape_cast %select_n3A_1163 : vector<16xi32> to vector<16x1xi32>
        %gather3A_1165 = vector.shape_cast %broadcast_in_dim3A_1164 : vector<16x1xi32> to vector<16xi32>
        %gather3A_1166 = tpu.dynamic_gather %masked_cumsum3A_1156[%gather3A_1165] in [0] : vector<16xf32>, vector<16xi32> -> vector<16xf32>
        %mul3A_1167 = arith.constant 1.562500e-02 : f32
        %mul3A_1168 = vector.broadcast %mul3A_1167 : f32 to vector<16xf32>
        %mul3A_1169 = arith.mulf %gather3A_1153, %mul3A_1168 : vector<16xf32>
        %mul3A_1170 = arith.constant 1.562500e-02 : f32
        %mul3A_1171 = vector.broadcast %mul3A_1170 : f32 to vector<16xf32>
        %mul3A_1172 = arith.mulf %gather3A_1166, %mul3A_1171 : vector<16xf32>
        %mul3A_1173 = arith.mulf %mul3A_1169, %mul3A_1169 : vector<16xf32>
        %sub3A_1174 = arith.subf %mul3A_1172, %mul3A_1173 : vector<16xf32>
        %add3A_1175 = arith.constant 9.99999974E-6 : f32
        %add3A_1176 = vector.broadcast %add3A_1175 : f32 to vector<16xf32>
        %add3A_1177 = arith.addf %sub3A_1174, %add3A_1176 : vector<16xf32>
        %bitcast3A_1178 = vector.bitcast %add3A_1177 : vector<16xf32> to vector<16xi32>
        %shift_right_arithmetic3A_1179 = arith.constant 1 : i32
        %shift_right_arithmetic3A_1180 = vector.broadcast %shift_right_arithmetic3A_1179 : i32 to vector<16xi32>
        %shift_right_arithmetic3A_1181 = arith.shrsi %bitcast3A_1178, %shift_right_arithmetic3A_1180 : vector<16xi32>
        %sub3A_1182 = arith.constant 1597463007 : i32
        %sub3A_1183 = vector.broadcast %sub3A_1182 : i32 to vector<16xi32>
        %sub3A_1184 = arith.subi %sub3A_1183, %shift_right_arithmetic3A_1181 : vector<16xi32>
        %bitcast3A_1185 = vector.bitcast %sub3A_1184 : vector<16xi32> to vector<16xf32>
        %mul3A_1186 = arith.constant 5.000000e-01 : f32
        %mul3A_1187 = vector.broadcast %mul3A_1186 : f32 to vector<16xf32>
        %mul3A_1188 = arith.mulf %add3A_1177, %mul3A_1187 : vector<16xf32>
        %mul3A_1189 = arith.mulf %mul3A_1188, %bitcast3A_1185 : vector<16xf32>
        %mul3A_1190 = arith.mulf %mul3A_1189, %bitcast3A_1185 : vector<16xf32>
        %sub3A_1191 = arith.constant 1.500000e+00 : f32
        %sub3A_1192 = vector.broadcast %sub3A_1191 : f32 to vector<16xf32>
        %sub3A_1193 = arith.subf %sub3A_1192, %mul3A_1190 : vector<16xf32>
        %mul3A_1194 = arith.mulf %bitcast3A_1185, %sub3A_1193 : vector<16xf32>
        %mul3A_1195 = arith.mulf %mul3A_1188, %mul3A_1194 : vector<16xf32>
        %mul3A_1196 = arith.mulf %mul3A_1195, %mul3A_1194 : vector<16xf32>
        %sub3A_1197 = arith.constant 1.500000e+00 : f32
        %sub3A_1198 = vector.broadcast %sub3A_1197 : f32 to vector<16xf32>
        %sub3A_1199 = arith.subf %sub3A_1198, %mul3A_1196 : vector<16xf32>
        %mul3A_1200 = arith.mulf %mul3A_1194, %sub3A_1199 : vector<16xf32>
        %neg3A_1201 = arith.constant 0.000000e+00 : f32
        %neg3A_1202 = vector.broadcast %neg3A_1201 : f32 to vector<16xf32>
        %neg3A_1203 = arith.subf %neg3A_1202, %mul3A_1169 : vector<16xf32>
        %mul3A_1204 = arith.mulf %neg3A_1203, %mul3A_1200 : vector<16xf32>
        %mul3A_1205 = arith.mulf %get3A_1109, %mul3A_1200 : vector<16xf32>
        %add3A_1206 = arith.addf %mul3A_1205, %mul3A_1204 : vector<16xf32>
        %mul3A_1207 = arith.mulf %add3A_1206, %get3A_5 : vector<16xf32>
        %add3A_1208 = arith.addf %mul3A_1207, %get3A_13 : vector<16xf32>
        %swap3A_1209 = arith.constant 0 : i32
        %swap3A_1210 = arith.constant 0 : i32
        %swap3A_1211 = tpu.memref_slice %arg9[%rem3A_482, %swap3A_1209, %swap3A_1210] : memref<2x320x64xf32, #tpu.memory_space<vmem>> -> memref<1x320x64xf32, #tpu.memory_space<vmem>>
        %swap3A_1212 = tpu.memref_squeeze %swap3A_1211 : memref<1x320x64xf32, #tpu.memory_space<vmem>> -> memref<320x64xf32, #tpu.memory_space<vmem>>
        %swap3A_1213 = arith.index_cast %add3A_1102 : i32 to index
        %swap3A_1214 = arith.constant 0 : index
        %swap3A_1215 = tpu.vector_load %swap3A_1212[%swap3A_1213, %swap3A_1214] {strides = array<i32>} : memref<320x64xf32, #tpu.memory_space<vmem>>, vector<16xf32>,
        tpu.vector_store %swap3A_1212[%swap3A_1213, %swap3A_1214], %add3A_1208 {strides = array<i32>} : memref<320x64xf32, #tpu.memory_space<vmem>>, vector<16xf32>,
        %mul3A_1216 = arith.mulf %get3A_1116, %mul3A_1200 : vector<16xf32>
        %add3A_1217 = arith.addf %mul3A_1216, %mul3A_1204 : vector<16xf32>
        %mul3A_1218 = arith.mulf %add3A_1217, %get3A_7 : vector<16xf32>
        %add3A_1219 = arith.addf %mul3A_1218, %get3A_15 : vector<16xf32>
        %swap3A_1220 = arith.constant 0 : i32
        %swap3A_1221 = arith.constant 0 : i32
        %swap3A_1222 = tpu.memref_slice %arg9[%rem3A_482, %swap3A_1220, %swap3A_1221] : memref<2x320x64xf32, #tpu.memory_space<vmem>> -> memref<1x320x64xf32, #tpu.memory_space<vmem>>
        %swap3A_1223 = tpu.memref_squeeze %swap3A_1222 : memref<1x320x64xf32, #tpu.memory_space<vmem>> -> memref<320x64xf32, #tpu.memory_space<vmem>>
        %swap3A_1224 = arith.index_cast %add3A_1102 : i32 to index
        %swap3A_1225 = arith.constant 16 : index
        %swap3A_1226 = tpu.vector_load %swap3A_1223[%swap3A_1224, %swap3A_1225] {strides = array<i32>} : memref<320x64xf32, #tpu.memory_space<vmem>>, vector<16xf32>,
        tpu.vector_store %swap3A_1223[%swap3A_1224, %swap3A_1225], %add3A_1219 {strides = array<i32>} : memref<320x64xf32, #tpu.memory_space<vmem>>, vector<16xf32>,
        %mul3A_1227 = arith.mulf %get3A_1123, %mul3A_1200 : vector<16xf32>
        %add3A_1228 = arith.addf %mul3A_1227, %mul3A_1204 : vector<16xf32>
        %mul3A_1229 = arith.mulf %add3A_1228, %get3A_9 : vector<16xf32>
        %add3A_1230 = arith.addf %mul3A_1229, %get3A_17 : vector<16xf32>
        %swap3A_1231 = arith.constant 0 : i32
        %swap3A_1232 = arith.constant 0 : i32
        %swap3A_1233 = tpu.memref_slice %arg9[%rem3A_482, %swap3A_1231, %swap3A_1232] : memref<2x320x64xf32, #tpu.memory_space<vmem>> -> memref<1x320x64xf32, #tpu.memory_space<vmem>>
        %swap3A_1234 = tpu.memref_squeeze %swap3A_1233 : memref<1x320x64xf32, #tpu.memory_space<vmem>> -> memref<320x64xf32, #tpu.memory_space<vmem>>
        %swap3A_1235 = arith.index_cast %add3A_1102 : i32 to index
        %swap3A_1236 = arith.constant 32 : index
        %swap3A_1237 = tpu.vector_load %swap3A_1234[%swap3A_1235, %swap3A_1236] {strides = array<i32>} : memref<320x64xf32, #tpu.memory_space<vmem>>, vector<16xf32>,
        tpu.vector_store %swap3A_1234[%swap3A_1235, %swap3A_1236], %add3A_1230 {strides = array<i32>} : memref<320x64xf32, #tpu.memory_space<vmem>>, vector<16xf32>,
        %mul3A_1238 = arith.mulf %get3A_1130, %mul3A_1200 : vector<16xf32>
        %add3A_1239 = arith.addf %mul3A_1238, %mul3A_1204 : vector<16xf32>
        %mul3A_1240 = arith.mulf %add3A_1239, %get3A_11 : vector<16xf32>
        %add3A_1241 = arith.addf %mul3A_1240, %get3A_19 : vector<16xf32>
        %swap3A_1242 = arith.constant 0 : i32
        %swap3A_1243 = arith.constant 0 : i32
        %swap3A_1244 = tpu.memref_slice %arg9[%rem3A_482, %swap3A_1242, %swap3A_1243] : memref<2x320x64xf32, #tpu.memory_space<vmem>> -> memref<1x320x64xf32, #tpu.memory_space<vmem>>
        %swap3A_1245 = tpu.memref_squeeze %swap3A_1244 : memref<1x320x64xf32, #tpu.memory_space<vmem>> -> memref<320x64xf32, #tpu.memory_space<vmem>>
        %swap3A_1246 = arith.index_cast %add3A_1102 : i32 to index
        %swap3A_1247 = arith.constant 48 : index
        %swap3A_1248 = tpu.vector_load %swap3A_1245[%swap3A_1246, %swap3A_1247] {strides = array<i32>} : memref<320x64xf32, #tpu.memory_space<vmem>>, vector<16xf32>,
        tpu.vector_store %swap3A_1245[%swap3A_1246, %swap3A_1247], %add3A_1241 {strides = array<i32>} : memref<320x64xf32, #tpu.memory_space<vmem>>, vector<16xf32>,
        %mul3A_1249 = arith.constant 8 : i32
        %mul3A_1250 = arith.muli %scan3A_506, %mul3A_1249 : i32
        %add3A_1251 = arith.constant 5 : i32
        %add3A_1252 = arith.addi %mul3A_1250, %add3A_1251 : i32
        %get3A_1253 = arith.constant 0 : i32
        %get3A_1254 = arith.constant 0 : i32
        %get3A_1255 = tpu.memref_slice %arg8[%rem3A_482, %get3A_1253, %get3A_1254] : memref<2x320x128xf32, #tpu.memory_space<vmem>> -> memref<1x320x128xf32, #tpu.memory_space<vmem>>
        %get3A_1256 = tpu.memref_squeeze %get3A_1255 : memref<1x320x128xf32, #tpu.memory_space<vmem>> -> memref<320x128xf32, #tpu.memory_space<vmem>>
        %get3A_1257 = arith.index_cast %add3A_1252 : i32 to index
        %get3A_1258 = arith.constant 0 : index
        %get3A_1259 = tpu.vector_load %get3A_1256[%get3A_1257, %get3A_1258] {strides = array<i32>} : memref<320x128xf32, #tpu.memory_space<vmem>>, vector<16xf32>,
        %get3A_1260 = arith.constant 0 : i32
        %get3A_1261 = arith.constant 0 : i32
        %get3A_1262 = tpu.memref_slice %arg8[%rem3A_482, %get3A_1260, %get3A_1261] : memref<2x320x128xf32, #tpu.memory_space<vmem>> -> memref<1x320x128xf32, #tpu.memory_space<vmem>>
        %get3A_1263 = tpu.memref_squeeze %get3A_1262 : memref<1x320x128xf32, #tpu.memory_space<vmem>> -> memref<320x128xf32, #tpu.memory_space<vmem>>
        %get3A_1264 = arith.index_cast %add3A_1252 : i32 to index
        %get3A_1265 = arith.constant 16 : index
        %get3A_1266 = tpu.vector_load %get3A_1263[%get3A_1264, %get3A_1265] {strides = array<i32>} : memref<320x128xf32, #tpu.memory_space<vmem>>, vector<16xf32>,
        %get3A_1267 = arith.constant 0 : i32
        %get3A_1268 = arith.constant 0 : i32
        %get3A_1269 = tpu.memref_slice %arg8[%rem3A_482, %get3A_1267, %get3A_1268] : memref<2x320x128xf32, #tpu.memory_space<vmem>> -> memref<1x320x128xf32, #tpu.memory_space<vmem>>
        %get3A_1270 = tpu.memref_squeeze %get3A_1269 : memref<1x320x128xf32, #tpu.memory_space<vmem>> -> memref<320x128xf32, #tpu.memory_space<vmem>>
        %get3A_1271 = arith.index_cast %add3A_1252 : i32 to index
        %get3A_1272 = arith.constant 32 : index
        %get3A_1273 = tpu.vector_load %get3A_1270[%get3A_1271, %get3A_1272] {strides = array<i32>} : memref<320x128xf32, #tpu.memory_space<vmem>>, vector<16xf32>,
        %get3A_1274 = arith.constant 0 : i32
        %get3A_1275 = arith.constant 0 : i32
        %get3A_1276 = tpu.memref_slice %arg8[%rem3A_482, %get3A_1274, %get3A_1275] : memref<2x320x128xf32, #tpu.memory_space<vmem>> -> memref<1x320x128xf32, #tpu.memory_space<vmem>>
        %get3A_1277 = tpu.memref_squeeze %get3A_1276 : memref<1x320x128xf32, #tpu.memory_space<vmem>> -> memref<320x128xf32, #tpu.memory_space<vmem>>
        %get3A_1278 = arith.index_cast %add3A_1252 : i32 to index
        %get3A_1279 = arith.constant 48 : index
        %get3A_1280 = tpu.vector_load %get3A_1277[%get3A_1278, %get3A_1279] {strides = array<i32>} : memref<320x128xf32, #tpu.memory_space<vmem>>, vector<16xf32>,
        %add3A_1281 = arith.addf %get3A_1259, %get3A_1266 : vector<16xf32>
        %add3A_1282 = arith.addf %get3A_1273, %get3A_1280 : vector<16xf32>
        %add3A_1283 = arith.addf %add3A_1281, %add3A_1282 : vector<16xf32>
        %mul3A_1284 = arith.mulf %get3A_1259, %get3A_1259 : vector<16xf32>
        %mul3A_1285 = arith.mulf %get3A_1266, %get3A_1266 : vector<16xf32>
        %add3A_1286 = arith.addf %mul3A_1284, %mul3A_1285 : vector<16xf32>
        %mul3A_1287 = arith.mulf %get3A_1273, %get3A_1273 : vector<16xf32>
        %mul3A_1288 = arith.mulf %get3A_1280, %get3A_1280 : vector<16xf32>
        %add3A_1289 = arith.addf %mul3A_1287, %mul3A_1288 : vector<16xf32>
        %add3A_1290 = arith.addf %add3A_1286, %add3A_1289 : vector<16xf32>
        %broadcast_in_dim3A_1291 = arith.constant true
        %broadcast_in_dim3A_1292 = vector.broadcast %broadcast_in_dim3A_1291 : i1 to vector<16xi1>
        %masked_cumsum3A_1293 = tpu.scan <sum>, %add3A_1283 masked %broadcast_in_dim3A_1292 : vector<16xf32>, vector<16xi1> -> vector<16xf32>
        %lt3A_1294 = arith.constant 0 : i32
        %lt3A_1295 = vector.broadcast %lt3A_1294 : i32 to vector<16xi32>
        %lt3A_1296 = arith.cmpi slt, %broadcast_in_dim3A_20, %lt3A_1295 : vector<16xi32>
        %add3A_1297 = arith.constant 16 : i32
        %add3A_1298 = vector.broadcast %add3A_1297 : i32 to vector<16xi32>
        %add3A_1299 = arith.addi %broadcast_in_dim3A_20, %add3A_1298 : vector<16xi32>
        %select_n3A_1300 = arith.select %lt3A_1296, %add3A_1299, %broadcast_in_dim3A_20 : vector<16xi1>, vector<16xi32>
        %broadcast_in_dim3A_1301 = vector.shape_cast %select_n3A_1300 : vector<16xi32> to vector<16x1xi32>
        %gather3A_1302 = vector.shape_cast %broadcast_in_dim3A_1301 : vector<16x1xi32> to vector<16xi32>
        %gather3A_1303 = tpu.dynamic_gather %masked_cumsum3A_1293[%gather3A_1302] in [0] : vector<16xf32>, vector<16xi32> -> vector<16xf32>
        %broadcast_in_dim3A_1304 = arith.constant true
        %broadcast_in_dim3A_1305 = vector.broadcast %broadcast_in_dim3A_1304 : i1 to vector<16xi1>
        %masked_cumsum3A_1306 = tpu.scan <sum>, %add3A_1290 masked %broadcast_in_dim3A_1305 : vector<16xf32>, vector<16xi1> -> vector<16xf32>
        %lt3A_1307 = arith.constant 0 : i32
        %lt3A_1308 = vector.broadcast %lt3A_1307 : i32 to vector<16xi32>
        %lt3A_1309 = arith.cmpi slt, %broadcast_in_dim3A_20, %lt3A_1308 : vector<16xi32>
        %add3A_1310 = arith.constant 16 : i32
        %add3A_1311 = vector.broadcast %add3A_1310 : i32 to vector<16xi32>
        %add3A_1312 = arith.addi %broadcast_in_dim3A_20, %add3A_1311 : vector<16xi32>
        %select_n3A_1313 = arith.select %lt3A_1309, %add3A_1312, %broadcast_in_dim3A_20 : vector<16xi1>, vector<16xi32>
        %broadcast_in_dim3A_1314 = vector.shape_cast %select_n3A_1313 : vector<16xi32> to vector<16x1xi32>
        %gather3A_1315 = vector.shape_cast %broadcast_in_dim3A_1314 : vector<16x1xi32> to vector<16xi32>
        %gather3A_1316 = tpu.dynamic_gather %masked_cumsum3A_1306[%gather3A_1315] in [0] : vector<16xf32>, vector<16xi32> -> vector<16xf32>
        %mul3A_1317 = arith.constant 1.562500e-02 : f32
        %mul3A_1318 = vector.broadcast %mul3A_1317 : f32 to vector<16xf32>
        %mul3A_1319 = arith.mulf %gather3A_1303, %mul3A_1318 : vector<16xf32>
        %mul3A_1320 = arith.constant 1.562500e-02 : f32
        %mul3A_1321 = vector.broadcast %mul3A_1320 : f32 to vector<16xf32>
        %mul3A_1322 = arith.mulf %gather3A_1316, %mul3A_1321 : vector<16xf32>
        %mul3A_1323 = arith.mulf %mul3A_1319, %mul3A_1319 : vector<16xf32>
        %sub3A_1324 = arith.subf %mul3A_1322, %mul3A_1323 : vector<16xf32>
        %add3A_1325 = arith.constant 9.99999974E-6 : f32
        %add3A_1326 = vector.broadcast %add3A_1325 : f32 to vector<16xf32>
        %add3A_1327 = arith.addf %sub3A_1324, %add3A_1326 : vector<16xf32>
        %bitcast3A_1328 = vector.bitcast %add3A_1327 : vector<16xf32> to vector<16xi32>
        %shift_right_arithmetic3A_1329 = arith.constant 1 : i32
        %shift_right_arithmetic3A_1330 = vector.broadcast %shift_right_arithmetic3A_1329 : i32 to vector<16xi32>
        %shift_right_arithmetic3A_1331 = arith.shrsi %bitcast3A_1328, %shift_right_arithmetic3A_1330 : vector<16xi32>
        %sub3A_1332 = arith.constant 1597463007 : i32
        %sub3A_1333 = vector.broadcast %sub3A_1332 : i32 to vector<16xi32>
        %sub3A_1334 = arith.subi %sub3A_1333, %shift_right_arithmetic3A_1331 : vector<16xi32>
        %bitcast3A_1335 = vector.bitcast %sub3A_1334 : vector<16xi32> to vector<16xf32>
        %mul3A_1336 = arith.constant 5.000000e-01 : f32
        %mul3A_1337 = vector.broadcast %mul3A_1336 : f32 to vector<16xf32>
        %mul3A_1338 = arith.mulf %add3A_1327, %mul3A_1337 : vector<16xf32>
        %mul3A_1339 = arith.mulf %mul3A_1338, %bitcast3A_1335 : vector<16xf32>
        %mul3A_1340 = arith.mulf %mul3A_1339, %bitcast3A_1335 : vector<16xf32>
        %sub3A_1341 = arith.constant 1.500000e+00 : f32
        %sub3A_1342 = vector.broadcast %sub3A_1341 : f32 to vector<16xf32>
        %sub3A_1343 = arith.subf %sub3A_1342, %mul3A_1340 : vector<16xf32>
        %mul3A_1344 = arith.mulf %bitcast3A_1335, %sub3A_1343 : vector<16xf32>
        %mul3A_1345 = arith.mulf %mul3A_1338, %mul3A_1344 : vector<16xf32>
        %mul3A_1346 = arith.mulf %mul3A_1345, %mul3A_1344 : vector<16xf32>
        %sub3A_1347 = arith.constant 1.500000e+00 : f32
        %sub3A_1348 = vector.broadcast %sub3A_1347 : f32 to vector<16xf32>
        %sub3A_1349 = arith.subf %sub3A_1348, %mul3A_1346 : vector<16xf32>
        %mul3A_1350 = arith.mulf %mul3A_1344, %sub3A_1349 : vector<16xf32>
        %neg3A_1351 = arith.constant 0.000000e+00 : f32
        %neg3A_1352 = vector.broadcast %neg3A_1351 : f32 to vector<16xf32>
        %neg3A_1353 = arith.subf %neg3A_1352, %mul3A_1319 : vector<16xf32>
        %mul3A_1354 = arith.mulf %neg3A_1353, %mul3A_1350 : vector<16xf32>
        %mul3A_1355 = arith.mulf %get3A_1259, %mul3A_1350 : vector<16xf32>
        %add3A_1356 = arith.addf %mul3A_1355, %mul3A_1354 : vector<16xf32>
        %mul3A_1357 = arith.mulf %add3A_1356, %get3A_5 : vector<16xf32>
        %add3A_1358 = arith.addf %mul3A_1357, %get3A_13 : vector<16xf32>
        %swap3A_1359 = arith.constant 0 : i32
        %swap3A_1360 = arith.constant 0 : i32
        %swap3A_1361 = tpu.memref_slice %arg9[%rem3A_482, %swap3A_1359, %swap3A_1360] : memref<2x320x64xf32, #tpu.memory_space<vmem>> -> memref<1x320x64xf32, #tpu.memory_space<vmem>>
        %swap3A_1362 = tpu.memref_squeeze %swap3A_1361 : memref<1x320x64xf32, #tpu.memory_space<vmem>> -> memref<320x64xf32, #tpu.memory_space<vmem>>
        %swap3A_1363 = arith.index_cast %add3A_1252 : i32 to index
        %swap3A_1364 = arith.constant 0 : index
        %swap3A_1365 = tpu.vector_load %swap3A_1362[%swap3A_1363, %swap3A_1364] {strides = array<i32>} : memref<320x64xf32, #tpu.memory_space<vmem>>, vector<16xf32>,
        tpu.vector_store %swap3A_1362[%swap3A_1363, %swap3A_1364], %add3A_1358 {strides = array<i32>} : memref<320x64xf32, #tpu.memory_space<vmem>>, vector<16xf32>,
        %mul3A_1366 = arith.mulf %get3A_1266, %mul3A_1350 : vector<16xf32>
        %add3A_1367 = arith.addf %mul3A_1366, %mul3A_1354 : vector<16xf32>
        %mul3A_1368 = arith.mulf %add3A_1367, %get3A_7 : vector<16xf32>
        %add3A_1369 = arith.addf %mul3A_1368, %get3A_15 : vector<16xf32>
        %swap3A_1370 = arith.constant 0 : i32
        %swap3A_1371 = arith.constant 0 : i32
        %swap3A_1372 = tpu.memref_slice %arg9[%rem3A_482, %swap3A_1370, %swap3A_1371] : memref<2x320x64xf32, #tpu.memory_space<vmem>> -> memref<1x320x64xf32, #tpu.memory_space<vmem>>
        %swap3A_1373 = tpu.memref_squeeze %swap3A_1372 : memref<1x320x64xf32, #tpu.memory_space<vmem>> -> memref<320x64xf32, #tpu.memory_space<vmem>>
        %swap3A_1374 = arith.index_cast %add3A_1252 : i32 to index
        %swap3A_1375 = arith.constant 16 : index
        %swap3A_1376 = tpu.vector_load %swap3A_1373[%swap3A_1374, %swap3A_1375] {strides = array<i32>} : memref<320x64xf32, #tpu.memory_space<vmem>>, vector<16xf32>,
        tpu.vector_store %swap3A_1373[%swap3A_1374, %swap3A_1375], %add3A_1369 {strides = array<i32>} : memref<320x64xf32, #tpu.memory_space<vmem>>, vector<16xf32>,
        %mul3A_1377 = arith.mulf %get3A_1273, %mul3A_1350 : vector<16xf32>
        %add3A_1378 = arith.addf %mul3A_1377, %mul3A_1354 : vector<16xf32>
        %mul3A_1379 = arith.mulf %add3A_1378, %get3A_9 : vector<16xf32>
        %add3A_1380 = arith.addf %mul3A_1379, %get3A_17 : vector<16xf32>
        %swap3A_1381 = arith.constant 0 : i32
        %swap3A_1382 = arith.constant 0 : i32
        %swap3A_1383 = tpu.memref_slice %arg9[%rem3A_482, %swap3A_1381, %swap3A_1382] : memref<2x320x64xf32, #tpu.memory_space<vmem>> -> memref<1x320x64xf32, #tpu.memory_space<vmem>>
        %swap3A_1384 = tpu.memref_squeeze %swap3A_1383 : memref<1x320x64xf32, #tpu.memory_space<vmem>> -> memref<320x64xf32, #tpu.memory_space<vmem>>
        %swap3A_1385 = arith.index_cast %add3A_1252 : i32 to index
        %swap3A_1386 = arith.constant 32 : index
        %swap3A_1387 = tpu.vector_load %swap3A_1384[%swap3A_1385, %swap3A_1386] {strides = array<i32>} : memref<320x64xf32, #tpu.memory_space<vmem>>, vector<16xf32>,
        tpu.vector_store %swap3A_1384[%swap3A_1385, %swap3A_1386], %add3A_1380 {strides = array<i32>} : memref<320x64xf32, #tpu.memory_space<vmem>>, vector<16xf32>,
        %mul3A_1388 = arith.mulf %get3A_1280, %mul3A_1350 : vector<16xf32>
        %add3A_1389 = arith.addf %mul3A_1388, %mul3A_1354 : vector<16xf32>
        %mul3A_1390 = arith.mulf %add3A_1389, %get3A_11 : vector<16xf32>
        %add3A_1391 = arith.addf %mul3A_1390, %get3A_19 : vector<16xf32>
        %swap3A_1392 = arith.constant 0 : i32
        %swap3A_1393 = arith.constant 0 : i32
        %swap3A_1394 = tpu.memref_slice %arg9[%rem3A_482, %swap3A_1392, %swap3A_1393] : memref<2x320x64xf32, #tpu.memory_space<vmem>> -> memref<1x320x64xf32, #tpu.memory_space<vmem>>
        %swap3A_1395 = tpu.memref_squeeze %swap3A_1394 : memref<1x320x64xf32, #tpu.memory_space<vmem>> -> memref<320x64xf32, #tpu.memory_space<vmem>>
        %swap3A_1396 = arith.index_cast %add3A_1252 : i32 to index
        %swap3A_1397 = arith.constant 48 : index
        %swap3A_1398 = tpu.vector_load %swap3A_1395[%swap3A_1396, %swap3A_1397] {strides = array<i32>} : memref<320x64xf32, #tpu.memory_space<vmem>>, vector<16xf32>,
        tpu.vector_store %swap3A_1395[%swap3A_1396, %swap3A_1397], %add3A_1391 {strides = array<i32>} : memref<320x64xf32, #tpu.memory_space<vmem>>, vector<16xf32>,
        %mul3A_1399 = arith.constant 8 : i32
        %mul3A_1400 = arith.muli %scan3A_506, %mul3A_1399 : i32
        %add3A_1401 = arith.constant 6 : i32
        %add3A_1402 = arith.addi %mul3A_1400, %add3A_1401 : i32
        %get3A_1403 = arith.constant 0 : i32
        %get3A_1404 = arith.constant 0 : i32
        %get3A_1405 = tpu.memref_slice %arg8[%rem3A_482, %get3A_1403, %get3A_1404] : memref<2x320x128xf32, #tpu.memory_space<vmem>> -> memref<1x320x128xf32, #tpu.memory_space<vmem>>
        %get3A_1406 = tpu.memref_squeeze %get3A_1405 : memref<1x320x128xf32, #tpu.memory_space<vmem>> -> memref<320x128xf32, #tpu.memory_space<vmem>>
        %get3A_1407 = arith.index_cast %add3A_1402 : i32 to index
        %get3A_1408 = arith.constant 0 : index
        %get3A_1409 = tpu.vector_load %get3A_1406[%get3A_1407, %get3A_1408] {strides = array<i32>} : memref<320x128xf32, #tpu.memory_space<vmem>>, vector<16xf32>,
        %get3A_1410 = arith.constant 0 : i32
        %get3A_1411 = arith.constant 0 : i32
        %get3A_1412 = tpu.memref_slice %arg8[%rem3A_482, %get3A_1410, %get3A_1411] : memref<2x320x128xf32, #tpu.memory_space<vmem>> -> memref<1x320x128xf32, #tpu.memory_space<vmem>>
        %get3A_1413 = tpu.memref_squeeze %get3A_1412 : memref<1x320x128xf32, #tpu.memory_space<vmem>> -> memref<320x128xf32, #tpu.memory_space<vmem>>
        %get3A_1414 = arith.index_cast %add3A_1402 : i32 to index
        %get3A_1415 = arith.constant 16 : index
        %get3A_1416 = tpu.vector_load %get3A_1413[%get3A_1414, %get3A_1415] {strides = array<i32>} : memref<320x128xf32, #tpu.memory_space<vmem>>, vector<16xf32>,
        %get3A_1417 = arith.constant 0 : i32
        %get3A_1418 = arith.constant 0 : i32
        %get3A_1419 = tpu.memref_slice %arg8[%rem3A_482, %get3A_1417, %get3A_1418] : memref<2x320x128xf32, #tpu.memory_space<vmem>> -> memref<1x320x128xf32, #tpu.memory_space<vmem>>
        %get3A_1420 = tpu.memref_squeeze %get3A_1419 : memref<1x320x128xf32, #tpu.memory_space<vmem>> -> memref<320x128xf32, #tpu.memory_space<vmem>>
        %get3A_1421 = arith.index_cast %add3A_1402 : i32 to index
        %get3A_1422 = arith.constant 32 : index
        %get3A_1423 = tpu.vector_load %get3A_1420[%get3A_1421, %get3A_1422] {strides = array<i32>} : memref<320x128xf32, #tpu.memory_space<vmem>>, vector<16xf32>,
        %get3A_1424 = arith.constant 0 : i32
        %get3A_1425 = arith.constant 0 : i32
        %get3A_1426 = tpu.memref_slice %arg8[%rem3A_482, %get3A_1424, %get3A_1425] : memref<2x320x128xf32, #tpu.memory_space<vmem>> -> memref<1x320x128xf32, #tpu.memory_space<vmem>>
        %get3A_1427 = tpu.memref_squeeze %get3A_1426 : memref<1x320x128xf32, #tpu.memory_space<vmem>> -> memref<320x128xf32, #tpu.memory_space<vmem>>
        %get3A_1428 = arith.index_cast %add3A_1402 : i32 to index
        %get3A_1429 = arith.constant 48 : index
        %get3A_1430 = tpu.vector_load %get3A_1427[%get3A_1428, %get3A_1429] {strides = array<i32>} : memref<320x128xf32, #tpu.memory_space<vmem>>, vector<16xf32>,
        %add3A_1431 = arith.addf %get3A_1409, %get3A_1416 : vector<16xf32>
        %add3A_1432 = arith.addf %get3A_1423, %get3A_1430 : vector<16xf32>
        %add3A_1433 = arith.addf %add3A_1431, %add3A_1432 : vector<16xf32>
        %mul3A_1434 = arith.mulf %get3A_1409, %get3A_1409 : vector<16xf32>
        %mul3A_1435 = arith.mulf %get3A_1416, %get3A_1416 : vector<16xf32>
        %add3A_1436 = arith.addf %mul3A_1434, %mul3A_1435 : vector<16xf32>
        %mul3A_1437 = arith.mulf %get3A_1423, %get3A_1423 : vector<16xf32>
        %mul3A_1438 = arith.mulf %get3A_1430, %get3A_1430 : vector<16xf32>
        %add3A_1439 = arith.addf %mul3A_1437, %mul3A_1438 : vector<16xf32>
        %add3A_1440 = arith.addf %add3A_1436, %add3A_1439 : vector<16xf32>
        %broadcast_in_dim3A_1441 = arith.constant true
        %broadcast_in_dim3A_1442 = vector.broadcast %broadcast_in_dim3A_1441 : i1 to vector<16xi1>
        %masked_cumsum3A_1443 = tpu.scan <sum>, %add3A_1433 masked %broadcast_in_dim3A_1442 : vector<16xf32>, vector<16xi1> -> vector<16xf32>
        %lt3A_1444 = arith.constant 0 : i32
        %lt3A_1445 = vector.broadcast %lt3A_1444 : i32 to vector<16xi32>
        %lt3A_1446 = arith.cmpi slt, %broadcast_in_dim3A_20, %lt3A_1445 : vector<16xi32>
        %add3A_1447 = arith.constant 16 : i32
        %add3A_1448 = vector.broadcast %add3A_1447 : i32 to vector<16xi32>
        %add3A_1449 = arith.addi %broadcast_in_dim3A_20, %add3A_1448 : vector<16xi32>
        %select_n3A_1450 = arith.select %lt3A_1446, %add3A_1449, %broadcast_in_dim3A_20 : vector<16xi1>, vector<16xi32>
        %broadcast_in_dim3A_1451 = vector.shape_cast %select_n3A_1450 : vector<16xi32> to vector<16x1xi32>
        %gather3A_1452 = vector.shape_cast %broadcast_in_dim3A_1451 : vector<16x1xi32> to vector<16xi32>
        %gather3A_1453 = tpu.dynamic_gather %masked_cumsum3A_1443[%gather3A_1452] in [0] : vector<16xf32>, vector<16xi32> -> vector<16xf32>
        %broadcast_in_dim3A_1454 = arith.constant true
        %broadcast_in_dim3A_1455 = vector.broadcast %broadcast_in_dim3A_1454 : i1 to vector<16xi1>
        %masked_cumsum3A_1456 = tpu.scan <sum>, %add3A_1440 masked %broadcast_in_dim3A_1455 : vector<16xf32>, vector<16xi1> -> vector<16xf32>
        %lt3A_1457 = arith.constant 0 : i32
        %lt3A_1458 = vector.broadcast %lt3A_1457 : i32 to vector<16xi32>
        %lt3A_1459 = arith.cmpi slt, %broadcast_in_dim3A_20, %lt3A_1458 : vector<16xi32>
        %add3A_1460 = arith.constant 16 : i32
        %add3A_1461 = vector.broadcast %add3A_1460 : i32 to vector<16xi32>
        %add3A_1462 = arith.addi %broadcast_in_dim3A_20, %add3A_1461 : vector<16xi32>
        %select_n3A_1463 = arith.select %lt3A_1459, %add3A_1462, %broadcast_in_dim3A_20 : vector<16xi1>, vector<16xi32>
        %broadcast_in_dim3A_1464 = vector.shape_cast %select_n3A_1463 : vector<16xi32> to vector<16x1xi32>
        %gather3A_1465 = vector.shape_cast %broadcast_in_dim3A_1464 : vector<16x1xi32> to vector<16xi32>
        %gather3A_1466 = tpu.dynamic_gather %masked_cumsum3A_1456[%gather3A_1465] in [0] : vector<16xf32>, vector<16xi32> -> vector<16xf32>
        %mul3A_1467 = arith.constant 1.562500e-02 : f32
        %mul3A_1468 = vector.broadcast %mul3A_1467 : f32 to vector<16xf32>
        %mul3A_1469 = arith.mulf %gather3A_1453, %mul3A_1468 : vector<16xf32>
        %mul3A_1470 = arith.constant 1.562500e-02 : f32
        %mul3A_1471 = vector.broadcast %mul3A_1470 : f32 to vector<16xf32>
        %mul3A_1472 = arith.mulf %gather3A_1466, %mul3A_1471 : vector<16xf32>
        %mul3A_1473 = arith.mulf %mul3A_1469, %mul3A_1469 : vector<16xf32>
        %sub3A_1474 = arith.subf %mul3A_1472, %mul3A_1473 : vector<16xf32>
        %add3A_1475 = arith.constant 9.99999974E-6 : f32
        %add3A_1476 = vector.broadcast %add3A_1475 : f32 to vector<16xf32>
        %add3A_1477 = arith.addf %sub3A_1474, %add3A_1476 : vector<16xf32>
        %bitcast3A_1478 = vector.bitcast %add3A_1477 : vector<16xf32> to vector<16xi32>
        %shift_right_arithmetic3A_1479 = arith.constant 1 : i32
        %shift_right_arithmetic3A_1480 = vector.broadcast %shift_right_arithmetic3A_1479 : i32 to vector<16xi32>
        %shift_right_arithmetic3A_1481 = arith.shrsi %bitcast3A_1478, %shift_right_arithmetic3A_1480 : vector<16xi32>
        %sub3A_1482 = arith.constant 1597463007 : i32
        %sub3A_1483 = vector.broadcast %sub3A_1482 : i32 to vector<16xi32>
        %sub3A_1484 = arith.subi %sub3A_1483, %shift_right_arithmetic3A_1481 : vector<16xi32>
        %bitcast3A_1485 = vector.bitcast %sub3A_1484 : vector<16xi32> to vector<16xf32>
        %mul3A_1486 = arith.constant 5.000000e-01 : f32
        %mul3A_1487 = vector.broadcast %mul3A_1486 : f32 to vector<16xf32>
        %mul3A_1488 = arith.mulf %add3A_1477, %mul3A_1487 : vector<16xf32>
        %mul3A_1489 = arith.mulf %mul3A_1488, %bitcast3A_1485 : vector<16xf32>
        %mul3A_1490 = arith.mulf %mul3A_1489, %bitcast3A_1485 : vector<16xf32>
        %sub3A_1491 = arith.constant 1.500000e+00 : f32
        %sub3A_1492 = vector.broadcast %sub3A_1491 : f32 to vector<16xf32>
        %sub3A_1493 = arith.subf %sub3A_1492, %mul3A_1490 : vector<16xf32>
        %mul3A_1494 = arith.mulf %bitcast3A_1485, %sub3A_1493 : vector<16xf32>
        %mul3A_1495 = arith.mulf %mul3A_1488, %mul3A_1494 : vector<16xf32>
        %mul3A_1496 = arith.mulf %mul3A_1495, %mul3A_1494 : vector<16xf32>
        %sub3A_1497 = arith.constant 1.500000e+00 : f32
        %sub3A_1498 = vector.broadcast %sub3A_1497 : f32 to vector<16xf32>
        %sub3A_1499 = arith.subf %sub3A_1498, %mul3A_1496 : vector<16xf32>
        %mul3A_1500 = arith.mulf %mul3A_1494, %sub3A_1499 : vector<16xf32>
        %neg3A_1501 = arith.constant 0.000000e+00 : f32
        %neg3A_1502 = vector.broadcast %neg3A_1501 : f32 to vector<16xf32>
        %neg3A_1503 = arith.subf %neg3A_1502, %mul3A_1469 : vector<16xf32>
        %mul3A_1504 = arith.mulf %neg3A_1503, %mul3A_1500 : vector<16xf32>
        %mul3A_1505 = arith.mulf %get3A_1409, %mul3A_1500 : vector<16xf32>
        %add3A_1506 = arith.addf %mul3A_1505, %mul3A_1504 : vector<16xf32>
        %mul3A_1507 = arith.mulf %add3A_1506, %get3A_5 : vector<16xf32>
        %add3A_1508 = arith.addf %mul3A_1507, %get3A_13 : vector<16xf32>
        %swap3A_1509 = arith.constant 0 : i32
        %swap3A_1510 = arith.constant 0 : i32
        %swap3A_1511 = tpu.memref_slice %arg9[%rem3A_482, %swap3A_1509, %swap3A_1510] : memref<2x320x64xf32, #tpu.memory_space<vmem>> -> memref<1x320x64xf32, #tpu.memory_space<vmem>>
        %swap3A_1512 = tpu.memref_squeeze %swap3A_1511 : memref<1x320x64xf32, #tpu.memory_space<vmem>> -> memref<320x64xf32, #tpu.memory_space<vmem>>
        %swap3A_1513 = arith.index_cast %add3A_1402 : i32 to index
        %swap3A_1514 = arith.constant 0 : index
        %swap3A_1515 = tpu.vector_load %swap3A_1512[%swap3A_1513, %swap3A_1514] {strides = array<i32>} : memref<320x64xf32, #tpu.memory_space<vmem>>, vector<16xf32>,
        tpu.vector_store %swap3A_1512[%swap3A_1513, %swap3A_1514], %add3A_1508 {strides = array<i32>} : memref<320x64xf32, #tpu.memory_space<vmem>>, vector<16xf32>,
        %mul3A_1516 = arith.mulf %get3A_1416, %mul3A_1500 : vector<16xf32>
        %add3A_1517 = arith.addf %mul3A_1516, %mul3A_1504 : vector<16xf32>
        %mul3A_1518 = arith.mulf %add3A_1517, %get3A_7 : vector<16xf32>
        %add3A_1519 = arith.addf %mul3A_1518, %get3A_15 : vector<16xf32>
        %swap3A_1520 = arith.constant 0 : i32
        %swap3A_1521 = arith.constant 0 : i32
        %swap3A_1522 = tpu.memref_slice %arg9[%rem3A_482, %swap3A_1520, %swap3A_1521] : memref<2x320x64xf32, #tpu.memory_space<vmem>> -> memref<1x320x64xf32, #tpu.memory_space<vmem>>
        %swap3A_1523 = tpu.memref_squeeze %swap3A_1522 : memref<1x320x64xf32, #tpu.memory_space<vmem>> -> memref<320x64xf32, #tpu.memory_space<vmem>>
        %swap3A_1524 = arith.index_cast %add3A_1402 : i32 to index
        %swap3A_1525 = arith.constant 16 : index
        %swap3A_1526 = tpu.vector_load %swap3A_1523[%swap3A_1524, %swap3A_1525] {strides = array<i32>} : memref<320x64xf32, #tpu.memory_space<vmem>>, vector<16xf32>,
        tpu.vector_store %swap3A_1523[%swap3A_1524, %swap3A_1525], %add3A_1519 {strides = array<i32>} : memref<320x64xf32, #tpu.memory_space<vmem>>, vector<16xf32>,
        %mul3A_1527 = arith.mulf %get3A_1423, %mul3A_1500 : vector<16xf32>
        %add3A_1528 = arith.addf %mul3A_1527, %mul3A_1504 : vector<16xf32>
        %mul3A_1529 = arith.mulf %add3A_1528, %get3A_9 : vector<16xf32>
        %add3A_1530 = arith.addf %mul3A_1529, %get3A_17 : vector<16xf32>
        %swap3A_1531 = arith.constant 0 : i32
        %swap3A_1532 = arith.constant 0 : i32
        %swap3A_1533 = tpu.memref_slice %arg9[%rem3A_482, %swap3A_1531, %swap3A_1532] : memref<2x320x64xf32, #tpu.memory_space<vmem>> -> memref<1x320x64xf32, #tpu.memory_space<vmem>>
        %swap3A_1534 = tpu.memref_squeeze %swap3A_1533 : memref<1x320x64xf32, #tpu.memory_space<vmem>> -> memref<320x64xf32, #tpu.memory_space<vmem>>
        %swap3A_1535 = arith.index_cast %add3A_1402 : i32 to index
        %swap3A_1536 = arith.constant 32 : index
        %swap3A_1537 = tpu.vector_load %swap3A_1534[%swap3A_1535, %swap3A_1536] {strides = array<i32>} : memref<320x64xf32, #tpu.memory_space<vmem>>, vector<16xf32>,
        tpu.vector_store %swap3A_1534[%swap3A_1535, %swap3A_1536], %add3A_1530 {strides = array<i32>} : memref<320x64xf32, #tpu.memory_space<vmem>>, vector<16xf32>,
        %mul3A_1538 = arith.mulf %get3A_1430, %mul3A_1500 : vector<16xf32>
        %add3A_1539 = arith.addf %mul3A_1538, %mul3A_1504 : vector<16xf32>
        %mul3A_1540 = arith.mulf %add3A_1539, %get3A_11 : vector<16xf32>
        %add3A_1541 = arith.addf %mul3A_1540, %get3A_19 : vector<16xf32>
        %swap3A_1542 = arith.constant 0 : i32
        %swap3A_1543 = arith.constant 0 : i32
        %swap3A_1544 = tpu.memref_slice %arg9[%rem3A_482, %swap3A_1542, %swap3A_1543] : memref<2x320x64xf32, #tpu.memory_space<vmem>> -> memref<1x320x64xf32, #tpu.memory_space<vmem>>
        %swap3A_1545 = tpu.memref_squeeze %swap3A_1544 : memref<1x320x64xf32, #tpu.memory_space<vmem>> -> memref<320x64xf32, #tpu.memory_space<vmem>>
        %swap3A_1546 = arith.index_cast %add3A_1402 : i32 to index
        %swap3A_1547 = arith.constant 48 : index
        %swap3A_1548 = tpu.vector_load %swap3A_1545[%swap3A_1546, %swap3A_1547] {strides = array<i32>} : memref<320x64xf32, #tpu.memory_space<vmem>>, vector<16xf32>,
        tpu.vector_store %swap3A_1545[%swap3A_1546, %swap3A_1547], %add3A_1541 {strides = array<i32>} : memref<320x64xf32, #tpu.memory_space<vmem>>, vector<16xf32>,
        %mul3A_1549 = arith.constant 8 : i32
        %mul3A_1550 = arith.muli %scan3A_506, %mul3A_1549 : i32
        %add3A_1551 = arith.constant 7 : i32
        %add3A_1552 = arith.addi %mul3A_1550, %add3A_1551 : i32
        %get3A_1553 = arith.constant 0 : i32
        %get3A_1554 = arith.constant 0 : i32
        %get3A_1555 = tpu.memref_slice %arg8[%rem3A_482, %get3A_1553, %get3A_1554] : memref<2x320x128xf32, #tpu.memory_space<vmem>> -> memref<1x320x128xf32, #tpu.memory_space<vmem>>
        %get3A_1556 = tpu.memref_squeeze %get3A_1555 : memref<1x320x128xf32, #tpu.memory_space<vmem>> -> memref<320x128xf32, #tpu.memory_space<vmem>>
        %get3A_1557 = arith.index_cast %add3A_1552 : i32 to index
        %get3A_1558 = arith.constant 0 : index
        %get3A_1559 = tpu.vector_load %get3A_1556[%get3A_1557, %get3A_1558] {strides = array<i32>} : memref<320x128xf32, #tpu.memory_space<vmem>>, vector<16xf32>,
        %get3A_1560 = arith.constant 0 : i32
        %get3A_1561 = arith.constant 0 : i32
        %get3A_1562 = tpu.memref_slice %arg8[%rem3A_482, %get3A_1560, %get3A_1561] : memref<2x320x128xf32, #tpu.memory_space<vmem>> -> memref<1x320x128xf32, #tpu.memory_space<vmem>>
        %get3A_1563 = tpu.memref_squeeze %get3A_1562 : memref<1x320x128xf32, #tpu.memory_space<vmem>> -> memref<320x128xf32, #tpu.memory_space<vmem>>
        %get3A_1564 = arith.index_cast %add3A_1552 : i32 to index
        %get3A_1565 = arith.constant 16 : index
        %get3A_1566 = tpu.vector_load %get3A_1563[%get3A_1564, %get3A_1565] {strides = array<i32>} : memref<320x128xf32, #tpu.memory_space<vmem>>, vector<16xf32>,
        %get3A_1567 = arith.constant 0 : i32
        %get3A_1568 = arith.constant 0 : i32
        %get3A_1569 = tpu.memref_slice %arg8[%rem3A_482, %get3A_1567, %get3A_1568] : memref<2x320x128xf32, #tpu.memory_space<vmem>> -> memref<1x320x128xf32, #tpu.memory_space<vmem>>
        %get3A_1570 = tpu.memref_squeeze %get3A_1569 : memref<1x320x128xf32, #tpu.memory_space<vmem>> -> memref<320x128xf32, #tpu.memory_space<vmem>>
        %get3A_1571 = arith.index_cast %add3A_1552 : i32 to index
        %get3A_1572 = arith.constant 32 : index
        %get3A_1573 = tpu.vector_load %get3A_1570[%get3A_1571, %get3A_1572] {strides = array<i32>} : memref<320x128xf32, #tpu.memory_space<vmem>>, vector<16xf32>,
        %get3A_1574 = arith.constant 0 : i32
        %get3A_1575 = arith.constant 0 : i32
        %get3A_1576 = tpu.memref_slice %arg8[%rem3A_482, %get3A_1574, %get3A_1575] : memref<2x320x128xf32, #tpu.memory_space<vmem>> -> memref<1x320x128xf32, #tpu.memory_space<vmem>>
        %get3A_1577 = tpu.memref_squeeze %get3A_1576 : memref<1x320x128xf32, #tpu.memory_space<vmem>> -> memref<320x128xf32, #tpu.memory_space<vmem>>
        %get3A_1578 = arith.index_cast %add3A_1552 : i32 to index
        %get3A_1579 = arith.constant 48 : index
        %get3A_1580 = tpu.vector_load %get3A_1577[%get3A_1578, %get3A_1579] {strides = array<i32>} : memref<320x128xf32, #tpu.memory_space<vmem>>, vector<16xf32>,
        %add3A_1581 = arith.addf %get3A_1559, %get3A_1566 : vector<16xf32>
        %add3A_1582 = arith.addf %get3A_1573, %get3A_1580 : vector<16xf32>
        %add3A_1583 = arith.addf %add3A_1581, %add3A_1582 : vector<16xf32>
        %mul3A_1584 = arith.mulf %get3A_1559, %get3A_1559 : vector<16xf32>
        %mul3A_1585 = arith.mulf %get3A_1566, %get3A_1566 : vector<16xf32>
        %add3A_1586 = arith.addf %mul3A_1584, %mul3A_1585 : vector<16xf32>
        %mul3A_1587 = arith.mulf %get3A_1573, %get3A_1573 : vector<16xf32>
        %mul3A_1588 = arith.mulf %get3A_1580, %get3A_1580 : vector<16xf32>
        %add3A_1589 = arith.addf %mul3A_1587, %mul3A_1588 : vector<16xf32>
        %add3A_1590 = arith.addf %add3A_1586, %add3A_1589 : vector<16xf32>
        %broadcast_in_dim3A_1591 = arith.constant true
        %broadcast_in_dim3A_1592 = vector.broadcast %broadcast_in_dim3A_1591 : i1 to vector<16xi1>
        %masked_cumsum3A_1593 = tpu.scan <sum>, %add3A_1583 masked %broadcast_in_dim3A_1592 : vector<16xf32>, vector<16xi1> -> vector<16xf32>
        %lt3A_1594 = arith.constant 0 : i32
        %lt3A_1595 = vector.broadcast %lt3A_1594 : i32 to vector<16xi32>
        %lt3A_1596 = arith.cmpi slt, %broadcast_in_dim3A_20, %lt3A_1595 : vector<16xi32>
        %add3A_1597 = arith.constant 16 : i32
        %add3A_1598 = vector.broadcast %add3A_1597 : i32 to vector<16xi32>
        %add3A_1599 = arith.addi %broadcast_in_dim3A_20, %add3A_1598 : vector<16xi32>
        %select_n3A_1600 = arith.select %lt3A_1596, %add3A_1599, %broadcast_in_dim3A_20 : vector<16xi1>, vector<16xi32>
        %broadcast_in_dim3A_1601 = vector.shape_cast %select_n3A_1600 : vector<16xi32> to vector<16x1xi32>
        %gather3A_1602 = vector.shape_cast %broadcast_in_dim3A_1601 : vector<16x1xi32> to vector<16xi32>
        %gather3A_1603 = tpu.dynamic_gather %masked_cumsum3A_1593[%gather3A_1602] in [0] : vector<16xf32>, vector<16xi32> -> vector<16xf32>
        %broadcast_in_dim3A_1604 = arith.constant true
        %broadcast_in_dim3A_1605 = vector.broadcast %broadcast_in_dim3A_1604 : i1 to vector<16xi1>
        %masked_cumsum3A_1606 = tpu.scan <sum>, %add3A_1590 masked %broadcast_in_dim3A_1605 : vector<16xf32>, vector<16xi1> -> vector<16xf32>
        %lt3A_1607 = arith.constant 0 : i32
        %lt3A_1608 = vector.broadcast %lt3A_1607 : i32 to vector<16xi32>
        %lt3A_1609 = arith.cmpi slt, %broadcast_in_dim3A_20, %lt3A_1608 : vector<16xi32>
        %add3A_1610 = arith.constant 16 : i32
        %add3A_1611 = vector.broadcast %add3A_1610 : i32 to vector<16xi32>
        %add3A_1612 = arith.addi %broadcast_in_dim3A_20, %add3A_1611 : vector<16xi32>
        %select_n3A_1613 = arith.select %lt3A_1609, %add3A_1612, %broadcast_in_dim3A_20 : vector<16xi1>, vector<16xi32>
        %broadcast_in_dim3A_1614 = vector.shape_cast %select_n3A_1613 : vector<16xi32> to vector<16x1xi32>
        %gather3A_1615 = vector.shape_cast %broadcast_in_dim3A_1614 : vector<16x1xi32> to vector<16xi32>
        %gather3A_1616 = tpu.dynamic_gather %masked_cumsum3A_1606[%gather3A_1615] in [0] : vector<16xf32>, vector<16xi32> -> vector<16xf32>
        %mul3A_1617 = arith.constant 1.562500e-02 : f32
        %mul3A_1618 = vector.broadcast %mul3A_1617 : f32 to vector<16xf32>
        %mul3A_1619 = arith.mulf %gather3A_1603, %mul3A_1618 : vector<16xf32>
        %mul3A_1620 = arith.constant 1.562500e-02 : f32
        %mul3A_1621 = vector.broadcast %mul3A_1620 : f32 to vector<16xf32>
        %mul3A_1622 = arith.mulf %gather3A_1616, %mul3A_1621 : vector<16xf32>
        %mul3A_1623 = arith.mulf %mul3A_1619, %mul3A_1619 : vector<16xf32>
        %sub3A_1624 = arith.subf %mul3A_1622, %mul3A_1623 : vector<16xf32>
        %add3A_1625 = arith.constant 9.99999974E-6 : f32
        %add3A_1626 = vector.broadcast %add3A_1625 : f32 to vector<16xf32>
        %add3A_1627 = arith.addf %sub3A_1624, %add3A_1626 : vector<16xf32>
        %bitcast3A_1628 = vector.bitcast %add3A_1627 : vector<16xf32> to vector<16xi32>
        %shift_right_arithmetic3A_1629 = arith.constant 1 : i32
        %shift_right_arithmetic3A_1630 = vector.broadcast %shift_right_arithmetic3A_1629 : i32 to vector<16xi32>
        %shift_right_arithmetic3A_1631 = arith.shrsi %bitcast3A_1628, %shift_right_arithmetic3A_1630 : vector<16xi32>
        %sub3A_1632 = arith.constant 1597463007 : i32
        %sub3A_1633 = vector.broadcast %sub3A_1632 : i32 to vector<16xi32>
        %sub3A_1634 = arith.subi %sub3A_1633, %shift_right_arithmetic3A_1631 : vector<16xi32>
        %bitcast3A_1635 = vector.bitcast %sub3A_1634 : vector<16xi32> to vector<16xf32>
        %mul3A_1636 = arith.constant 5.000000e-01 : f32
        %mul3A_1637 = vector.broadcast %mul3A_1636 : f32 to vector<16xf32>
        %mul3A_1638 = arith.mulf %add3A_1627, %mul3A_1637 : vector<16xf32>
        %mul3A_1639 = arith.mulf %mul3A_1638, %bitcast3A_1635 : vector<16xf32>
        %mul3A_1640 = arith.mulf %mul3A_1639, %bitcast3A_1635 : vector<16xf32>
        %sub3A_1641 = arith.constant 1.500000e+00 : f32
        %sub3A_1642 = vector.broadcast %sub3A_1641 : f32 to vector<16xf32>
        %sub3A_1643 = arith.subf %sub3A_1642, %mul3A_1640 : vector<16xf32>
        %mul3A_1644 = arith.mulf %bitcast3A_1635, %sub3A_1643 : vector<16xf32>
        %mul3A_1645 = arith.mulf %mul3A_1638, %mul3A_1644 : vector<16xf32>
        %mul3A_1646 = arith.mulf %mul3A_1645, %mul3A_1644 : vector<16xf32>
        %sub3A_1647 = arith.constant 1.500000e+00 : f32
        %sub3A_1648 = vector.broadcast %sub3A_1647 : f32 to vector<16xf32>
        %sub3A_1649 = arith.subf %sub3A_1648, %mul3A_1646 : vector<16xf32>
        %mul3A_1650 = arith.mulf %mul3A_1644, %sub3A_1649 : vector<16xf32>
        %neg3A_1651 = arith.constant 0.000000e+00 : f32
        %neg3A_1652 = vector.broadcast %neg3A_1651 : f32 to vector<16xf32>
        %neg3A_1653 = arith.subf %neg3A_1652, %mul3A_1619 : vector<16xf32>
        %mul3A_1654 = arith.mulf %neg3A_1653, %mul3A_1650 : vector<16xf32>
        %mul3A_1655 = arith.mulf %get3A_1559, %mul3A_1650 : vector<16xf32>
        %add3A_1656 = arith.addf %mul3A_1655, %mul3A_1654 : vector<16xf32>
        %mul3A_1657 = arith.mulf %add3A_1656, %get3A_5 : vector<16xf32>
        %add3A_1658 = arith.addf %mul3A_1657, %get3A_13 : vector<16xf32>
        %swap3A_1659 = arith.constant 0 : i32
        %swap3A_1660 = arith.constant 0 : i32
        %swap3A_1661 = tpu.memref_slice %arg9[%rem3A_482, %swap3A_1659, %swap3A_1660] : memref<2x320x64xf32, #tpu.memory_space<vmem>> -> memref<1x320x64xf32, #tpu.memory_space<vmem>>
        %swap3A_1662 = tpu.memref_squeeze %swap3A_1661 : memref<1x320x64xf32, #tpu.memory_space<vmem>> -> memref<320x64xf32, #tpu.memory_space<vmem>>
        %swap3A_1663 = arith.index_cast %add3A_1552 : i32 to index
        %swap3A_1664 = arith.constant 0 : index
        %swap3A_1665 = tpu.vector_load %swap3A_1662[%swap3A_1663, %swap3A_1664] {strides = array<i32>} : memref<320x64xf32, #tpu.memory_space<vmem>>, vector<16xf32>,
        tpu.vector_store %swap3A_1662[%swap3A_1663, %swap3A_1664], %add3A_1658 {strides = array<i32>} : memref<320x64xf32, #tpu.memory_space<vmem>>, vector<16xf32>,
        %mul3A_1666 = arith.mulf %get3A_1566, %mul3A_1650 : vector<16xf32>
        %add3A_1667 = arith.addf %mul3A_1666, %mul3A_1654 : vector<16xf32>
        %mul3A_1668 = arith.mulf %add3A_1667, %get3A_7 : vector<16xf32>
        %add3A_1669 = arith.addf %mul3A_1668, %get3A_15 : vector<16xf32>
        %swap3A_1670 = arith.constant 0 : i32
        %swap3A_1671 = arith.constant 0 : i32
        %swap3A_1672 = tpu.memref_slice %arg9[%rem3A_482, %swap3A_1670, %swap3A_1671] : memref<2x320x64xf32, #tpu.memory_space<vmem>> -> memref<1x320x64xf32, #tpu.memory_space<vmem>>
        %swap3A_1673 = tpu.memref_squeeze %swap3A_1672 : memref<1x320x64xf32, #tpu.memory_space<vmem>> -> memref<320x64xf32, #tpu.memory_space<vmem>>
        %swap3A_1674 = arith.index_cast %add3A_1552 : i32 to index
        %swap3A_1675 = arith.constant 16 : index
        %swap3A_1676 = tpu.vector_load %swap3A_1673[%swap3A_1674, %swap3A_1675] {strides = array<i32>} : memref<320x64xf32, #tpu.memory_space<vmem>>, vector<16xf32>,
        tpu.vector_store %swap3A_1673[%swap3A_1674, %swap3A_1675], %add3A_1669 {strides = array<i32>} : memref<320x64xf32, #tpu.memory_space<vmem>>, vector<16xf32>,
        %mul3A_1677 = arith.mulf %get3A_1573, %mul3A_1650 : vector<16xf32>
        %add3A_1678 = arith.addf %mul3A_1677, %mul3A_1654 : vector<16xf32>
        %mul3A_1679 = arith.mulf %add3A_1678, %get3A_9 : vector<16xf32>
        %add3A_1680 = arith.addf %mul3A_1679, %get3A_17 : vector<16xf32>
        %swap3A_1681 = arith.constant 0 : i32
        %swap3A_1682 = arith.constant 0 : i32
        %swap3A_1683 = tpu.memref_slice %arg9[%rem3A_482, %swap3A_1681, %swap3A_1682] : memref<2x320x64xf32, #tpu.memory_space<vmem>> -> memref<1x320x64xf32, #tpu.memory_space<vmem>>
        %swap3A_1684 = tpu.memref_squeeze %swap3A_1683 : memref<1x320x64xf32, #tpu.memory_space<vmem>> -> memref<320x64xf32, #tpu.memory_space<vmem>>
        %swap3A_1685 = arith.index_cast %add3A_1552 : i32 to index
        %swap3A_1686 = arith.constant 32 : index
        %swap3A_1687 = tpu.vector_load %swap3A_1684[%swap3A_1685, %swap3A_1686] {strides = array<i32>} : memref<320x64xf32, #tpu.memory_space<vmem>>, vector<16xf32>,
        tpu.vector_store %swap3A_1684[%swap3A_1685, %swap3A_1686], %add3A_1680 {strides = array<i32>} : memref<320x64xf32, #tpu.memory_space<vmem>>, vector<16xf32>,
        %mul3A_1688 = arith.mulf %get3A_1580, %mul3A_1650 : vector<16xf32>
        %add3A_1689 = arith.addf %mul3A_1688, %mul3A_1654 : vector<16xf32>
        %mul3A_1690 = arith.mulf %add3A_1689, %get3A_11 : vector<16xf32>
        %add3A_1691 = arith.addf %mul3A_1690, %get3A_19 : vector<16xf32>
        %swap3A_1692 = arith.constant 0 : i32
        %swap3A_1693 = arith.constant 0 : i32
        %swap3A_1694 = tpu.memref_slice %arg9[%rem3A_482, %swap3A_1692, %swap3A_1693] : memref<2x320x64xf32, #tpu.memory_space<vmem>> -> memref<1x320x64xf32, #tpu.memory_space<vmem>>
        %swap3A_1695 = tpu.memref_squeeze %swap3A_1694 : memref<1x320x64xf32, #tpu.memory_space<vmem>> -> memref<320x64xf32, #tpu.memory_space<vmem>>
        %swap3A_1696 = arith.index_cast %add3A_1552 : i32 to index
        %swap3A_1697 = arith.constant 48 : index
        %swap3A_1698 = tpu.vector_load %swap3A_1695[%swap3A_1696, %swap3A_1697] {strides = array<i32>} : memref<320x64xf32, #tpu.memory_space<vmem>>, vector<16xf32>,
        tpu.vector_store %swap3A_1695[%swap3A_1696, %swap3A_1697], %add3A_1691 {strides = array<i32>} : memref<320x64xf32, #tpu.memory_space<vmem>>, vector<16xf32>,
      }
      %scan3A_488 = arith.constant 40 : i32
      %rem3A_489 = arith.constant 2 : i32
      %rem3A_490 = arith.remsi %scan3A_287, %rem3A_489 : i32
      %mul3A_491 = arith.constant 320 : i32
      %mul3A_492 = arith.muli %scan3A_287, %mul3A_491 : i32
      %add3A_493 = arith.addi %mul3A_4, %mul3A_492 : i32
      %dma_start3A_494 = arith.constant 0 : i32
      %dma_start3A_495 = arith.constant 0 : i32
      %dma_start3A_496 = tpu.memref_slice %arg9[%rem3A_490, %dma_start3A_494, %dma_start3A_495] : memref<2x320x64xf32, #tpu.memory_space<vmem>> -> memref<1x320x64xf32, #tpu.memory_space<vmem>>
      %dma_start3A_497 = tpu.memref_squeeze %dma_start3A_496 : memref<1x320x64xf32, #tpu.memory_space<vmem>> -> memref<320x64xf32, #tpu.memory_space<vmem>>
      %dma_start3A_498 = arith.constant 0 : i32
      %dma_start3A_499 = tpu.memref_slice %arg6[%add3A_493, %dma_start3A_498] : memref<327680x64xf32, #tpu.memory_space<hbm>> -> memref<320x64xf32, #tpu.memory_space<hbm>>
      %dma_start3A_500 = arith.constant 0 : i32
      %dma_start3A_501 = tpu.memref_slice %arg6[%add3A_493, %dma_start3A_500] : memref<327680x64xf32, #tpu.memory_space<hbm>> -> memref<320x64xf32, #tpu.memory_space<hbm>>
      %dma_start3A_502 = arith.constant 0 : i32
      %dma_start3A_503 = arith.constant 0 : i32
      %dma_start3A_504 = tpu.memref_slice %arg9[%rem3A_490, %dma_start3A_502, %dma_start3A_503] : memref<2x320x64xf32, #tpu.memory_space<vmem>> -> memref<1x320x64xf32, #tpu.memory_space<vmem>>
      %dma_start3A_505 = tpu.memref_squeeze %dma_start3A_504 : memref<1x320x64xf32, #tpu.memory_space<vmem>> -> memref<320x64xf32, #tpu.memory_space<vmem>>
      tpu.enqueue_dma source(%dma_start3A_505 : memref<320x64xf32, #tpu.memory_space<vmem>>) target(%dma_start3A_501 : memref<320x64xf32, #tpu.memory_space<hbm>>) target_semaphore(%arg14 : memref<!tpu.dma_semaphore, #tpu.memory_space<semaphore_mem>>)
    }
    %scan3A_252 = arith.constant 32 : i32
    %rem3A_253 = arith.constant 30 : i32
    %rem3A_254 = arith.constant 2 : i32
    %rem3A_255 = arith.remsi %rem3A_253, %rem3A_254 : i32
    %add3A_256 = arith.constant 9600 : i32
    %add3A_257 = arith.addi %mul3A_4, %add3A_256 : i32
    %dma_wait3A_258 = arith.constant 0 : i32
    %dma_wait3A_259 = arith.constant 0 : i32
    %dma_wait3A_260 = tpu.memref_slice %arg9[%rem3A_255, %dma_wait3A_258, %dma_wait3A_259] : memref<2x320x64xf32, #tpu.memory_space<vmem>> -> memref<1x320x64xf32, #tpu.memory_space<vmem>>
    %dma_wait3A_261 = tpu.memref_squeeze %dma_wait3A_260 : memref<1x320x64xf32, #tpu.memory_space<vmem>> -> memref<320x64xf32, #tpu.memory_space<vmem>>
    %dma_wait3A_262 = arith.constant 0 : i32
    %dma_wait3A_263 = tpu.memref_slice %arg6[%add3A_257, %dma_wait3A_262] : memref<327680x64xf32, #tpu.memory_space<hbm>> -> memref<320x64xf32, #tpu.memory_space<hbm>>
    %dma_wait3A_264 = arith.constant 0 : i32
    %dma_wait3A_265 = tpu.memref_slice %arg6[%add3A_257, %dma_wait3A_264] : memref<327680x64xf32, #tpu.memory_space<hbm>> -> memref<320x64xf32, #tpu.memory_space<hbm>>
    %dma_wait3A_266 = arith.constant 0 : i32
    %dma_wait3A_267 = arith.constant 0 : i32
    %dma_wait3A_268 = tpu.memref_slice %arg9[%rem3A_255, %dma_wait3A_266, %dma_wait3A_267] : memref<2x320x64xf32, #tpu.memory_space<vmem>> -> memref<1x320x64xf32, #tpu.memory_space<vmem>>
    %dma_wait3A_269 = tpu.memref_squeeze %dma_wait3A_268 : memref<1x320x64xf32, #tpu.memory_space<vmem>> -> memref<320x64xf32, #tpu.memory_space<vmem>>
    tpu.wait_dma2 semaphore(%arg14 : memref<!tpu.dma_semaphore, #tpu.memory_space<semaphore_mem>>) src(%dma_wait3A_269 : memref<320x64xf32, #tpu.memory_space<vmem>>) dst(%dma_wait3A_265 : memref<320x64xf32, #tpu.memory_space<hbm>>)
    %rem3A_270 = arith.constant 31 : i32
    %rem3A_271 = arith.constant 2 : i32
    %rem3A_272 = arith.remsi %rem3A_270, %rem3A_271 : i32
    %add3A_273 = arith.constant 9920 : i32
    %add3A_274 = arith.addi %mul3A_4, %add3A_273 : i32
    %dma_wait3A_275 = arith.constant 0 : i32
    %dma_wait3A_276 = arith.constant 0 : i32
    %dma_wait3A_277 = tpu.memref_slice %arg9[%rem3A_272, %dma_wait3A_275, %dma_wait3A_276] : memref<2x320x64xf32, #tpu.memory_space<vmem>> -> memref<1x320x64xf32, #tpu.memory_space<vmem>>
    %dma_wait3A_278 = tpu.memref_squeeze %dma_wait3A_277 : memref<1x320x64xf32, #tpu.memory_space<vmem>> -> memref<320x64xf32, #tpu.memory_space<vmem>>
    %dma_wait3A_279 = arith.constant 0 : i32
    %dma_wait3A_280 = tpu.memref_slice %arg6[%add3A_274, %dma_wait3A_279] : memref<327680x64xf32, #tpu.memory_space<hbm>> -> memref<320x64xf32, #tpu.memory_space<hbm>>
    %dma_wait3A_281 = arith.constant 0 : i32
    %dma_wait3A_282 = tpu.memref_slice %arg6[%add3A_274, %dma_wait3A_281] : memref<327680x64xf32, #tpu.memory_space<hbm>> -> memref<320x64xf32, #tpu.memory_space<hbm>>
    %dma_wait3A_283 = arith.constant 0 : i32
    %dma_wait3A_284 = arith.constant 0 : i32
    %dma_wait3A_285 = tpu.memref_slice %arg9[%rem3A_272, %dma_wait3A_283, %dma_wait3A_284] : memref<2x320x64xf32, #tpu.memory_space<vmem>> -> memref<1x320x64xf32, #tpu.memory_space<vmem>>
    %dma_wait3A_286 = tpu.memref_squeeze %dma_wait3A_285 : memref<1x320x64xf32, #tpu.memory_space<vmem>> -> memref<320x64xf32, #tpu.memory_space<vmem>>
    tpu.wait_dma2 semaphore(%arg14 : memref<!tpu.dma_semaphore, #tpu.memory_space<semaphore_mem>>) src(%dma_wait3A_286 : memref<320x64xf32, #tpu.memory_space<vmem>>) dst(%dma_wait3A_282 : memref<320x64xf32, #tpu.memory_space<hbm>>)
    return
  }
}

</mosaic_0001>

<sc_bundles>
// kernel: kernel.3.cloned.1.call-start
scs
__scs_entry_jumppad:
0x0: {  	(pc) =	sbr.rel $0x88, $3  }
0x1: {  	(tag) =	ssettag $0x0;
	lr =	simm.s32 $0x1  }
0x2: {  	[smem:$0x3F9D] =	sst lr;
	_ =	strace $0xD0000000  }
0x3: {  	_ = 	snop  }
0x4: {  	_ = 	snop  }
0x5: {  	_ = 	snop  }
0x6: {  	_ = 	snop  }
0x7: {  	_ = 	snop  }
__scs_overlays_trampoline_lowered:
0x8: {  	[smem:$0x3FAC] =	sst s0  }
0x9: {  	[smem:$0x3FAD] =	sst s1  }
0xa: {  	[smem:$0x3FAE] =	sst s2  }
0xb: {  	[smem:$0x3FAF] =	sst s3  }
0xc: {  	[smem:$0x3FB0] =	sst s4  }
0xd: {  	[smem:$0x3FB1] =	sst s5  }
0xe: {  	[smem:$0x3FB2] =	sst s6  }
0xf: {  	[smem:$0x3FB3] =	sst s7  }
0x10: {  	[smem:$0x3FB4] =	sst s8  }
0x11: {  	[smem:$0x3FB5] =	sst s9;
	s0 =	simm.s32 @!p0 $0x0  }
0x12: {  	s1 =	sld [smem:$0x3F9B];
	s0 =	simm.s32 @p0 $0x1  }
0x13: {  	[smem:$0x3FB6] =	sst s0;
	s0 =	simm.s32 @!p1 $0x0  }
0x14: {  	s2 =	sld [smem:$0x3F9A];
	s0 =	simm.s32 @p1 $0x1  }
0x15: {  	[smem:$0x3FB7] =	sst s0;
	s0 =	simm.s32 @!p2 $0x0  }
0x16: {  	s3 =	sld [smem:$0x3FDB];
	s0 =	simm.s32 @p2 $0x1  }
0x17: {  	s4 =	simm.s32 $0x1BF5;
	[smem:$0x3FB9] =	sst s0  }
0x18: {  	s0 =	sld [smem:$0x3F9C];
	_ =	swait.ge [sflag:s4], $0x0  }
0x19: {  	s7 =	sld [smem:$0x3F9D]  }
0x1a: {  	s8 =	sadd.s32 $0xFFFFE003, lr  }
0x1b: {  	s9 =	sadd.s32 $0xFFFFFEF7, lr;
	s5 =	simm.s32 $0xFFFFFFFF;
	p2 =	slt.u32 s8, $0xFFFFF086  }
0x1c: {  	p1 =	slt.u32 s9, $0xF7A;
	s5 =	simm.s32 @!p2 $0x0  }
0x1d: {  	s5 =	simm.s32 @p1 $0x1;
	p0 =	seq.s32 s7, s2  }
0x1e: {  	s7 =	smul.u32 @!p0 $0xF7A, s2;
	p2 =	seq.s32 @!p0 s5, $0x0  }
0x1f: {  	s9 =	smul.u32 $0xF7A, s1;
	s8 =	simm.s32 @!p0 $0x1BF5;
	p2 =	por !p2, p0  }
0x20: {  	[sflag:s8] =	ssyncset.s32 @!p0 $0xFFFFF086;
	s6 =	sadd.s32 @!p0 s3, s7;
	s7 =	simm.s32 @!p0 $0x108  }
0x21: {  	s3 =	sadd.s32 s3, s9;
	s6 =	sadd.s32 @!p0 $0x88, s6;
	s7 =	simm.s32 @p2 $0x1082  }
0x22: {  	[simem:s7], [sflag:s8] =	dma.local @!p0 [hbm:s6], $0xF7A  }
0x23: {  	s9 =	sor.u32 $0xD0000000, s2;
	s6 =	simm.s32 $0x108;
	_ =	swait.ge @!p0 [sflag:s8], $0x0  }
0x24: {  	s3 =	sadd.s32 $0x88, s3;
	s6 =	simm.s32 @!p1 $0x1082;
	[sflag:s4] =	ssyncset.s32 $0xFFFFF086  }
0x25: {  	[simem:s6], [sflag:s4] =	dma.local [hbm:s3], $0xF7A  }
0x26: {  	[smem:$0x3F9D] =	sst s1;
	(tag) =	ssettag s2;
	_ =	strace s9  }
0x27: {  	s1 =	sld [smem:$0x3FAD]  }
0x28: {  	s2 =	sld [smem:$0x3FAE]  }
0x29: {  	s4 =	sld [smem:$0x3FB0]  }
0x2a: {  	p0 =	seq.s32 s5, $0x0;
	s5 =	sld [smem:$0x3FB1]  }
0x2b: {  	s6 =	sld [smem:$0x3FB2]  }
0x2c: {  	s7 =	sld [smem:$0x3FB3]  }
0x2d: {  	s3 =	simm.s32 $0x108;
	s8 =	sld [smem:$0x3FB4]  }
0x2e: {  	s3 =	simm.s32 @!p0 $0x1082;
	s9 =	sld [smem:$0x3FB5]  }
0x2f: {  	lr =	sadd.s32 s0, s3;
	s0 =	sld [smem:$0x3FAC]  }
0x30: {  	s3 =	sld [smem:$0x3FAF]  }
0x31: {  	[smem:$0x3FB8] =	sst s10  }
0x32: {  	s10 =	sld [smem:$0x3FB6];
	_ =	sdelay $0x3  }
0x33: {  	p0 =	seq.s32 s10, $0x1;
	s10 =	sld [smem:$0x3FB8];
	_ =	sdelay $0x3  }
0x34: {  	[smem:$0x3FB8] =	sst s10  }
0x35: {  	s10 =	sld [smem:$0x3FB7];
	_ =	sdelay $0x3  }
0x36: {  	p1 =	seq.s32 s10, $0x1;
	s10 =	sld [smem:$0x3FB8];
	_ =	sdelay $0x3  }
0x37: {  	[smem:$0x3FB8] =	sst s10  }
0x38: {  	s10 =	sld [smem:$0x3FB9]  }
0x39: {  	_ = 	snop;
	(pc) =	sbr.ind lr, $3  }
0x3a: {  	_ = 	snop  }
0x3b: {  	_ = 	snop  }
0x3c: {  	p2 =	seq.s32 s10, $0x1;
	s10 =	sld [smem:$0x3FB8]  }
0x3d: {  	_ =	shalt  }
0x3e: {  	_ =	shalt  }
0x3f: {  	_ =	shalt  }
0x40: {  	_ =	shalt  }
0x41: {  	_ =	shalt  }
0x42: {  	_ =	shalt  }
0x43: {  	_ =	shalt  }
0x44: {  	_ =	shalt  }
0x45: {  	_ =	shalt  }
0x46: {  	_ =	shalt  }
0x47: {  	_ =	shalt  }
0x48: {  	_ =	shalt  }
0x49: {  	_ =	shalt  }
0x4a: {  	_ =	shalt  }
0x4b: {  	_ =	shalt  }
0x4c: {  	_ =	shalt  }
0x4d: {  	_ =	shalt  }
0x4e: {  	_ =	shalt  }
0x4f: {  	_ =	shalt  }
0x50: {  	_ =	shalt  }
0x51: {  	_ =	shalt  }
0x52: {  	_ =	shalt  }
0x53: {  	_ =	shalt  }
0x54: {  	_ =	shalt  }
0x55: {  	_ =	shalt  }
0x56: {  	_ =	shalt  }
0x57: {  	_ =	shalt  }
0x58: {  	_ =	shalt  }
0x59: {  	_ =	shalt  }
0x5a: {  	_ =	shalt  }
0x5b: {  	_ =	shalt  }
0x5c: {  	_ =	shalt  }
0x5d: {  	_ =	shalt  }
0x5e: {  	_ =	shalt  }
0x5f: {  	_ =	shalt  }
0x60: {  	_ =	shalt  }
0x61: {  	_ =	shalt  }
0x62: {  	_ =	shalt  }
0x63: {  	_ =	shalt  }
0x64: {  	_ =	shalt  }
0x65: {  	_ =	shalt  }
0x66: {  	_ =	shalt  }
0x67: {  	_ =	shalt  }
0x68: {  	_ =	shalt  }
0x69: {  	_ =	shalt  }
0x6a: {  	_ =	shalt  }
0x6b: {  	_ =	shalt  }
0x6c: {  	_ =	shalt  }
0x6d: {  	_ =	shalt  }
0x6e: {  	_ =	shalt  }
0x6f: {  	_ =	shalt  }
0x70: {  	_ =	shalt  }
0x71: {  	_ =	shalt  }
0x72: {  	_ =	shalt  }
0x73: {  	_ =	shalt  }
0x74: {  	_ =	shalt  }
0x75: {  	_ =	shalt  }
0x76: {  	_ =	shalt  }
0x77: {  	_ =	shalt  }
0x78: {  	_ =	shalt  }
0x79: {  	_ =	shalt  }
0x7a: {  	_ =	shalt  }
0x7b: {  	_ =	shalt  }
0x7c: {  	_ =	shalt  }
0x7d: {  	_ =	shalt  }
0x7e: {  	_ =	shalt  }
0x7f: {  	_ =	shalt  }
0x80: {  	_ =	shalt  }
0x81: {  	_ =	shalt  }
0x82: {  	_ =	shalt  }
0x83: {  	_ =	shalt  }
0x84: {  	_ =	shalt  }
0x85: {  	_ =	shalt  }
0x86: {  	_ =	shalt  }
0x87: {  	_ =	shalt  }
.Lfunc_end0:
.L_simem_size_0:
called_computation.1_lowered:
.L_overlay_start_0:
0x88: {  	s2 =	sld [smem:$0x3FD9]  }
0x89: {  	s3 =	sld [smem:$0x3FFE];
	_ =	sdelay $0x1  }
0x8a: {  	s1 =	srdreg.scid  }
0x8b: {  	s0 =	sand.u32 $0x1, s1  }
0x8c: {  	s17 =	sshll.u32 s0, $0xA;
	s2 =	sadd.s32 s3, s2  }
0x8d: {  	s2 =	sadd.s32 s2, s17  }
0x8e: {  	[smem:$0x3FC4] =	sst s2  }
0x8f: {  	_ = 	snop  }
0x90: {  	s2 =	sld [smem:$0x3FC7]  }
0x91: {  	s18 =	sld [smem:$0x3FC6]  }
0x92: {  	s4 =	sld [smem:$0x3FD0];
	(tm) =	ssettm $0x1  }
0x93: {  	s5 =	sld [smem:$0x3FFB];
	_ =	sdelay $0x3  }
0x94: {  	_ =	strace s5  }
0x95: {  	s5 =	sld [smem:$0x3FFC];
	_ =	sdelay $0x3  }
0x96: {  	_ =	strace s5  }
0x97: {  	s5 =	sld [smem:$0x3FFD];
	_ =	sdelay $0x3  }
0x98: {  	_ =	strace s5  }
0x99: {  	_ =	strace $0x8FFFFFFF  }
0x9a: {  	s19 =	sld [smem:$0x3FDB];
	_ =	sdelay $0x1  }
0x9b: {  	s6 =	simm.s32 $_scs_section_size  }
0x9c: {  	s7 =	simm.s32 $_size__tile_overlayer_lowered;
	s8 =	simm.s32 $_tile_overlayer_lowered  }
0x9d: {  	s22 =	simm.s32 $0x1BFF;
	s21 =	sshll.u32 s8, $0x1;
	s5 =	sadd.s32 s6, s19  }
0x9e: {  	s9 =	simm.s32 $0x0;
	s20 =	sshll.u32 s7, $0x1;
	s7 =	sadd.s32 s21, s5  }
0x9f: {  	[timem:s9], [sflag:s22] =	dma.local [hbm:s7], s20  }
0xa0: {  	_ =	swait.ge [sflag:s22], s20  }
0xa1: {  	s6 =	ssub.s32 $0x0, s20;
	[sflag:s22] =	ssyncset.done $0x0  }
0xa2: {  	[sflag:s22] =	ssyncadd.s32 s6;
	_ =	sdelay $0x1  }
0xa3: {  	s23 =	simm.s32 $0x1B8B  }
0xa4: {  	_ =	swait.ge [sflag:s23], $0x1  }
0xa5: {  	[sflag:s23] =	ssyncset.done $0x0  }
0xa6: {  	s25 =	simm.s32 $0x1B8E;
	s24 =	sld [smem:$0x3FFE];
	[sflag:s23] =	ssyncadd.s32 $0xFFFFFFFF  }
0xa7: {  	s26 =	simm.s32 $execute0_lowered;
	[smem:$0x3FD2] =	sst s25  }
0xa8: {  	s7 =	sshll.u32 s26, $0x1;
	_ =	strace $0x80000046;
	[dreg:$0x1] =	wrdreg $0xFFFFFFFF  }
0xa9: {  	s28 =	simm.s32 $_size_execute0_lowered;
	s5 =	sadd.s32 s5, s7;
	[dreg:$0x0] =	wrdreg $0x0  }
0xaa: {  	s7 =	sshll.u32 s28, $0x1;
	[dreg:$0x2] =	wrdreg s5  }
0xab: {  	[dreg:$0x3] =	wrdreg s7  }
0xac: {  	[dreg:$0x4] =	wrdreg $0xC0  }
0xad: {  	_ =	task [dreg:s9], $0x5FFFF  }
0xae: {  	[dreg:$0x1] =	wrdreg $0xFFFFFFFF  }
0xaf: {  	[dreg:$0x0] =	wrdreg $0x60  }
0xb0: {  	[dreg:$0x2] =	wrdreg s24  }
0xb1: {  	[dreg:$0x3] =	wrdreg s2  }
0xb2: {  	[dreg:$0x4] =	wrdreg s18  }
0xb3: {  	[dreg:$0x5] =	wrdreg s4  }
0xb4: {  	[dreg:$0x6] =	wrdreg $0x9  }
0xb5: {  	_ =	task.clear_ibuf [dreg:s9], $0x7FFFF;
	_ =	strace $0x90000046  }
0xb6: {  	s29 =	simm.s32 $0x9;
	_ =	strace $0x80000048  }
0xb7: {  	_ =	swait.ge [sflag:s29], $0x1  }
0xb8: {  	[sflag:s29] =	ssyncadd.s32 $0xFFFFFFFF  }
0xb9: {  	_ =	strace $0x90000048  }
0xba: {  	_ =	sfence  }
0xbb: {  	s30 =	sld [smem:$0x0];
	_ =	sdelay $0x2  }
0xbc: {  	s31 =	sshll.u32 s1, $0xD;
	s1 =	sshrl.u32 s1, $0x2  }
0xbd: {  	s3 =	sand.u32 $0x4000, s31;
	s1 =	sadd.s32 s1, s30  }
0xbe: {  	s0 =	sor.u32 s3, s0;
	s1 =	sshll.u32 s1, $0x11  }
0xbf: {  	s0 =	sor.u32 s1, s0  }
0xc0: {  	s0 =	sadd.s32 $0x8F2B, s0  }
0xc1: {  	[sflag:s0] =	ssyncadd.remote.s32 $0x1  }
0xc2: {  	_ =	sfence.sel $0xFFFF  }
0xc3: {  	[dreg:$0x0] =	wrdreg $0xFFFFFFFF;
	(pc) =	sbr.abs _section_cstart, $3  }
0xc4: {  	[dreg:$0x1] =	wrdreg $0xFFFFFFFF  }
0xc5: {  	_ =	task.clear_ibuf [dreg:s9], $0x2FFFF;
	_ =	strace $0x9FFFFFFF  }
0xc6: {  	(tm) =	ssettm $0x7FFFFFFF  }
0xc7: {  	_ =	shalt  }
tec
execute0_lowered:
.L_overlay_start_1:
0x0: {  	(tag) =	ssettag $0x1  }
0x1: {  	s0 =	rddreg [dreg:$0x0];
	s1 =	srdreg.scid  }
0x2: {  	s2 =	stileid.u32;
	s4 =	rddreg [dreg:$0x3]  }
0x3: {  	s5 =	simm.s32 $0x0;
	s14 =	simm.s32 $0x4;
	s16 =	simm.s32 $0x1  }
0x4: {  	s17 =	simm.s32 $0x14;
	s22 =	simm.s32 $0x120;
	s23 =	simm.s32 $0x7B00  }
0x5: {  	s24 =	simm.s32 $0x138;
	s28 =	simm.s32 $0x8F00;
	s29 =	simm.s32 $0x168  }
0x6: {  	s30 =	simm.s32 $0x9900;
	s31 =	simm.s32 $0x180;
	s1 =	sand.u32 $0x1, s1  }
0x7: {  	s2 =	sshll.u32 s2, $0x1;
	[smem:$0x7FF] =	sst s5;
	s6 =	sadd.s32 $0xF42E00, s0  }
0x8: {  	s7 =	sadd.s32 $0xF4EE00, s0;
	s0 =	simm.s32 $0x3;
	s2 =	sor.u32 s1, s2  }
0x9: {  	s1 =	ssub.s32 $0x2, s1;
	_ =	strace $0x80000047;
	s3 =	smul.u32 $0x600, s2  }
0xa: {  	s8 =	sshrl.u32 s1, $0x1;
	s26 =	sshll.u32 s2, $0x9;
	s9 =	smul.u32 $0x2800, s2  }
0xb: {  	s2 =	simm.s32 $0x2;
	s25 =	ssub.s32 s1, s8;
	s11 =	sor.u32 $0x20, s26  }
0xc: {  	s26 =	simm.s32 $0x150;
	s1 =	simm.s32 $0x0;
	s8 =	sadd.s32 s6, s3  }
0xd: {  	v0 =	vimm.s32 $0xF;
	s12 =	smax.u32 s25, $0x1;
	s25 =	simm.s32 $0x8500;
	s10 =	sadd.s32 $0x30, s8  }
.LBB2_1:
0xe: {  	s3 =	rddreg [dreg:$0x1];
	s13 =	simm.s32 $0x1E300  }
0xf: {  	[tilespmem:s13], [sflag:$0x4] =	stream.linear.gather [hbm4b:s3+s5], $0x40, $0x38;
	[tilespmem:$0x1E380] =	vst v63  }
0x10: {  	_ =	swait.ge [sflag:s14], $0x40  }
0x11: {  	[sflag:s14] =	ssyncset.done $0x0  }
0x12: {  	[sflag:s14] =	ssyncadd.s32 $0xFFFFFFC0  }
0x13: {  	s21 =	simm.s32 $0x1E340;
	s20 =	rddreg [dreg:$0x2]  }
0x14: {  	[tilespmem:s21], [sflag:$0x4] =	stream.linear.gather [hbm4b:s20+s5], $0x40, $0x38;
	[tilespmem:$0x1E380] =	vst v63  }
0x15: {  	_ =	swait.ge [sflag:s14], $0x40  }
0x16: {  	[sflag:s14] =	ssyncset.done $0x0  }
0x17: {  	[sflag:s14] =	ssyncadd.s32 $0xFFFFFFC0  }
0x18: {  	v1 =	vld [tilespmem:$0x1E300]  }
0x19: {  	v2 =	vld [tilespmem:$0x1E310]  }
0x1a: {  	v3 =	vld [tilespmem:$0x1E320]  }
0x1b: {  	v4 =	vld [tilespmem:$0x1E330]  }
0x1c: {  	v5 =	vld [tilespmem:$0x1E340]  }
0x1d: {  	v6 =	vld [tilespmem:$0x1E350]  }
0x1e: {  	v7 =	vld [tilespmem:$0x1E360]  }
0x1f: {  	v8 =	vld [tilespmem:$0x1E370];
	[tilespmem:s5], [sflag:$0x1] =	stream.linear.gather [hbm4b:s8+s5], $0x180, $0x38  }
0x20: {  	_ =	swait.ge [sflag:s16], $0x180  }
0x21: {  	[sflag:s16] =	ssyncset.done $0x0  }
0x22: {  	s15 =	simm.s32 $0x300;
	[sflag:s16] =	ssyncadd.s32 $0xFFFFFE80  }
0x23: {  	[tilespmem:s15], [sflag:$0x2] =	stream.indirect.gather [hbm4b:s7+s17], $0x80, s5, s17, $0xb8;
	[tilespmem:$0x1E380] =	vst v63  }
0x24: {  	s18 =	simm.s32 $0x18;
	s19 =	simm.s32 $0xD00  }
0x25: {  	[tilespmem:s19], [sflag:$0x2] =	stream.indirect.gather [hbm4b:s7+s17], $0x80, s18, s17, $0xb8;
	[tilespmem:$0x1E380] =	vst v63  }
0x26: {  	s20 =	simm.s32 $0x30;
	s21 =	simm.s32 $0x1700  }
0x27: {  	[tilespmem:s21], [sflag:$0x2] =	stream.indirect.gather [hbm4b:s7+s17], $0x80, s20, s17, $0xb8;
	[tilespmem:$0x1E380] =	vst v63  }
0x28: {  	s13 =	simm.s32 $0x48;
	s15 =	simm.s32 $0x2100  }
0x29: {  	[tilespmem:s15], [sflag:$0x2] =	stream.indirect.gather [hbm4b:s7+s17], $0x80, s13, s17, $0xb8;
	[tilespmem:$0x1E380] =	vst v63  }
0x2a: {  	s18 =	simm.s32 $0x60;
	s19 =	simm.s32 $0x2B00  }
0x2b: {  	[tilespmem:s19], [sflag:$0x2] =	stream.indirect.gather [hbm4b:s7+s17], $0x80, s18, s17, $0xb8;
	[tilespmem:$0x1E380] =	vst v63  }
0x2c: {  	s20 =	simm.s32 $0x78;
	s21 =	simm.s32 $0x3500  }
0x2d: {  	[tilespmem:s21], [sflag:$0x2] =	stream.indirect.gather [hbm4b:s7+s17], $0x80, s20, s17, $0xb8;
	[tilespmem:$0x1E380] =	vst v63  }
0x2e: {  	s13 =	simm.s32 $0x90;
	s15 =	simm.s32 $0x3F00  }
0x2f: {  	[tilespmem:s15], [sflag:$0x2] =	stream.indirect.gather [hbm4b:s7+s17], $0x80, s13, s17, $0xb8;
	[tilespmem:$0x1E380] =	vst v63  }
0x30: {  	s18 =	simm.s32 $0xA8;
	s19 =	simm.s32 $0x4900  }
0x31: {  	[tilespmem:s19], [sflag:$0x2] =	stream.indirect.gather [hbm4b:s7+s17], $0x80, s18, s17, $0xb8;
	[tilespmem:$0x1E380] =	vst v63  }
0x32: {  	s20 =	simm.s32 $0xC0;
	s21 =	simm.s32 $0x5300  }
0x33: {  	[tilespmem:s21], [sflag:$0x2] =	stream.indirect.gather [hbm4b:s7+s17], $0x80, s20, s17, $0xb8;
	[tilespmem:$0x1E380] =	vst v63  }
0x34: {  	s13 =	simm.s32 $0xD8;
	s15 =	simm.s32 $0x5D00  }
0x35: {  	[tilespmem:s15], [sflag:$0x2] =	stream.indirect.gather [hbm4b:s7+s17], $0x80, s13, s17, $0xb8;
	[tilespmem:$0x1E380] =	vst v63  }
0x36: {  	s18 =	simm.s32 $0xF0;
	s19 =	simm.s32 $0x6700  }
0x37: {  	[tilespmem:s19], [sflag:$0x2] =	stream.indirect.gather [hbm4b:s7+s17], $0x80, s18, s17, $0xb8;
	[tilespmem:$0x1E380] =	vst v63  }
0x38: {  	s20 =	simm.s32 $0x108;
	s21 =	simm.s32 $0x7100  }
0x39: {  	[tilespmem:s21], [sflag:$0x2] =	stream.indirect.gather [hbm4b:s7+s17], $0x80, s20, s17, $0xb8;
	[tilespmem:$0x1E380] =	vst v63  }
0x3a: {  	_ = 	snop  }
0x3b: {  	[tilespmem:s23], [sflag:$0x2] =	stream.indirect.gather [hbm4b:s7+s17], $0x80, s22, s17, $0xb8;
	[tilespmem:$0x1E380] =	vst v63  }
0x3c: {  	_ = 	snop  }
0x3d: {  	[tilespmem:s25], [sflag:$0x2] =	stream.indirect.gather [hbm4b:s7+s17], $0x80, s24, s17, $0xb8;
	[tilespmem:$0x1E380] =	vst v63  }
0x3e: {  	_ = 	snop  }
0x3f: {  	[tilespmem:s28], [sflag:$0x2] =	stream.indirect.gather [hbm4b:s7+s17], $0x80, s26, s17, $0xb8;
	[tilespmem:$0x1E380] =	vst v63  }
0x40: {  	_ = 	snop  }
0x41: {  	[tilespmem:s30], [sflag:$0x2] =	stream.indirect.gather [hbm4b:s7+s17], $0x80, s29, s17, $0xb8;
	[tilespmem:$0x1E380] =	vst v63  }
0x42: {  	p0 =	por $0x0, $0x0;
	s3 =	simm.s32 $0x0  }
0x43: {  	[tilespmem:s31], [sflag:$0x1] =	stream.linear.gather [hbm4b:s10+s5], $0x180, $0x38;
	[tilespmem:$0x1E380] =	vst v63  }
.LBB2_2:
0x44: {  	p1 =	seq.s32 s3, $0x1F  }
.Ltmp0:
0x45: {  	_ = 	snop;
	(pc) =	sbr.rel @p1 .LBB2_4-.Ltmp0, $2  }
0x46: {  	_ =	sdelay $0x2  }
0x47: {  	s13 =	sadd.s32 $0x1, s3  }
0x48: {  	s15 =	sand.u32 $0x1, s13  }
0x49: {  	s18 =	smul.u32 $0x28000, s15  }
0x4a: {  	_ =	swait.ge [sflag:s16], $0x180;
	s15 =	smul.u32 $0x600, s15  }
0x4b: {  	[sflag:s16] =	ssyncset.done $0x0;
	s18 =	sshrl.u32 s18, $0x2  }
0x4c: {  	[sflag:s16] =	ssyncadd.s32 $0xFFFFFE80;
	s15 =	sshrl.u32 s15, $0x2;
	s19 =	sor.u32 $0x300, s18  }
0x4d: {  	[tilespmem:s19], [sflag:$0x2] =	stream.indirect.gather [hbm4b:s7+s17], $0x80, s15, s17, $0xb8;
	[tilespmem:$0x1E380] =	vst v63  }
0x4e: {  	s21 =	sor.u32 $0xD00, s18;
	s20 =	sor.u32 $0x18, s15  }
0x4f: {  	[tilespmem:s21], [sflag:$0x2] =	stream.indirect.gather [hbm4b:s7+s17], $0x80, s20, s17, $0xb8;
	[tilespmem:$0x1E380] =	vst v63  }
0x50: {  	s20 =	sor.u32 $0x1700, s18;
	s21 =	sor.u32 $0x30, s15  }
0x51: {  	[tilespmem:s20], [sflag:$0x2] =	stream.indirect.gather [hbm4b:s7+s17], $0x80, s21, s17, $0xb8;
	[tilespmem:$0x1E380] =	vst v63  }
0x52: {  	s20 =	sadd.s32 $0x2100, s18;
	s21 =	sor.u32 $0x48, s15  }
0x53: {  	[tilespmem:s20], [sflag:$0x2] =	stream.indirect.gather [hbm4b:s7+s17], $0x80, s21, s17, $0xb8;
	[tilespmem:$0x1E380] =	vst v63  }
0x54: {  	s20 =	sadd.s32 $0x2B00, s18;
	s21 =	sor.u32 $0x60, s15  }
0x55: {  	[tilespmem:s20], [sflag:$0x2] =	stream.indirect.gather [hbm4b:s7+s17], $0x80, s21, s17, $0xb8;
	[tilespmem:$0x1E380] =	vst v63  }
0x56: {  	s20 =	sadd.s32 $0x3500, s18;
	s21 =	sor.u32 $0x78, s15  }
0x57: {  	[tilespmem:s20], [sflag:$0x2] =	stream.indirect.gather [hbm4b:s7+s17], $0x80, s21, s17, $0xb8;
	[tilespmem:$0x1E380] =	vst v63  }
0x58: {  	s20 =	sadd.s32 $0x3F00, s18;
	s21 =	sadd.s32 $0x90, s15  }
0x59: {  	[tilespmem:s20], [sflag:$0x2] =	stream.indirect.gather [hbm4b:s7+s17], $0x80, s21, s17, $0xb8;
	[tilespmem:$0x1E380] =	vst v63  }
0x5a: {  	s20 =	sadd.s32 $0x4900, s18;
	s21 =	sadd.s32 $0xA8, s15  }
0x5b: {  	[tilespmem:s20], [sflag:$0x2] =	stream.indirect.gather [hbm4b:s7+s17], $0x80, s21, s17, $0xb8;
	[tilespmem:$0x1E380] =	vst v63  }
0x5c: {  	s20 =	sadd.s32 $0x5300, s18;
	s21 =	sadd.s32 $0xC0, s15  }
0x5d: {  	[tilespmem:s20], [sflag:$0x2] =	stream.indirect.gather [hbm4b:s7+s17], $0x80, s21, s17, $0xb8;
	[tilespmem:$0x1E380] =	vst v63  }
0x5e: {  	s20 =	sadd.s32 $0x5D00, s18;
	s21 =	sadd.s32 $0xD8, s15  }
0x5f: {  	[tilespmem:s20], [sflag:$0x2] =	stream.indirect.gather [hbm4b:s7+s17], $0x80, s21, s17, $0xb8;
	[tilespmem:$0x1E380] =	vst v63  }
0x60: {  	s20 =	sadd.s32 $0x6700, s18;
	s21 =	sadd.s32 $0xF0, s15  }
0x61: {  	[tilespmem:s20], [sflag:$0x2] =	stream.indirect.gather [hbm4b:s7+s17], $0x80, s21, s17, $0xb8;
	[tilespmem:$0x1E380] =	vst v63  }
0x62: {  	s20 =	sadd.s32 $0x7100, s18;
	s21 =	sadd.s32 $0x108, s15  }
0x63: {  	[tilespmem:s20], [sflag:$0x2] =	stream.indirect.gather [hbm4b:s7+s17], $0x80, s21, s17, $0xb8;
	[tilespmem:$0x1E380] =	vst v63  }
0x64: {  	s20 =	sadd.s32 $0x7B00, s18;
	s21 =	sadd.s32 $0x120, s15  }
0x65: {  	[tilespmem:s20], [sflag:$0x2] =	stream.indirect.gather [hbm4b:s7+s17], $0x80, s21, s17, $0xb8;
	[tilespmem:$0x1E380] =	vst v63  }
0x66: {  	s20 =	sadd.s32 $0x8500, s18;
	s21 =	sadd.s32 $0x138, s15  }
0x67: {  	[tilespmem:s20], [sflag:$0x2] =	stream.indirect.gather [hbm4b:s7+s17], $0x80, s21, s17, $0xb8;
	[tilespmem:$0x1E380] =	vst v63  }
0x68: {  	s20 =	sadd.s32 $0x8F00, s18;
	s21 =	sadd.s32 $0x150, s15  }
0x69: {  	[tilespmem:s20], [sflag:$0x2] =	stream.indirect.gather [hbm4b:s7+s17], $0x80, s21, s17, $0xb8;
	[tilespmem:$0x1E380] =	vst v63  }
0x6a: {  	p1 =	sgt.u32 s3, $0x1D;
	s18 =	sadd.s32 $0x9900, s18;
	s15 =	sadd.s32 $0x168, s15  }
0x6b: {  	[tilespmem:s18], [sflag:$0x2] =	stream.indirect.gather [hbm4b:s7+s17], $0x80, s15, s17, $0xb8;
	[tilespmem:$0x1E380] =	vst v63  }
0x6c: {  	s15 =	sshll.u32 @!p1 s3, $0x4  }
0x6d: {  	s18 =	sand.u32 @!p1 $0x1, s3;
	s15 =	sadd.s32 @!p1 s15, s11  }
0x6e: {  	p2 =	seq.s32 @!p1 s18, $0x1;
	s15 =	smul.u32 @!p1 $0x3, s15  }
0x6f: {  	s18 =	simm.s32 @!p1 $0x180;
	p2 =	por !p2, p1  }
0x70: {  	s19 =	simm.s32 @!p1 $0x0;
	s18 =	simm.s32 @p2 $0x0;
	s15 =	sadd.s32 @!p1 s6, s15  }
0x71: {  	[tilespmem:s18], [sflag:$0x1] =	stream.linear.gather @!p1 [hbm4b:s15+s19], $0x180, $0x38;
	[tilespmem:$0x1E380] =	vst v63  }
.LBB2_4:
0x72: {  	_ =	swait.ge [sflag:s2], $0xA00  }
0x73: {  	[sflag:s2] =	ssyncset.done $0x0  }
0x74: {  	[sflag:s2] =	ssyncadd.s32 $0xFFFFF600  }
0x75: {  	_ =	swait.ge [sflag:s2], $0xA00  }
0x76: {  	[sflag:s2] =	ssyncset.done $0x0  }
0x77: {  	[sflag:s2] =	ssyncadd.s32 $0xFFFFF600  }
0x78: {  	_ =	swait.ge [sflag:s2], $0xA00  }
0x79: {  	[sflag:s2] =	ssyncset.done $0x0  }
0x7a: {  	[sflag:s2] =	ssyncadd.s32 $0xFFFFF600  }
0x7b: {  	_ =	swait.ge [sflag:s2], $0xA00  }
0x7c: {  	[sflag:s2] =	ssyncset.done $0x0  }
0x7d: {  	[sflag:s2] =	ssyncadd.s32 $0xFFFFF600  }
0x7e: {  	_ =	swait.ge [sflag:s2], $0xA00  }
0x7f: {  	[sflag:s2] =	ssyncset.done $0x0  }
0x80: {  	[sflag:s2] =	ssyncadd.s32 $0xFFFFF600  }
0x81: {  	_ =	swait.ge [sflag:s2], $0xA00  }
0x82: {  	[sflag:s2] =	ssyncset.done $0x0  }
0x83: {  	[sflag:s2] =	ssyncadd.s32 $0xFFFFF600  }
0x84: {  	_ =	swait.ge [sflag:s2], $0xA00  }
0x85: {  	[sflag:s2] =	ssyncset.done $0x0  }
0x86: {  	[sflag:s2] =	ssyncadd.s32 $0xFFFFF600  }
0x87: {  	_ =	swait.ge [sflag:s2], $0xA00  }
0x88: {  	[sflag:s2] =	ssyncset.done $0x0  }
0x89: {  	[sflag:s2] =	ssyncadd.s32 $0xFFFFF600  }
0x8a: {  	_ =	swait.ge [sflag:s2], $0xA00  }
0x8b: {  	[sflag:s2] =	ssyncset.done $0x0  }
0x8c: {  	[sflag:s2] =	ssyncadd.s32 $0xFFFFF600  }
0x8d: {  	_ =	swait.ge [sflag:s2], $0xA00  }
0x8e: {  	[sflag:s2] =	ssyncset.done $0x0  }
0x8f: {  	[sflag:s2] =	ssyncadd.s32 $0xFFFFF600  }
0x90: {  	_ =	swait.ge [sflag:s2], $0xA00  }
0x91: {  	[sflag:s2] =	ssyncset.done $0x0  }
0x92: {  	[sflag:s2] =	ssyncadd.s32 $0xFFFFF600  }
0x93: {  	_ =	swait.ge [sflag:s2], $0xA00  }
0x94: {  	[sflag:s2] =	ssyncset.done $0x0  }
0x95: {  	[sflag:s2] =	ssyncadd.s32 $0xFFFFF600  }
0x96: {  	_ =	swait.ge [sflag:s2], $0xA00  }
0x97: {  	[sflag:s2] =	ssyncset.done $0x0  }
0x98: {  	[sflag:s2] =	ssyncadd.s32 $0xFFFFF600  }
0x99: {  	_ =	swait.ge [sflag:s2], $0xA00  }
0x9a: {  	[sflag:s2] =	ssyncset.done $0x0  }
0x9b: {  	s15 =	simm.s32 $0x1;
	[sflag:s2] =	ssyncadd.s32 $0xFFFFF600  }
0x9c: {  	s15 =	simm.s32 @!p0 $0x0;
	_ =	swait.ge [sflag:s2], $0xA00  }
0x9d: {  	s18 =	smul.u32 $0x28000, s15;
	[sflag:s2] =	ssyncset.done $0x0  }
0x9e: {  	p1 =	slt.u32 s3, $0x2;
	[sflag:s2] =	ssyncadd.s32 $0xFFFFF600  }
0x9f: {  	s19 =	sand.u32 $0x1, s3;
	s18 =	sshrl.u32 s18, $0x2;
	_ =	swait.ge [sflag:s2], $0xA00  }
0xa0: {  	s15 =	smul.u32 $0x14000, s15;
	s21 =	sor.u32 $0x300, s18;
	[sflag:s2] =	ssyncset.done $0x0  }
0xa1: {  	s20 =	simm.s32 @!p1 $0x3;
	s19 =	smul.u32 $0x14000, s19;
	v9 =	vmov s21;
	[sflag:s2] =	ssyncadd.s32 $0xFFFFF600  }
0xa2: {  	s15 =	sshrl.u32 s15, $0x2;
	_ =	swait.ge @!p1 [sflag:s20], $0x5000  }
0xa3: {  	s19 =	sshrl.u32 s19, $0x2;
	s18 =	sadd.s32 $0x14400, s15;
	[sflag:s20] =	ssyncset.done @!p1 $0x0  }
0xa4: {  	s15 =	sadd.s32 $0x14300, s19;
	s19 =	simm.s32 $0xEC0;
	[sflag:s20] =	ssyncadd.s32 @!p1 $0xFFFFB000  }
.LBB2_5:
0xa5: {  	s20 =	sshra.s32 s19, $0x2  }
0xa6: {  	v10 =	vld.idx.msk [tilespmem:v9+s20+$0xFFFFFC50 ss:$0x1], $0xffff  }
0xa7: {  	v11 =	vld.idx.msk [tilespmem:v9+s20+$0xFFFFFC60 ss:$0x1], $0xffff  }
0xa8: {  	v12 =	vld.idx.msk [tilespmem:v9+s20+$0xFFFFFC70 ss:$0x1], $0xffff  }
0xa9: {  	v13 =	vld.idx.msk [tilespmem:v9+s20+$0xFFFFFC80 ss:$0x1], $0xffff;
	_ =	sdelay $0x3  }
0xaa: {  	v14 =	vadd.f32 v11, v10  }
0xab: {  	v15 =	vadd.f32 v13, v12;
	v16 =	vmul.f32 v10, v10;
	v17 =	vmul.f32 v11, v11  }
0xac: {  	v18 =	vmul.f32 v12, v12;
	v19 =	vmul.f32 v13, v13  }
0xad: {  	v14 =	vadd.f32 v15, v14  }
0xae: {  	v55 =	vadd.f32 v17, v16;
	v56 =	vadd.f32 v19, v18;
	_ =	sdelay $0x1  }
0xaf: {  	v15 =	vadd.f32 v56, v55;
	(xrf2) =	vadd.scan.msk.f32 $0xffff, v14;
	_ =	sdelay $0x1  }
0xb0: {  	(xrf2) =	vadd.scan.msk.f32 $0xffff, v15;
	_ =	sdelay $0x7  }
0xb1: {  	v14, _, _ =	vpop (xrf2)  }
0xb2: {  	v14 =	vperm.xlane v14, v0  }
0xb3: {  	v15, _, _ =	vpop (xrf2)  }
0xb4: {  	v15 =	vperm.xlane v15, v0;
	v14 =	vmul.f32 $1.562500000e-02, v14;
	_ =	sdelay $0x1  }
0xb5: {  	v15 =	vmul.f32 $1.562500000e-02, v15;
	v57 =	vmul.f32 v14, v14;
	_ =	sdelay $0x1  }
0xb6: {  	v15 =	vsub.f32 v15, v57;
	_ =	sdelay $0x1  }
0xb7: {  	v15 =	vadd.f32 $9.999999740e-06, v15;
	_ =	sdelay $0x1  }
0xb8: {  	v58 =	vshra.s32 v15, $0x1;
	v15 =	vmul.f32 $5.000000000e-01, v15  }
0xb9: {  	v16 =	vsub.s32 $0x5F3759DF, v58  }
0xba: {  	v59 =	vmul.f32 v16, v15;
	_ =	sdelay $0x1  }
0xbb: {  	v17 =	vmul.f32 v16, v59;
	_ =	sdelay $0x1  }
0xbc: {  	v17 =	vsub.f32 $1.500000000e+00, v17;
	_ =	sdelay $0x1  }
0xbd: {  	v16 =	vmul.f32 v16, v17;
	_ =	sdelay $0x1  }
0xbe: {  	v15 =	vmul.f32 v16, v15;
	_ =	sdelay $0x1  }
0xbf: {  	v15 =	vmul.f32 v15, v16;
	_ =	sdelay $0x1  }
0xc0: {  	v15 =	vsub.f32 $1.500000000e+00, v15;
	_ =	sdelay $0x1  }
0xc1: {  	v14 =	vsub.f32 $0.0e+00, v14;
	v15 =	vmul.f32 v15, v16;
	_ =	sdelay $0x1  }
0xc2: {  	v14 =	vmul.f32 v15, v14;
	v10 =	vmul.f32 v15, v10  }
0xc3: {  	v11 =	vmul.f32 v15, v11  }
0xc4: {  	v12 =	vmul.f32 v15, v12;
	v10 =	vadd.f32 v14, v10  }
0xc5: {  	v13 =	vmul.f32 v15, v13;
	v11 =	vadd.f32 v14, v11  }
0xc6: {  	v12 =	vadd.f32 v14, v12;
	v10 =	vmul.f32 v10, v1  }
0xc7: {  	v13 =	vadd.f32 v14, v13;
	v11 =	vmul.f32 v11, v2  }
0xc8: {  	v12 =	vmul.f32 v12, v3;
	v10 =	vadd.f32 v10, v5  }
0xc9: {  	v13 =	vmul.f32 v13, v4;
	v11 =	vadd.f32 v11, v6  }
0xca: {  	[tilespmem:s18+$0xFFFFFF00] =	vst v10;
	v10 =	vadd.f32 v12, v7  }
0xcb: {  	[tilespmem:s18+$0xFFFFFF10] =	vst v11;
	v11 =	vadd.f32 v13, v8  }
0xcc: {  	[tilespmem:s18+$0xFFFFFF20] =	vst v10  }
0xcd: {  	[tilespmem:s18+$0xFFFFFF30] =	vst v11  }
0xce: {  	v10 =	vld.idx.msk [tilespmem:v9+s20+$0xFFFFFCD0 ss:$0x1], $0xffff  }
0xcf: {  	v11 =	vld.idx.msk [tilespmem:v9+s20+$0xFFFFFCE0 ss:$0x1], $0xffff  }
0xd0: {  	v60 =	vld.idx.msk [tilespmem:v9+s20+$0xFFFFFCF0 ss:$0x1], $0xffff  }
0xd1: {  	v61 =	vld.idx.msk [tilespmem:v9+s20+$0xFFFFFD00 ss:$0x1], $0xffff;
	_ =	sdelay $0x3  }
0xd2: {  	v62 =	vadd.f32 v11, v10  }
0xd3: {  	v63 =	vadd.f32 v61, v60;
	v21 =	vmul.f32 v10, v10;
	v22 =	vmul.f32 v11, v11  }
0xd4: {  	v23 =	vmul.f32 v60, v60;
	v24 =	vmul.f32 v61, v61  }
0xd5: {  	v14 =	vadd.f32 v63, v62  }
0xd6: {  	v25 =	vadd.f32 v22, v21;
	v26 =	vadd.f32 v24, v23;
	_ =	sdelay $0x1  }
0xd7: {  	v15 =	vadd.f32 v26, v25;
	(xrf2) =	vadd.scan.msk.f32 $0xffff, v14;
	_ =	sdelay $0x1  }
0xd8: {  	(xrf2) =	vadd.scan.msk.f32 $0xffff, v15;
	_ =	sdelay $0x7  }
0xd9: {  	v14, _, _ =	vpop (xrf2)  }
0xda: {  	v14 =	vperm.xlane v14, v0  }
0xdb: {  	v15, _, _ =	vpop (xrf2)  }
0xdc: {  	v15 =	vperm.xlane v15, v0;
	v14 =	vmul.f32 $1.562500000e-02, v14;
	_ =	sdelay $0x1  }
0xdd: {  	v15 =	vmul.f32 $1.562500000e-02, v15;
	v27 =	vmul.f32 v14, v14;
	_ =	sdelay $0x1  }
0xde: {  	v15 =	vsub.f32 v15, v27;
	_ =	sdelay $0x1  }
0xdf: {  	v15 =	vadd.f32 $9.999999740e-06, v15;
	_ =	sdelay $0x1  }
0xe0: {  	v28 =	vshra.s32 v15, $0x1;
	v15 =	vmul.f32 $5.000000000e-01, v15  }
0xe1: {  	v16 =	vsub.s32 $0x5F3759DF, v28  }
0xe2: {  	v29 =	vmul.f32 v16, v15;
	_ =	sdelay $0x1  }
0xe3: {  	v17 =	vmul.f32 v16, v29;
	_ =	sdelay $0x1  }
0xe4: {  	v17 =	vsub.f32 $1.500000000e+00, v17;
	_ =	sdelay $0x1  }
0xe5: {  	v16 =	vmul.f32 v16, v17;
	_ =	sdelay $0x1  }
0xe6: {  	v15 =	vmul.f32 v16, v15;
	_ =	sdelay $0x1  }
0xe7: {  	v15 =	vmul.f32 v15, v16;
	_ =	sdelay $0x1  }
0xe8: {  	v15 =	vsub.f32 $1.500000000e+00, v15;
	_ =	sdelay $0x1  }
0xe9: {  	v14 =	vsub.f32 $0.0e+00, v14;
	v15 =	vmul.f32 v15, v16;
	_ =	sdelay $0x1  }
0xea: {  	v14 =	vmul.f32 v15, v14;
	v10 =	vmul.f32 v15, v10  }
0xeb: {  	v11 =	vmul.f32 v15, v11  }
0xec: {  	v12 =	vmul.f32 v15, v60;
	v10 =	vadd.f32 v14, v10  }
0xed: {  	v13 =	vmul.f32 v15, v61;
	v11 =	vadd.f32 v14, v11  }
0xee: {  	v12 =	vadd.f32 v14, v12;
	v10 =	vmul.f32 v10, v1  }
0xef: {  	v13 =	vadd.f32 v14, v13;
	v11 =	vmul.f32 v11, v2  }
0xf0: {  	v12 =	vmul.f32 v12, v3;
	v10 =	vadd.f32 v10, v5  }
0xf1: {  	v13 =	vmul.f32 v13, v4;
	v11 =	vadd.f32 v11, v6  }
0xf2: {  	[tilespmem:s18+$0xFFFFFF40] =	vst v10;
	v10 =	vadd.f32 v12, v7  }
0xf3: {  	[tilespmem:s18+$0xFFFFFF50] =	vst v11;
	v11 =	vadd.f32 v13, v8  }
0xf4: {  	[tilespmem:s18+$0xFFFFFF60] =	vst v10  }
0xf5: {  	[tilespmem:s18+$0xFFFFFF70] =	vst v11  }
0xf6: {  	v10 =	vld.idx.msk [tilespmem:v9+s20+$0xFFFFFD50 ss:$0x1], $0xffff  }
0xf7: {  	v11 =	vld.idx.msk [tilespmem:v9+s20+$0xFFFFFD60 ss:$0x1], $0xffff  }
0xf8: {  	v30 =	vld.idx.msk [tilespmem:v9+s20+$0xFFFFFD70 ss:$0x1], $0xffff  }
0xf9: {  	v31 =	vld.idx.msk [tilespmem:v9+s20+$0xFFFFFD80 ss:$0x1], $0xffff;
	_ =	sdelay $0x3  }
0xfa: {  	v32 =	vadd.f32 v11, v10  }
0xfb: {  	v33 =	vadd.f32 v31, v30;
	v34 =	vmul.f32 v10, v10;
	v35 =	vmul.f32 v11, v11  }
0xfc: {  	v36 =	vmul.f32 v30, v30;
	v37 =	vmul.f32 v31, v31  }
0xfd: {  	v14 =	vadd.f32 v33, v32  }
0xfe: {  	v38 =	vadd.f32 v35, v34;
	v39 =	vadd.f32 v37, v36;
	_ =	sdelay $0x1  }
0xff: {  	v15 =	vadd.f32 v39, v38;
	(xrf2) =	vadd.scan.msk.f32 $0xffff, v14;
	_ =	sdelay $0x1  }
0x100: {  	(xrf2) =	vadd.scan.msk.f32 $0xffff, v15;
	_ =	sdelay $0x7  }
0x101: {  	v14, _, _ =	vpop (xrf2)  }
0x102: {  	v14 =	vperm.xlane v14, v0  }
0x103: {  	v15, _, _ =	vpop (xrf2)  }
0x104: {  	v15 =	vperm.xlane v15, v0;
	v14 =	vmul.f32 $1.562500000e-02, v14;
	_ =	sdelay $0x1  }
0x105: {  	v15 =	vmul.f32 $1.562500000e-02, v15;
	v40 =	vmul.f32 v14, v14;
	_ =	sdelay $0x1  }
0x106: {  	v15 =	vsub.f32 v15, v40;
	_ =	sdelay $0x1  }
0x107: {  	v15 =	vadd.f32 $9.999999740e-06, v15;
	_ =	sdelay $0x1  }
0x108: {  	v41 =	vshra.s32 v15, $0x1;
	v15 =	vmul.f32 $5.000000000e-01, v15  }
0x109: {  	v16 =	vsub.s32 $0x5F3759DF, v41  }
0x10a: {  	v42 =	vmul.f32 v16, v15;
	_ =	sdelay $0x1  }
0x10b: {  	v17 =	vmul.f32 v16, v42;
	_ =	sdelay $0x1  }
0x10c: {  	v17 =	vsub.f32 $1.500000000e+00, v17;
	_ =	sdelay $0x1  }
0x10d: {  	v16 =	vmul.f32 v16, v17;
	_ =	sdelay $0x1  }
0x10e: {  	v15 =	vmul.f32 v16, v15;
	_ =	sdelay $0x1  }
0x10f: {  	v15 =	vmul.f32 v15, v16;
	_ =	sdelay $0x1  }
0x110: {  	v15 =	vsub.f32 $1.500000000e+00, v15;
	_ =	sdelay $0x1  }
0x111: {  	v14 =	vsub.f32 $0.0e+00, v14;
	v15 =	vmul.f32 v15, v16;
	_ =	sdelay $0x1  }
0x112: {  	v14 =	vmul.f32 v15, v14;
	v10 =	vmul.f32 v15, v10  }
0x113: {  	v11 =	vmul.f32 v15, v11  }
0x114: {  	v12 =	vmul.f32 v15, v30;
	v10 =	vadd.f32 v14, v10  }
0x115: {  	v13 =	vmul.f32 v15, v31;
	v11 =	vadd.f32 v14, v11  }
0x116: {  	v12 =	vadd.f32 v14, v12;
	v10 =	vmul.f32 v10, v1  }
0x117: {  	v13 =	vadd.f32 v14, v13;
	v11 =	vmul.f32 v11, v2  }
0x118: {  	v12 =	vmul.f32 v12, v3;
	v10 =	vadd.f32 v10, v5  }
0x119: {  	v13 =	vmul.f32 v13, v4;
	v11 =	vadd.f32 v11, v6  }
0x11a: {  	[tilespmem:s18+$0xFFFFFF80] =	vst v10;
	v10 =	vadd.f32 v12, v7  }
0x11b: {  	[tilespmem:s18+$0xFFFFFF90] =	vst v11;
	v11 =	vadd.f32 v13, v8  }
0x11c: {  	[tilespmem:s18+$0xFFFFFFA0] =	vst v10  }
0x11d: {  	[tilespmem:s18+$0xFFFFFFB0] =	vst v11  }
0x11e: {  	v10 =	vld.idx.msk [tilespmem:v9+s20+$0xFFFFFDD0 ss:$0x1], $0xffff  }
0x11f: {  	v11 =	vld.idx.msk [tilespmem:v9+s20+$0xFFFFFDE0 ss:$0x1], $0xffff  }
0x120: {  	v43 =	vld.idx.msk [tilespmem:v9+s20+$0xFFFFFDF0 ss:$0x1], $0xffff  }
0x121: {  	v44 =	vld.idx.msk [tilespmem:v9+s20+$0xFFFFFE00 ss:$0x1], $0xffff;
	_ =	sdelay $0x3  }
0x122: {  	v45 =	vadd.f32 v11, v10  }
0x123: {  	v46 =	vadd.f32 v44, v43;
	v47 =	vmul.f32 v10, v10;
	v48 =	vmul.f32 v11, v11  }
0x124: {  	v49 =	vmul.f32 v43, v43;
	v50 =	vmul.f32 v44, v44  }
0x125: {  	v14 =	vadd.f32 v46, v45  }
0x126: {  	v51 =	vadd.f32 v48, v47;
	v52 =	vadd.f32 v50, v49;
	_ =	sdelay $0x1  }
0x127: {  	v15 =	vadd.f32 v52, v51;
	(xrf2) =	vadd.scan.msk.f32 $0xffff, v14;
	_ =	sdelay $0x1  }
0x128: {  	(xrf2) =	vadd.scan.msk.f32 $0xffff, v15;
	_ =	sdelay $0x7  }
0x129: {  	v14, _, _ =	vpop (xrf2)  }
0x12a: {  	v14 =	vperm.xlane v14, v0  }
0x12b: {  	v15, _, _ =	vpop (xrf2)  }
0x12c: {  	v15 =	vperm.xlane v15, v0;
	v14 =	vmul.f32 $1.562500000e-02, v14;
	_ =	sdelay $0x1  }
0x12d: {  	v15 =	vmul.f32 $1.562500000e-02, v15;
	v53 =	vmul.f32 v14, v14;
	_ =	sdelay $0x1  }
0x12e: {  	v15 =	vsub.f32 v15, v53;
	_ =	sdelay $0x1  }
0x12f: {  	v15 =	vadd.f32 $9.999999740e-06, v15;
	_ =	sdelay $0x1  }
0x130: {  	v54 =	vshra.s32 v15, $0x1;
	v15 =	vmul.f32 $5.000000000e-01, v15  }
0x131: {  	v16 =	vsub.s32 $0x5F3759DF, v54  }
0x132: {  	v55 =	vmul.f32 v16, v15;
	_ =	sdelay $0x1  }
0x133: {  	v17 =	vmul.f32 v16, v55;
	_ =	sdelay $0x1  }
0x134: {  	v17 =	vsub.f32 $1.500000000e+00, v17;
	_ =	sdelay $0x1  }
0x135: {  	v16 =	vmul.f32 v16, v17;
	_ =	sdelay $0x1  }
0x136: {  	v15 =	vmul.f32 v16, v15;
	_ =	sdelay $0x1  }
0x137: {  	v15 =	vmul.f32 v15, v16;
	_ =	sdelay $0x1  }
0x138: {  	v15 =	vsub.f32 $1.500000000e+00, v15;
	_ =	sdelay $0x1  }
0x139: {  	v14 =	vsub.f32 $0.0e+00, v14;
	v15 =	vmul.f32 v15, v16;
	_ =	sdelay $0x1  }
0x13a: {  	v14 =	vmul.f32 v15, v14;
	v10 =	vmul.f32 v15, v10  }
0x13b: {  	v11 =	vmul.f32 v15, v11  }
0x13c: {  	v12 =	vmul.f32 v15, v43;
	v10 =	vadd.f32 v14, v10  }
0x13d: {  	v13 =	vmul.f32 v15, v44;
	v11 =	vadd.f32 v14, v11  }
0x13e: {  	v12 =	vadd.f32 v14, v12;
	v10 =	vmul.f32 v10, v1  }
0x13f: {  	v13 =	vadd.f32 v14, v13;
	v11 =	vmul.f32 v11, v2  }
0x140: {  	v12 =	vmul.f32 v12, v3;
	v10 =	vadd.f32 v10, v5  }
0x141: {  	v13 =	vmul.f32 v13, v4;
	v11 =	vadd.f32 v11, v6  }
0x142: {  	[tilespmem:s18+$0xFFFFFFC0] =	vst v10;
	v10 =	vadd.f32 v12, v7  }
0x143: {  	[tilespmem:s18+$0xFFFFFFD0] =	vst v11;
	v11 =	vadd.f32 v13, v8  }
0x144: {  	[tilespmem:s18+$0xFFFFFFE0] =	vst v10  }
0x145: {  	[tilespmem:s18+$0xFFFFFFF0] =	vst v11  }
0x146: {  	v10 =	vld.idx.msk [tilespmem:v9+s20+$0xFFFFFE50 ss:$0x1], $0xffff  }
0x147: {  	v11 =	vld.idx.msk [tilespmem:v9+s20+$0xFFFFFE60 ss:$0x1], $0xffff  }
0x148: {  	v56 =	vld.idx.msk [tilespmem:v9+s20+$0xFFFFFE70 ss:$0x1], $0xffff  }
0x149: {  	v57 =	vld.idx.msk [tilespmem:v9+s20+$0xFFFFFE80 ss:$0x1], $0xffff;
	_ =	sdelay $0x3  }
0x14a: {  	v58 =	vadd.f32 v11, v10  }
0x14b: {  	v59 =	vadd.f32 v57, v56;
	v60 =	vmul.f32 v10, v10;
	v61 =	vmul.f32 v11, v11  }
0x14c: {  	v62 =	vmul.f32 v56, v56;
	v63 =	vmul.f32 v57, v57  }
0x14d: {  	v14 =	vadd.f32 v59, v58  }
0x14e: {  	v20 =	vadd.f32 v61, v60;
	v21 =	vadd.f32 v63, v62;
	_ =	sdelay $0x1  }
0x14f: {  	v15 =	vadd.f32 v21, v20;
	(xrf2) =	vadd.scan.msk.f32 $0xffff, v14;
	_ =	sdelay $0x1  }
0x150: {  	(xrf2) =	vadd.scan.msk.f32 $0xffff, v15;
	_ =	sdelay $0x7  }
0x151: {  	v14, _, _ =	vpop (xrf2)  }
0x152: {  	v14 =	vperm.xlane v14, v0  }
0x153: {  	v15, _, _ =	vpop (xrf2)  }
0x154: {  	v15 =	vperm.xlane v15, v0;
	v14 =	vmul.f32 $1.562500000e-02, v14;
	_ =	sdelay $0x1  }
0x155: {  	v15 =	vmul.f32 $1.562500000e-02, v15;
	v22 =	vmul.f32 v14, v14;
	_ =	sdelay $0x1  }
0x156: {  	v15 =	vsub.f32 v15, v22;
	_ =	sdelay $0x1  }
0x157: {  	v15 =	vadd.f32 $9.999999740e-06, v15;
	_ =	sdelay $0x1  }
0x158: {  	v23 =	vshra.s32 v15, $0x1;
	v15 =	vmul.f32 $5.000000000e-01, v15  }
0x159: {  	v16 =	vsub.s32 $0x5F3759DF, v23  }
0x15a: {  	v24 =	vmul.f32 v16, v15;
	_ =	sdelay $0x1  }
0x15b: {  	v17 =	vmul.f32 v16, v24;
	_ =	sdelay $0x1  }
0x15c: {  	v17 =	vsub.f32 $1.500000000e+00, v17;
	_ =	sdelay $0x1  }
0x15d: {  	v16 =	vmul.f32 v16, v17;
	_ =	sdelay $0x1  }
0x15e: {  	v15 =	vmul.f32 v16, v15;
	_ =	sdelay $0x1  }
0x15f: {  	v15 =	vmul.f32 v15, v16;
	_ =	sdelay $0x1  }
0x160: {  	v15 =	vsub.f32 $1.500000000e+00, v15;
	_ =	sdelay $0x1  }
0x161: {  	v14 =	vsub.f32 $0.0e+00, v14;
	v15 =	vmul.f32 v15, v16;
	_ =	sdelay $0x1  }
0x162: {  	v14 =	vmul.f32 v15, v14;
	v10 =	vmul.f32 v15, v10  }
0x163: {  	v11 =	vmul.f32 v15, v11  }
0x164: {  	v12 =	vmul.f32 v15, v56;
	v10 =	vadd.f32 v14, v10  }
0x165: {  	v13 =	vmul.f32 v15, v57;
	v11 =	vadd.f32 v14, v11  }
0x166: {  	v12 =	vadd.f32 v14, v12;
	v10 =	vmul.f32 v10, v1  }
0x167: {  	v13 =	vadd.f32 v14, v13;
	v11 =	vmul.f32 v11, v2  }
0x168: {  	v12 =	vmul.f32 v12, v3;
	v10 =	vadd.f32 v10, v5  }
0x169: {  	v13 =	vmul.f32 v13, v4;
	v11 =	vadd.f32 v11, v6  }
0x16a: {  	[tilespmem:s18+$0x0] =	vst v10;
	v10 =	vadd.f32 v12, v7  }
0x16b: {  	[tilespmem:s18+$0x10] =	vst v11;
	v11 =	vadd.f32 v13, v8  }
0x16c: {  	[tilespmem:s18+$0x20] =	vst v10  }
0x16d: {  	[tilespmem:s18+$0x30] =	vst v11  }
0x16e: {  	v10 =	vld.idx.msk [tilespmem:v9+s20+$0xFFFFFED0 ss:$0x1], $0xffff  }
0x16f: {  	v11 =	vld.idx.msk [tilespmem:v9+s20+$0xFFFFFEE0 ss:$0x1], $0xffff  }
0x170: {  	v25 =	vld.idx.msk [tilespmem:v9+s20+$0xFFFFFEF0 ss:$0x1], $0xffff  }
0x171: {  	v26 =	vld.idx.msk [tilespmem:v9+s20+$0xFFFFFF00 ss:$0x1], $0xffff;
	_ =	sdelay $0x3  }
0x172: {  	v27 =	vadd.f32 v11, v10  }
0x173: {  	v28 =	vadd.f32 v26, v25;
	v29 =	vmul.f32 v10, v10;
	v30 =	vmul.f32 v11, v11  }
0x174: {  	v31 =	vmul.f32 v25, v25;
	v32 =	vmul.f32 v26, v26  }
0x175: {  	v14 =	vadd.f32 v28, v27  }
0x176: {  	v33 =	vadd.f32 v30, v29;
	v34 =	vadd.f32 v32, v31;
	_ =	sdelay $0x1  }
0x177: {  	v15 =	vadd.f32 v34, v33;
	(xrf2) =	vadd.scan.msk.f32 $0xffff, v14;
	_ =	sdelay $0x1  }
0x178: {  	(xrf2) =	vadd.scan.msk.f32 $0xffff, v15;
	_ =	sdelay $0x7  }
0x179: {  	v14, _, _ =	vpop (xrf2)  }
0x17a: {  	v14 =	vperm.xlane v14, v0  }
0x17b: {  	v15, _, _ =	vpop (xrf2)  }
0x17c: {  	v15 =	vperm.xlane v15, v0;
	v14 =	vmul.f32 $1.562500000e-02, v14;
	_ =	sdelay $0x1  }
0x17d: {  	v15 =	vmul.f32 $1.562500000e-02, v15;
	v35 =	vmul.f32 v14, v14;
	_ =	sdelay $0x1  }
0x17e: {  	v15 =	vsub.f32 v15, v35;
	_ =	sdelay $0x1  }
0x17f: {  	v15 =	vadd.f32 $9.999999740e-06, v15;
	_ =	sdelay $0x1  }
0x180: {  	v36 =	vshra.s32 v15, $0x1;
	v15 =	vmul.f32 $5.000000000e-01, v15  }
0x181: {  	v16 =	vsub.s32 $0x5F3759DF, v36  }
0x182: {  	v37 =	vmul.f32 v16, v15;
	_ =	sdelay $0x1  }
0x183: {  	v17 =	vmul.f32 v16, v37;
	_ =	sdelay $0x1  }
0x184: {  	v17 =	vsub.f32 $1.500000000e+00, v17;
	_ =	sdelay $0x1  }
0x185: {  	v16 =	vmul.f32 v16, v17;
	_ =	sdelay $0x1  }
0x186: {  	v15 =	vmul.f32 v16, v15;
	_ =	sdelay $0x1  }
0x187: {  	v15 =	vmul.f32 v15, v16;
	_ =	sdelay $0x1  }
0x188: {  	v15 =	vsub.f32 $1.500000000e+00, v15;
	_ =	sdelay $0x1  }
0x189: {  	v14 =	vsub.f32 $0.0e+00, v14;
	v15 =	vmul.f32 v15, v16;
	_ =	sdelay $0x1  }
0x18a: {  	v14 =	vmul.f32 v15, v14;
	v10 =	vmul.f32 v15, v10  }
0x18b: {  	v11 =	vmul.f32 v15, v11  }
0x18c: {  	v12 =	vmul.f32 v15, v25;
	v10 =	vadd.f32 v14, v10  }
0x18d: {  	v13 =	vmul.f32 v15, v26;
	v11 =	vadd.f32 v14, v11  }
0x18e: {  	v12 =	vadd.f32 v14, v12;
	v10 =	vmul.f32 v10, v1  }
0x18f: {  	v13 =	vadd.f32 v14, v13;
	v11 =	vmul.f32 v11, v2  }
0x190: {  	v12 =	vmul.f32 v12, v3;
	v10 =	vadd.f32 v10, v5  }
0x191: {  	v13 =	vmul.f32 v13, v4;
	v11 =	vadd.f32 v11, v6  }
0x192: {  	[tilespmem:s18+$0x40] =	vst v10;
	v10 =	vadd.f32 v12, v7  }
0x193: {  	[tilespmem:s18+$0x50] =	vst v11;
	v11 =	vadd.f32 v13, v8  }
0x194: {  	[tilespmem:s18+$0x60] =	vst v10  }
0x195: {  	[tilespmem:s18+$0x70] =	vst v11  }
0x196: {  	v10 =	vld.idx.msk [tilespmem:v9+s20+$0xFFFFFF50 ss:$0x1], $0xffff  }
0x197: {  	v11 =	vld.idx.msk [tilespmem:v9+s20+$0xFFFFFF60 ss:$0x1], $0xffff  }
0x198: {  	v38 =	vld.idx.msk [tilespmem:v9+s20+$0xFFFFFF70 ss:$0x1], $0xffff  }
0x199: {  	v39 =	vld.idx.msk [tilespmem:v9+s20+$0xFFFFFF80 ss:$0x1], $0xffff;
	_ =	sdelay $0x3  }
0x19a: {  	v40 =	vadd.f32 v11, v10  }
0x19b: {  	v41 =	vadd.f32 v39, v38;
	v42 =	vmul.f32 v10, v10;
	v43 =	vmul.f32 v11, v11  }
0x19c: {  	v44 =	vmul.f32 v38, v38;
	v45 =	vmul.f32 v39, v39  }
0x19d: {  	v14 =	vadd.f32 v41, v40  }
0x19e: {  	v46 =	vadd.f32 v43, v42;
	v47 =	vadd.f32 v45, v44;
	_ =	sdelay $0x1  }
0x19f: {  	v15 =	vadd.f32 v47, v46;
	(xrf2) =	vadd.scan.msk.f32 $0xffff, v14;
	_ =	sdelay $0x1  }
0x1a0: {  	(xrf2) =	vadd.scan.msk.f32 $0xffff, v15;
	_ =	sdelay $0x7  }
0x1a1: {  	v14, _, _ =	vpop (xrf2)  }
0x1a2: {  	v14 =	vperm.xlane v14, v0  }
0x1a3: {  	v15, _, _ =	vpop (xrf2)  }
0x1a4: {  	v15 =	vperm.xlane v15, v0;
	v14 =	vmul.f32 $1.562500000e-02, v14;
	_ =	sdelay $0x1  }
0x1a5: {  	v15 =	vmul.f32 $1.562500000e-02, v15;
	v48 =	vmul.f32 v14, v14;
	_ =	sdelay $0x1  }
0x1a6: {  	v15 =	vsub.f32 v15, v48;
	_ =	sdelay $0x1  }
0x1a7: {  	v15 =	vadd.f32 $9.999999740e-06, v15;
	_ =	sdelay $0x1  }
0x1a8: {  	v49 =	vshra.s32 v15, $0x1;
	v15 =	vmul.f32 $5.000000000e-01, v15  }
0x1a9: {  	v16 =	vsub.s32 $0x5F3759DF, v49  }
0x1aa: {  	v50 =	vmul.f32 v16, v15;
	_ =	sdelay $0x1  }
0x1ab: {  	v17 =	vmul.f32 v16, v50;
	_ =	sdelay $0x1  }
0x1ac: {  	v17 =	vsub.f32 $1.500000000e+00, v17;
	_ =	sdelay $0x1  }
0x1ad: {  	v16 =	vmul.f32 v16, v17;
	_ =	sdelay $0x1  }
0x1ae: {  	v15 =	vmul.f32 v16, v15;
	_ =	sdelay $0x1  }
0x1af: {  	v15 =	vmul.f32 v15, v16;
	_ =	sdelay $0x1  }
0x1b0: {  	v15 =	vsub.f32 $1.500000000e+00, v15;
	_ =	sdelay $0x1  }
0x1b1: {  	v14 =	vsub.f32 $0.0e+00, v14;
	v15 =	vmul.f32 v15, v16;
	_ =	sdelay $0x1  }
0x1b2: {  	v14 =	vmul.f32 v15, v14;
	v10 =	vmul.f32 v15, v10  }
0x1b3: {  	v11 =	vmul.f32 v15, v11  }
0x1b4: {  	v12 =	vmul.f32 v15, v38;
	v10 =	vadd.f32 v14, v10  }
0x1b5: {  	v13 =	vmul.f32 v15, v39;
	v11 =	vadd.f32 v14, v11  }
0x1b6: {  	v12 =	vadd.f32 v14, v12;
	v10 =	vmul.f32 v10, v1  }
0x1b7: {  	v13 =	vadd.f32 v14, v13;
	v11 =	vmul.f32 v11, v2  }
0x1b8: {  	v12 =	vmul.f32 v12, v3;
	v10 =	vadd.f32 v10, v5  }
0x1b9: {  	v13 =	vmul.f32 v13, v4;
	v11 =	vadd.f32 v11, v6  }
0x1ba: {  	[tilespmem:s18+$0x80] =	vst v10;
	v10 =	vadd.f32 v12, v7  }
0x1bb: {  	[tilespmem:s18+$0x90] =	vst v11;
	v11 =	vadd.f32 v13, v8  }
0x1bc: {  	[tilespmem:s18+$0xA0] =	vst v10  }
0x1bd: {  	[tilespmem:s18+$0xB0] =	vst v11  }
0x1be: {  	v10 =	vld.idx.msk [tilespmem:v9+s20+$0xFFFFFFD0 ss:$0x1], $0xffff  }
0x1bf: {  	v11 =	vld.idx.msk [tilespmem:v9+s20+$0xFFFFFFE0 ss:$0x1], $0xffff  }
0x1c0: {  	v51 =	vld.idx.msk [tilespmem:v9+s20+$0xFFFFFFF0 ss:$0x1], $0xffff  }
0x1c1: {  	v52 =	vld.idx.msk [tilespmem:v9+s20+$0x0 ss:$0x1], $0xffff;
	_ =	sdelay $0x3  }
0x1c2: {  	v53 =	vadd.f32 v11, v10  }
0x1c3: {  	v54 =	vadd.f32 v52, v51;
	v55 =	vmul.f32 v10, v10;
	v56 =	vmul.f32 v11, v11  }
0x1c4: {  	v57 =	vmul.f32 v51, v51;
	v58 =	vmul.f32 v52, v52  }
0x1c5: {  	v14 =	vadd.f32 v54, v53  }
0x1c6: {  	v59 =	vadd.f32 v56, v55;
	v60 =	vadd.f32 v58, v57;
	_ =	sdelay $0x1  }
0x1c7: {  	v15 =	vadd.f32 v60, v59;
	(xrf2) =	vadd.scan.msk.f32 $0xffff, v14;
	_ =	sdelay $0x1  }
0x1c8: {  	(xrf2) =	vadd.scan.msk.f32 $0xffff, v15;
	_ =	sdelay $0x7  }
0x1c9: {  	v14, _, _ =	vpop (xrf2)  }
0x1ca: {  	v14 =	vperm.xlane v14, v0  }
0x1cb: {  	v15, _, _ =	vpop (xrf2)  }
0x1cc: {  	v15 =	vperm.xlane v15, v0;
	v14 =	vmul.f32 $1.562500000e-02, v14;
	_ =	sdelay $0x1  }
0x1cd: {  	v15 =	vmul.f32 $1.562500000e-02, v15;
	v61 =	vmul.f32 v14, v14;
	_ =	sdelay $0x1  }
0x1ce: {  	v15 =	vsub.f32 v15, v61;
	_ =	sdelay $0x1  }
0x1cf: {  	v15 =	vadd.f32 $9.999999740e-06, v15;
	_ =	sdelay $0x1  }
0x1d0: {  	v62 =	vshra.s32 v15, $0x1;
	v15 =	vmul.f32 $5.000000000e-01, v15  }
0x1d1: {  	v16 =	vsub.s32 $0x5F3759DF, v62  }
0x1d2: {  	v63 =	vmul.f32 v16, v15;
	_ =	sdelay $0x1  }
0x1d3: {  	v17 =	vmul.f32 v16, v63;
	_ =	sdelay $0x1  }
0x1d4: {  	v17 =	vsub.f32 $1.500000000e+00, v17;
	_ =	sdelay $0x1  }
0x1d5: {  	v16 =	vmul.f32 v16, v17;
	_ =	sdelay $0x1  }
0x1d6: {  	v15 =	vmul.f32 v16, v15;
	_ =	sdelay $0x1  }
0x1d7: {  	v15 =	vmul.f32 v15, v16;
	_ =	sdelay $0x1  }
0x1d8: {  	v15 =	vsub.f32 $1.500000000e+00, v15;
	_ =	sdelay $0x1  }
0x1d9: {  	v14 =	vsub.f32 $0.0e+00, v14;
	v15 =	vmul.f32 v15, v16;
	_ =	sdelay $0x1  }
0x1da: {  	v14 =	vmul.f32 v15, v14;
	v10 =	vmul.f32 v15, v10  }
0x1db: {  	v11 =	vmul.f32 v15, v11  }
0x1dc: {  	v12 =	vmul.f32 v15, v51;
	v10 =	vadd.f32 v14, v10  }
0x1dd: {  	v13 =	vmul.f32 v15, v52;
	v11 =	vadd.f32 v14, v11  }
0x1de: {  	v12 =	vadd.f32 v14, v12;
	v10 =	vmul.f32 v10, v1  }
0x1df: {  	v13 =	vadd.f32 v14, v13;
	v11 =	vmul.f32 v11, v2  }
0x1e0: {  	p1 =	sne.s32 s19, $0x27EC0;
	v12 =	vmul.f32 v12, v3;
	v10 =	vadd.f32 v10, v5  }
.Ltmp1:
0x1e1: {  	v13 =	vmul.f32 v13, v4;
	v11 =	vadd.f32 v11, v6;
	(pc) =	sbr.rel @p1 .LBB2_5-.Ltmp1, $4  }
0x1e2: {  	[tilespmem:s18+$0xC0] =	vst v10;
	v10 =	vadd.f32 v12, v7  }
0x1e3: {  	[tilespmem:s18+$0xD0] =	vst v11;
	v11 =	vadd.f32 v13, v8  }
0x1e4: {  	[tilespmem:s18+$0xE0] =	vst v10  }
0x1e5: {  	s19 =	sadd.s32 $0x1000, s19;
	[tilespmem:s18+$0xF0] =	vst v11;
	s18 =	sadd.s32 $0x200, s18  }
0x1e6: {  	s3 =	smul.u32 $0x140, s3  }
0x1e7: {  	p1 =	sne.s32 s13, $0x20  }
.Ltmp2:
0x1e8: {  	s3 =	sadd.s32 s9, s3;
	(pc) =	sbr.rel @p1 .LBB2_2-.Ltmp2, $4  }
0x1e9: {  	s3 =	sshll.u32 s3, $0x3  }
0x1ea: {  	s3 =	sadd.s32 s4, s3  }
0x1eb: {  	[hbm4b:s3+s5] =	stream.linear.scatter [tilespmem:s15], [sflag:$0x3], $0x5000, $0x38;
	[tilespmem:$0x1E380] =	vst v63  }
0x1ec: {  	p0 =	por !p0, !p0;
	s3 =	smov.u32 s13  }
0x1ed: {  	s1 =	sadd.s32 $0x1, s1  }
0x1ee: {  	_ =	swait.ge [sflag:s0], $0x5000;
	p0 =	sne.s32 s1, s12  }
.Ltmp3:
0x1ef: {  	[sflag:s0] =	ssyncset.done $0x0;
	(pc) =	sbr.rel @p0 .LBB2_1-.Ltmp3, $4  }
0x1f0: {  	[sflag:s0] =	ssyncadd.s32 $0xFFFFB000  }
0x1f1: {  	_ =	swait.ge [sflag:s0], $0x5000  }
0x1f2: {  	[sflag:s0] =	ssyncset.done $0x0  }
0x1f3: {  	[sflag:s0] =	ssyncadd.s32 $0xFFFFB000  }
0x1f4: {  	_ =	sfence.sel $0x180000  }
0x1f5: {  	[bflag:$0x0] =	sbarrier.arrive $0xFFFF  }
0x1f6: {  	_ =	strace $0x90000047  }
0x1f7: {  	s0 =	stileid.u32;
	[bflag:$0x2] =	sbarrier.arrive $0xFFFF  }
0x1f8: {  	p0 =	sne.s32 s0, $0x0;
	s0 =	rddreg [dreg:$0x4]  }
0x1f9: {  	s0 =	sadd.s32 @!p0 $0x100000, s0  }
0x1fa: {  	[sflag:s0] =	ssyncadd.tile.s32 @!p0 $0x1;
	_ =	shalt  }
.Lfunc_end2:
_tile_overlayer_lowered:
.L_overlay_start_2:
0x1fb: {  	(tag) =	ssettag $0x2  }
0x1fc: {  	s0 =	rddreg [dreg:$0x0];
	s2 =	stileid.u32  }
0x1fd: {  	s1 =	rddreg [dreg:$0x1];
	p0 =	sne.s32 s2, $0x0  }
0x1fe: {  	s3 =	rddreg [dreg:$0x2];
	[bflag:$0x3] =	sbarrier.arrive $0xFFFF;
	s2 =	simm.s32 @!p0 $0x1C04  }
0x1ff: {  	[timem:s3], [sflag:s2] =	dma.local @!p0 [hbm:s0], s1  }
0x200: {  	s0 =	simm.s32 @!p0 $0x4  }
0x201: {  	_ =	swait.ge @!p0 [sflag:s0], s1  }
0x202: {  	s1 =	ssub.s32 @!p0 $0x0, s1;
	[sflag:s0] =	ssyncset.done @!p0 $0x0  }
0x203: {  	[sflag:s0] =	ssyncadd.s32 @!p0 s1  }
0x204: {  	[bflag:$0x3] =	sbarrier.arrive $0xFFFF  }
0x205: {  	_ =	shalt  }

// kernel: sparse-core-data-format-call.cloned.1.call-start
scs
called_computation_lowered:
.L_overlay_start_0:
0x0: {  	s2 =	sld [smem:$0x3FD9]  }
0x1: {  	s3 =	sld [smem:$0x3FFE];
	_ =	sdelay $0x1  }
0x2: {  	s1 =	srdreg.scid  }
0x3: {  	s0 =	sand.u32 $0x1, s1  }
0x4: {  	s18 =	sshll.u32 s0, $0xA;
	s2 =	sadd.s32 s3, s2  }
0x5: {  	s2 =	sadd.s32 s2, s18  }
0x6: {  	[smem:$0x3FC4] =	sst s2  }
0x7: {  	_ = 	snop  }
0x8: {  	s2 =	sld [smem:$0x3FD0];
	(tm) =	ssettm $0x1  }
0x9: {  	s19 =	sld [smem:$0x3FFB];
	_ =	sdelay $0x3  }
0xa: {  	_ =	strace s19  }
0xb: {  	s3 =	sld [smem:$0x3FFC];
	_ =	sdelay $0x3  }
0xc: {  	_ =	strace s3  }
0xd: {  	s3 =	sld [smem:$0x3FFD];
	_ =	sdelay $0x3  }
0xe: {  	_ =	strace s3  }
0xf: {  	_ =	strace $0x8FFFFFFF  }
0x10: {  	s20 =	sld [smem:$0x3FDB];
	_ =	sdelay $0x1  }
0x11: {  	s4 =	simm.s32 $_scs_section_size  }
0x12: {  	s5 =	simm.s32 $_size__tile_overlayer_lowered;
	s6 =	simm.s32 $_tile_overlayer_lowered  }
0x13: {  	s23 =	simm.s32 $0x1BFF;
	s22 =	sshll.u32 s6, $0x1;
	s3 =	sadd.s32 s4, s20  }
0x14: {  	s7 =	simm.s32 $0x0;
	s21 =	sshll.u32 s5, $0x1;
	s5 =	sadd.s32 s22, s3  }
0x15: {  	[timem:s7], [sflag:s23] =	dma.local [hbm:s5], s21  }
0x16: {  	_ =	swait.ge [sflag:s23], s21  }
0x17: {  	s4 =	ssub.s32 $0x0, s21;
	[sflag:s23] =	ssyncset.done $0x0  }
0x18: {  	[sflag:s23] =	ssyncadd.s32 s4;
	_ =	sdelay $0x1  }
0x19: {  	s24 =	simm.s32 $0x1B8B  }
0x1a: {  	_ =	swait.ge [sflag:s24], $0x1  }
0x1b: {  	[sflag:s24] =	ssyncset.done $0x0  }
0x1c: {  	s26 =	simm.s32 $0x1B8E;
	s25 =	sld [smem:$0x3FFE];
	[sflag:s24] =	ssyncadd.s32 $0xFFFFFFFF  }
0x1d: {  	s27 =	simm.s32 $execute0_lowered;
	[smem:$0x3FD2] =	sst s26  }
0x1e: {  	s5 =	sshll.u32 s27, $0x1;
	_ =	strace $0x80000049;
	[dreg:$0x1] =	wrdreg $0xFFFFFFFF  }
0x1f: {  	s28 =	simm.s32 $_size_execute0_lowered;
	s3 =	sadd.s32 s3, s5;
	[dreg:$0x0] =	wrdreg $0x0  }
0x20: {  	s5 =	sshll.u32 s28, $0x1;
	[dreg:$0x2] =	wrdreg s3  }
0x21: {  	[dreg:$0x3] =	wrdreg s5  }
0x22: {  	[dreg:$0x4] =	wrdreg $0xC0  }
0x23: {  	_ =	task [dreg:s7], $0x5FFFF  }
0x24: {  	[dreg:$0x1] =	wrdreg $0xFFFFFFFF  }
0x25: {  	[dreg:$0x0] =	wrdreg $0x60  }
0x26: {  	[dreg:$0x2] =	wrdreg s25  }
0x27: {  	[dreg:$0x3] =	wrdreg s2  }
0x28: {  	[dreg:$0x4] =	wrdreg $0x9  }
0x29: {  	_ =	task.clear_ibuf [dreg:s7], $0x5FFFF;
	_ =	strace $0x90000049  }
0x2a: {  	s29 =	simm.s32 $0x9;
	_ =	strace $0x8000004B  }
0x2b: {  	_ =	swait.ge [sflag:s29], $0x1  }
0x2c: {  	[sflag:s29] =	ssyncadd.s32 $0xFFFFFFFF  }
0x2d: {  	_ =	strace $0x9000004B  }
0x2e: {  	_ =	sfence  }
0x2f: {  	s30 =	sld [smem:$0x0];
	_ =	sdelay $0x2  }
0x30: {  	s31 =	sshll.u32 s1, $0xD;
	s1 =	sshrl.u32 s1, $0x2  }
0x31: {  	s3 =	sand.u32 $0x4000, s31;
	s1 =	sadd.s32 s1, s30  }
0x32: {  	s0 =	sor.u32 s3, s0;
	s1 =	sshll.u32 s1, $0x11  }
0x33: {  	s0 =	sor.u32 s1, s0  }
0x34: {  	s0 =	sadd.s32 $0x8F2B, s0  }
0x35: {  	[sflag:s0] =	ssyncadd.remote.s32 $0x1  }
0x36: {  	_ =	sfence.sel $0xFFFF  }
0x37: {  	[dreg:$0x0] =	wrdreg $0xFFFFFFFF;
	(pc) =	sbr.abs _section_cstart, $3  }
0x38: {  	[dreg:$0x1] =	wrdreg $0xFFFFFFFF  }
0x39: {  	_ =	task.clear_ibuf [dreg:s7], $0x2FFFF;
	_ =	strace $0x9FFFFFFF  }
0x3a: {  	(tm) =	ssettm $0x7FFFFFFF  }
0x3b: {  	_ =	shalt  }
tec
execute0_lowered:
.L_overlay_start_1:
0x0: {  	(tag) =	ssettag $0x1  }
0x1: {  	s0 =	srdreg.scid  }
0x2: {  	s1 =	sshll.u32 s0, $0x4  }
0x3: {  	s0 =	stileid.u32;
	s1 =	sand.u32 $0x10, s1  }
0x4: {  	s1 =	sor.u32 s0, s1  }
0x5: {  	s6 =	rddreg [dreg:$0x0];
	s4 =	simm.s32 $0x1;
	s2 =	sshll.u32 s1, $0x7  }
0x6: {  	s7 =	simm.s32 $0x2;
	s12 =	simm.s32 $0x0;
	s1 =	ssub.s32 $0x4000, s2  }
0x7: {  	s8 =	simm.s32 $0x20000;
	s13 =	simm.s32 $0x0;
	s3 =	sand.u32 $0xF80, s1  }
0x8: {  	s9 =	simm.s32 $0x0;
	s5 =	sshrl.u32 s1, $0xC;
	p0 =	sne.s32 s3, $0x0  }
.Ltmp0:
0x9: {  	s1 =	rddreg [dreg:$0x2];
	s4 =	simm.s32 @!p0 $0x0;
	(pc) =	sbr.rel .LBB1_1-.Ltmp0, $4  }
0xa: {  	s11 =	simm.s32 $0x0;
	s3 =	rddreg [dreg:$0x1];
	s5 =	sadd.s32 s4, s5  }
0xb: {  	_ =	strace $0x8000004A;
	s4 =	simm.s32 $0x1;
	s5 =	smul.u32 $0x14, s5  }
0xc: {  	s6 =	sadd.s32 $0xA00, s6;
	s10 =	smov.u32 s2;
	[sflag:s4] =	ssyncpa.u1 $0x0  }
0xd: {  	p0 =	por $0x0, $0x0;
	[sflag:s7] =	ssyncpa.u1 $0x0;
	s7 =	sor.u32 $0x1, s5  }
.LBB1_4:
0xe: {  	s16 =	sshll.u32 s13, $0x3;
	s17 =	sand.u32 $0x78, s13  }
0xf: {  	s30 =	sand.u32 $0x1F800, s13;
	s12 =	sshll.u32 s12, $0x11;
	s16 =	sand.u32 $0x3C00, s16  }
0x10: {  	[tilespmem:s15+$0x810 ss:$0x81] =	vst.msk $0xffff, v2;
	s31 =	sand.u32 $0x7, s13;
	s16 =	sor.u32 s17, s16;
	s17 =	sadd.s32 s3, s30  }
0x11: {  	[tilespmem:s15+$0x1020 ss:$0x81] =	vst.msk $0xffff, v0;
	s13 =	sshll.u32 s31, $0x12;
	s12 =	sadd.s32 s12, s17;
	s16 =	sshrl.u32 s16, $0x3  }
0x12: {  	[tilespmem:s15+$0x0 ss:$0x81] =	vst.msk $0xffff, v1;
	s13 =	sor.u32 $0x400, s13;
	s12 =	sadd.s32 s16, s12  }
0x13: {  	[hbm4b:s12+s13] =	stream.strided.scatter [tilespmem:s14], [sflag:$0x2], $0x2000, s8, s13, $0x20;
	[tilespmem:$0x8080] =	vst v63  }
.LBB1_5:
0x14: {  	s14 =	sadd.s32 $0x1, s9  }
0x15: {  	s12 =	sadd.s32 $0x1000, s10;
	s16 =	smov.u32 s10;
	p2 =	sgt.s32 s14, $0x13  }
0x16: {  	s16 =	smov.u32 @p2 s12  }
0x17: {  	s14 =	simm.s32 @p2 $0x0;
	p2 =	sgt.s32 s16, $0x3FFF  }
0x18: {  	s16 =	smov.u32 @p2 s2;
	p2 =	sne.s32 s11, s7  }
.Ltmp1:
0x19: {  	p1 =	slt.u32 s11, $0x2;
	(pc) =	sbr.rel @!p2 .LBB1_6-.Ltmp1, $4  }
0x1a: {  	s15 =	simm.s32 @!p1 $0x2  }
0x1b: {  	s13 =	smov.u32 s10;
	p0 =	por !p0, !p0;
	_ =	swait.ge @!p1 [sflag:s15], $0x2000  }
0x1c: {  	s12 =	smov.u32 s9;
	[sflag:s15] =	ssyncset.done @!p1 $0x0;
	s9 =	smov.u32 s14  }
0x1d: {  	s11 =	sadd.s32 $0x1, s11;
	[sflag:s15] =	ssyncadd.s32 @!p1 $0xFFFFE000;
	s10 =	smov.u32 s16  }
.LBB1_1:
0x1e: {  	p1 =	sge.u32 s11, s5  }
0x1f: {  	s14 =	sand.u32 @!p1 $0x1FFFFFF, s9  }
0x20: {  	s15 =	smulhi.u32 @!p1 $0xAAAAAAB, s14;
	_ =	sdelay $0x1  }
0x21: {  	s15 =	smul.u32 @!p1 $0x18, s15  }
0x22: {  	s16 =	sxor.u32 @!p1 $0xFFFFFFFF, s11;
	s17 =	smul.u32 @!p1 $0x180, s10  }
0x23: {  	s31 =	sadd.s32 $0xFFFFFFFF, s11;
	s16 =	sshll.u32 @!p1 s16, $0xD;
	s14 =	ssub.s32 @!p1 s14, s15  }
0x24: {  	s15 =	sand.u32 @!p1 $0x2000, s16;
	s16 =	sadd.s32 @!p1 s6, s17;
	s14 =	sshll.u32 @!p1 s14, $0x4  }
0x25: {  	s17 =	simm.s32 @!p1 $0xC00;
	s14 =	sadd.s32 @!p1 s14, s16;
	s16 =	simm.s32 @!p1 $0x40  }
0x26: {  	[tilespmem:s15], [sflag:$0x1] =	stream.strided.gather @!p1 [hbm4b:s14+s16], $0x2000, s17, s16, $0x38;
	[tilespmem:$0x8080] =	vst v63  }
0x27: {  	p1 =	sge.u32 s31, s5  }
.Ltmp2:
0x28: {  	_ = 	snop;
	(pc) =	sbr.rel @p1 .LBB1_5-.Ltmp2, $1  }
0x29: {  	_ =	sdelay $0x3  }
0x2a: {  	s14 =	simm.s32 $0x1  }
0x2b: {  	_ =	swait.ge [sflag:s4], $0x2000;
	s14 =	simm.s32 @!p0 $0x0  }
0x2c: {  	[sflag:s4] =	ssyncset.done $0x0;
	s15 =	sshll.u32 s14, $0xD  }
0x2d: {  	[sflag:s4] =	ssyncadd.s32 $0xFFFFE000;
	s18 =	sor.u32 $0x20, s15  }
0x2e: {  	s14 =	smul.u32 $0x8100, s14;
	v3 =	vld [tilespmem:s18+$0x10]  }
0x2f: {  	s30 =	sand.u32 $0x1, s11;
	v2 =	vld [tilespmem:s18+$0xFFFFFFF0]  }
0x30: {  	s15 =	smul.u32 $0x8100, s30;
	s14 =	sshrl.u32 s14, $0x2;
	v0 =	vld [tilespmem:s18+$0x0]  }
0x31: {  	v1 =	vld [tilespmem:s18+$0xFFFFFFE0];
	s16 =	sor.u32 $0x4000, s14  }
0x32: {  	s31 =	sshrl.u32 s15, $0x2;
	s15 =	sadd.s32 $0x0, s16  }
0x33: {  	s17 =	simm.s32 $0x4;
	s18 =	sadd.s32 $0x40, s18;
	s14 =	sor.u32 $0x4000, s31;
	[tilespmem:s15+$0x1830 ss:$0x81] =	vst.msk $0xffff, v3  }
.LBB1_3:
0x34: {  	v3 =	vld [tilespmem:s18+$0x10];
	p1 =	sne.s32 s17, $0x1FC;
	[tilespmem:s15+$0x810 ss:$0x81] =	vst.msk $0xffff, v2;
	s19 =	smov.u32 s17;
	s17 =	sadd.s32 $0x4, s17  }
.Ltmp3:
0x35: {  	v2 =	vld [tilespmem:s18+$0xFFFFFFF0];
	[tilespmem:s15+$0x1020 ss:$0x81] =	vst.msk $0xffff, v0;
	(pc) =	sbr.rel @p1 .LBB1_3-.Ltmp3, $4  }
0x36: {  	v0 =	vld [tilespmem:s18+$0x0];
	[tilespmem:s15+$0x0 ss:$0x81] =	vst.msk $0xffff, v1  }
0x37: {  	s15 =	sshra.s32 s19, $0x2;
	v1 =	vld [tilespmem:s18+$0xFFFFFFE0]  }
0x38: {  	s15 =	sadd.s32 s15, s16  }
0x39: {  	s18 =	sadd.s32 $0x40, s18;
	[tilespmem:s15+$0x1830 ss:$0x81] =	vst.msk $0xffff, v3  }
.Ltmp4:
0x3a: {  	_ = 	snop;
	(pc) =	sbr.rel .LBB1_4-.Ltmp4, $1  }
0x3b: {  	_ =	sdelay $0x3  }
.LBB1_6:
0x3c: {  	_ =	sfence.sel $0x180000  }
0x3d: {  	s2 =	simm.s32 $0x1;
	[bflag:$0x0] =	sbarrier.arrive $0xFFFF  }
0x3e: {  	s31 =	simm.s32 $0x2;
	[sflag:s2] =	ssyncpa.u1 $0x1  }
0x3f: {  	[sflag:s31] =	ssyncpa.u1 $0x1  }
0x40: {  	p0 =	sne.s32 s0, $0x0;
	_ =	strace $0x9000004A  }
0x41: {  	s0 =	sadd.s32 @!p0 $0x100000, s1;
	[bflag:$0x2] =	sbarrier.arrive $0xFFFF  }
0x42: {  	[sflag:s0] =	ssyncadd.tile.s32 @!p0 $0x1;
	_ =	shalt  }
.Lfunc_end1:
_tile_overlayer_lowered:
.L_overlay_start_2:
0x43: {  	(tag) =	ssettag $0x2  }
0x44: {  	s0 =	rddreg [dreg:$0x0];
	s2 =	stileid.u32  }
0x45: {  	s1 =	rddreg [dreg:$0x1];
	p0 =	sne.s32 s2, $0x0  }
0x46: {  	s3 =	rddreg [dreg:$0x2];
	[bflag:$0x3] =	sbarrier.arrive $0xFFFF;
	s2 =	simm.s32 @!p0 $0x1C01  }
0x47: {  	[timem:s3], [sflag:s2] =	dma.local @!p0 [hbm:s0], s1  }
0x48: {  	s0 =	simm.s32 @!p0 $0x1  }
0x49: {  	_ =	swait.ge @!p0 [sflag:s0], s1  }
0x4a: {  	s1 =	ssub.s32 @!p0 $0x0, s1;
	[sflag:s0] =	ssyncset.done @!p0 $0x0  }
0x4b: {  	[sflag:s0] =	ssyncadd.s32 @!p0 s1  }
0x4c: {  	[bflag:$0x3] =	sbarrier.arrive $0xFFFF  }
0x4d: {  	_ =	shalt  }

</sc_bundles>
